<compile_context>
chip_gen: v7x
topology: tpu7x:2x2x1
jax: 0.10.2.dev20260603
libtpu: 0.0.44.dev20260713+nightly
codegen_flags: <defaults>
</compile_context>

<pallas_src>
import functools

import jax
import jax.numpy as jnp
from jax import lax
from jax.experimental import pallas as pl
from jax.experimental.pallas import tpu as pltpu
from jax.experimental.pallas import tpu_sc as plsc

NS = 16
NC = 2
WIN = 128
NPAD = 16

_HI = lax.Precision.HIGHEST


def _dot(a, b):
    return jnp.dot(a, b, preferred_element_type=jnp.float32, precision=_HI)


def _mesh():
    return plsc.VectorSubcoreMesh(core_axis_name="c", subcore_axis_name="s")


def _split8(n):
    rps = -(-n // (NS * 8)) * 8
    return rps, n - (NS - 1) * rps


def _chunked(s, n, fn):
    rps, last = _split8(n)

    @pl.when(s < NS - 1)
    def _():
        fn(s * rps, rps)

    @pl.when(s == NS - 1)
    def _():
        fn((NS - 1) * rps, last)



@functools.lru_cache(None)
def _sc_degree(n, e_pad):
    epw = e_pad // NS
    nwin = epw // WIN
    rz, _ = _split8(n + NPAD)

    @functools.partial(
        pl.kernel, mesh=_mesh(),
        out_type=jax.ShapeDtypeStruct((2 * n, 128), jnp.float32),
        scratch_types=[
            pltpu.VMEM_SHARED((n + NPAD, 128), jnp.float32),
            pltpu.VMEM((WIN,), jnp.int32),
            pltpu.VMEM((WIN,), jnp.int32),
            pltpu.VMEM((WIN, 128), jnp.float32),
            pltpu.SemaphoreType.DMA,
            pltpu.SemaphoreType.DMA,
        ])
    def deg_kernel(dst_hbm, ones_hbm, zeros_hbm, deg_hbm, acc,
                   dv0, dv1, ones_v, si0, si1):
        c = lax.axis_index("c")
        s = lax.axis_index("s")
        base0 = c * e_pad + s * epw

        def idx_start(w, dv, sem):
            pltpu.async_copy(dst_hbm.at[pl.ds(base0 + w * WIN, WIN)], dv, sem)

        def idx_wait(w, dv, sem):
            pltpu.make_async_copy(dst_hbm.at[pl.ds(base0 + w * WIN, WIN)],
                                  dv, sem).wait()

        _chunked(s, n + NPAD,
                 lambda off, sz: pltpu.sync_copy(zeros_hbm.at[pl.ds(0, sz)],
                                                 acc.at[pl.ds(off, sz)]))
        pltpu.sync_copy(ones_hbm, ones_v)
        plsc.subcore_barrier()

        idx_start(0, dv0, si0)

        @pl.loop(0, nwin, step=2)
        def _(w):
            idx_wait(w, dv0, si0)
            idx_start(w + 1, dv1, si1)
            pltpu.sync_copy(ones_v, acc.at[dv0], add=True)
            idx_wait(w + 1, dv1, si1)

            @pl.when(w + 2 < nwin)
            def _():
                idx_start(w + 2, dv0, si0)

            pltpu.sync_copy(ones_v, acc.at[dv1], add=True)

        plsc.subcore_barrier()
        _chunked(s, n,
                 lambda off, sz: pltpu.sync_copy(
                     acc.at[pl.ds(off, sz)],
                     deg_hbm.at[pl.ds(c * n + off, sz)]))

    return deg_kernel


@functools.lru_cache(None)
def _sc_agg(n, e_pad, f):
    epw = e_pad // NS
    nwin = epw // WIN

    @functools.partial(
        pl.kernel, mesh=_mesh(),
        out_type=jax.ShapeDtypeStruct((2 * n, f), jnp.float32),
        scratch_types=[
            pltpu.VMEM_SHARED((n + NPAD, f), jnp.float32),
            pltpu.VMEM((WIN,), jnp.int32),
            pltpu.VMEM((WIN,), jnp.int32),
            pltpu.VMEM((WIN,), jnp.int32),
            pltpu.VMEM((WIN,), jnp.int32),
            pltpu.VMEM((WIN, f), jnp.float32),
            pltpu.VMEM((WIN, f), jnp.float32),
            pltpu.SemaphoreType.DMA,
            pltpu.SemaphoreType.DMA,
            pltpu.SemaphoreType.DMA,
            pltpu.SemaphoreType.DMA,
        ])
    def agg_kernel(y_hbm, src_hbm, dst_hbm, out_hbm, acc,
                   sv0, dv0, sv1, dv1, rows0, rows1, si0, si1, sg0, sg1):
        c = lax.axis_index("c")
        s = lax.axis_index("s")
        base0 = c * e_pad + s * epw

        def idx_start(w, sv, dv, sem):
            pltpu.async_copy(src_hbm.at[pl.ds(base0 + w * WIN, WIN)], sv, sem)
            pltpu.async_copy(dst_hbm.at[pl.ds(base0 + w * WIN, WIN)], dv, sem)

        def idx_wait(w, sv, dv, sem):
            pltpu.make_async_copy(src_hbm.at[pl.ds(base0 + w * WIN, WIN)],
                                  sv, sem).wait()
            pltpu.make_async_copy(dst_hbm.at[pl.ds(base0 + w * WIN, WIN)],
                                  dv, sem).wait()

        _chunked(s, n,
                 lambda off, sz: pltpu.sync_copy(
                     y_hbm.at[pl.ds(c * n + off, sz)],
                     acc.at[pl.ds(off, sz)]))
        plsc.subcore_barrier()

        idx_start(0, sv0, dv0, si0)
        idx_wait(0, sv0, dv0, si0)
        idx_start(1, sv1, dv1, si1)
        pltpu.async_copy(y_hbm.at[sv0], rows0, sg0)

        @pl.loop(0, nwin, step=2)
        def _(w):
            pltpu.make_async_copy(y_hbm.at[sv0], rows0, sg0).wait()
            idx_wait(w + 1, sv1, dv1, si1)
            pltpu.async_copy(y_hbm.at[sv1], rows1, sg1)
            pltpu.sync_copy(rows0, acc.at[dv0], add=True)

            @pl.when(w + 2 < nwin)
            def _():
                idx_start(w + 2, sv0, dv0, si0)

            pltpu.make_async_copy(y_hbm.at[sv1], rows1, sg1).wait()

            @pl.when(w + 2 < nwin)
            def _():
                idx_wait(w + 2, sv0, dv0, si0)
                pltpu.async_copy(y_hbm.at[sv0], rows0, sg0)

            pltpu.sync_copy(rows1, acc.at[dv1], add=True)

            @pl.when(w + 3 < nwin)
            def _():
                idx_start(w + 3, sv1, dv1, si1)

        plsc.subcore_barrier()
        _chunked(s, n,
                 lambda off, sz: pltpu.sync_copy(
                     acc.at[pl.ds(off, sz)],
                     out_hbm.at[pl.ds(c * n + off, sz)]))

    return agg_kernel



def _full(shape):
    return pl.BlockSpec(shape, lambda i: (0, 0))


def _rows(r, k):
    return pl.BlockSpec((r, k), lambda i: (i, 0))


def _row_block(m):
    for r in (1000, 2000, 504, 8):
        if m % r == 0:
            return r
    return m


@functools.lru_cache(None)
def _tc_pre(m):
    r = _row_block(m)

    def body(x_ref, f_ref, w0, b0, w1, b1, w2, b2, out_ref):
        nb = jnp.maximum(_dot(x_ref[...], w0[...]) + b0[...], 0.0)
        pb = jnp.maximum(_dot(f_ref[...], w1[...]) + b1[...], 0.0)
        pb = jnp.maximum(_dot(pb, w2[...]) + b2[...], 0.0)
        out_ref[...] = jnp.concatenate([nb, pb], axis=1)

    return pl.pallas_call(
        body,
        grid=(m // r,),
        in_specs=[_rows(r, 3), _rows(r, 128), _full((3, 128)), _full((1, 128)),
                  _full((128, 256)), _full((1, 256)), _full((256, 128)),
                  _full((1, 128))],
        out_specs=_rows(r, 256),
        out_shape=jax.ShapeDtypeStruct((m, 256), jnp.float32),
    )


@functools.lru_cache(None)
def _tc_y1(m):
    r = _row_block(m)

    def body(ft, dg, w, y_ref, dinv_ref):
        dinv = jnp.broadcast_to(lax.rsqrt(dg[...][:, 0:1] + 1.0), (r, 128))
        y_ref[...] = _dot(ft[...], w[...]) * dinv
        dinv_ref[...] = dinv

    return pl.pallas_call(
        body,
        grid=(m // r,),
        in_specs=[_rows(r, 256), _rows(r, 128), _full((256, 128))],
        out_specs=[_rows(r, 128), _rows(r, 128)],
        out_shape=[jax.ShapeDtypeStruct((m, 128), jnp.float32),
                   jax.ShapeDtypeStruct((m, 128), jnp.float32)],
    )


@functools.lru_cache(None)
def _tc_post(m, hp_width, emit_y):
    r = _row_block(m)

    def body(pa, dv, hp, gb, fcw, fcb, pjw, pjb, *rest):
        t = jnp.maximum(pa[...] * dv[...] + gb[...], 0.0)
        out = _dot(t, fcw[...]) + fcb[...]
        cat = jnp.concatenate([out, hp[...]], axis=1)
        h = jnp.maximum(_dot(cat, pjw[...]) + pjb[...] + out, 0.0)
        if emit_y:
            nw, h_ref, y_ref = rest
            h_ref[...] = h
            y_ref[...] = _dot(h, nw[...]) * dv[...]
        else:
            rest[0][...] = h

    in_specs = [_rows(r, 128), _rows(r, 128), _rows(r, hp_width),
                _full((1, 128)), _full((128, 64)), _full((1, 64)),
                _full((64 + hp_width, 64)), _full((1, 64))]
    out_specs = [_rows(r, 64)]
    out_shape = [jax.ShapeDtypeStruct((m, 64), jnp.float32)]
    if emit_y:
        in_specs.append(_full((64, 128)))
        out_specs.append(_rows(r, 128))
        out_shape.append(jax.ShapeDtypeStruct((m, 128), jnp.float32))
    return pl.pallas_call(
        body,
        grid=(m // r,),
        in_specs=in_specs,
        out_specs=out_specs,
        out_shape=out_shape,
    )


@functools.lru_cache(None)
def _tc_glob(m):
    def body(g, w1, b1, w2, b2, wp, bp, out_ref):
        t = jnp.maximum(_dot(g[...], w1[...]) + b1[...], 0.0)
        t = jnp.maximum(_dot(t, w2[...]) + b2[...], 0.0)
        out_ref[...] = _dot(t, wp[...]) + bp[...]

    return pl.pallas_call(
        body,
        grid=(1,),
        in_specs=[_rows(m, 128), _full((128, 256)), _full((1, 256)),
                  _full((256, 128)), _full((1, 128)), _full((128, 64)),
                  _full((1, 64))],
        out_specs=_rows(m, 64),
        out_shape=jax.ShapeDtypeStruct((m, 64), jnp.float32),
    )



def kernel(g1_x, g1_f, g1_g, g1_edge_index, g2_x, g2_f, g2_g, g2_edge_index,
           params):
    p = params
    n = g1_x.shape[0]
    e = g1_edge_index.shape[1]
    ng = g1_g.shape[0]
    m = 2 * n
    i32 = jnp.int32

    chunk = NS * WIN * 2
    e_pad = ((e + chunk - 1) // chunk) * chunk
    pad = e_pad - e

    X = jnp.concatenate([g1_x, g2_x], axis=0)
    F0 = jnp.concatenate([g1_f, g2_f], axis=0)
    G = jnp.concatenate([g1_g, g2_g], axis=0)

    pad_dst = n + (jnp.arange(pad, dtype=i32) % NPAD)
    pad_src = jnp.zeros((pad,), i32)
    src_flat = jnp.concatenate([g1_edge_index[0], pad_src,
                                g2_edge_index[0] + n, pad_src + n])
    dst_flat = jnp.concatenate([g1_edge_index[1], pad_dst,
                                g2_edge_index[1], pad_dst])

    ones16 = jnp.ones((WIN, 128), jnp.float32)
    zeros16 = jnp.zeros((_split8(n + NPAD)[0], 128), jnp.float32)

    b = {k: p[k].reshape(1, -1) for k in
         ('node_lin_b', 'patch1_b', 'patch2_b', 'glob1_b', 'glob2_b',
          'gcn1_b', 'fc1_b', 'gcn2_b', 'fc2_b', 'gcn3_b', 'fc3_b',
          'gcn4_b', 'fc4_b', 'proj1_b', 'proj2_b', 'proj3_b', 'proj4_b',
          'gproj_b')}

    deg16 = _sc_degree(n, e_pad)(dst_flat, ones16, zeros16)
    feats = _tc_pre(m)(X, F0, p['node_lin_W'], b['node_lin_b'],
                       p['patch1_W'], b['patch1_b'],
                       p['patch2_W'], b['patch2_b'])
    y1, dinv = _tc_y1(m)(feats, deg16, p['gcn1_W'])

    agg = _sc_agg(n, e_pad, 128)
    p1 = agg(y1, src_flat, dst_flat)
    h1, y2 = _tc_post(m, 256, True)(p1, dinv, feats, b['gcn1_b'],
                                    p['fc1_W'], b['fc1_b'],
                                    p['proj1_W'], b['proj1_b'], p['gcn2_W'])
    p2 = agg(y2, src_flat, dst_flat)
    h2, y3 = _tc_post(m, 64, True)(p2, dinv, h1, b['gcn2_b'],
                                   p['fc2_W'], b['fc2_b'],
                                   p['proj2_W'], b['proj2_b'], p['gcn3_W'])
    p3 = agg(y3, src_flat, dst_flat)
    h3, y4 = _tc_post(m, 64, True)(p3, dinv, h2, b['gcn3_b'],
                                   p['fc3_W'], b['fc3_b'],
                                   p['proj3_W'], b['proj3_b'], p['gcn4_W'])
    p4 = agg(y4, src_flat, dst_flat)
    h4 = _tc_post(m, 64, False)(p4, dinv, h3, b['gcn4_b'],
                                p['fc4_W'], b['fc4_b'],
                                p['proj4_W'], b['proj4_b'])[0]
    gout = _tc_glob(2 * ng)(G, p['glob1_W'], b['glob1_b'],
                            p['glob2_W'], b['glob2_b'],
                            p['gproj_W'], b['gproj_b'])
    return h4[:n], h4[n:], gout[:ng], gout[ng:]

# --- scband reference (transcript-rebuilt; emitter-appended) ---
"""Pipeline reference for scband-polygon-matching-net-26938034880618 (READ-ONLY COPY).

The authoritative reference and input builder live on the scoring server;
editing this copy changes nothing except your own understanding.
"""

import jax, jax.numpy as jnp
import numpy as np

N = 10000
E = 320000
NG = 64

def _lin(key, fin, fout):
    k1, k2 = jax.random.split(key)
    s = 1.0 / np.sqrt(fin)
    W = jax.random.uniform(k1, (fin, fout), minval=-s, maxval=s, dtype=jnp.float32)
    b = jax.random.uniform(k2, (fout,), minval=-s, maxval=s, dtype=jnp.float32)
    return W, b

def _make_params(key):
    ks = jax.random.split(key, 32)
    p = {}
    p['node_lin_W'], p['node_lin_b'] = _lin(ks[0], 3, 128)
    p['patch1_W'], p['patch1_b'] = _lin(ks[1], 128, 256)
    p['patch2_W'], p['patch2_b'] = _lin(ks[2], 256, 128)
    p['glob1_W'], p['glob1_b'] = _lin(ks[3], 128, 256)
    p['glob2_W'], p['glob2_b'] = _lin(ks[4], 256, 128)
    p['gcn1_W'], p['gcn1_b'] = _lin(ks[5], 256, 128)
    p['fc1_W'], p['fc1_b'] = _lin(ks[6], 128, 64)
    p['gcn2_W'], p['gcn2_b'] = _lin(ks[7], 64, 128)
    p['fc2_W'], p['fc2_b'] = _lin(ks[8], 128, 64)
    p['gcn3_W'], p['gcn3_b'] = _lin(ks[9], 64, 128)
    p['fc3_W'], p['fc3_b'] = _lin(ks[10], 128, 64)
    p['gcn4_W'], p['gcn4_b'] = _lin(ks[11], 64, 128)
    p['fc4_W'], p['fc4_b'] = _lin(ks[12], 128, 64)
    p['proj1_W'], p['proj1_b'] = _lin(ks[13], 64 + 256, 64)
    p['proj2_W'], p['proj2_b'] = _lin(ks[14], 128, 64)
    p['proj3_W'], p['proj3_b'] = _lin(ks[15], 128, 64)
    p['proj4_W'], p['proj4_b'] = _lin(ks[16], 128, 64)
    p['gproj_W'], p['gproj_b'] = _lin(ks[17], 128, 64)
    return p

def setup_inputs(seed: int = 0) -> dict:
    key = jax.random.key(seed)
    ks = jax.random.split(key, 9)
    inp = {}
    inp['g1_x'] = jax.random.normal(ks[0], (N, 3), dtype=jnp.float32)
    inp['g1_f'] = jax.random.normal(ks[1], (N, 128), dtype=jnp.float32)
    inp['g1_g'] = jax.random.normal(ks[2], (NG, 128), dtype=jnp.float32)
    inp['g1_edge_index'] = jax.random.randint(ks[3], (2, E), 0, N, dtype=jnp.int64 if jax.config.jax_enable_x64 else jnp.int32).astype(jnp.int32)
    inp['g2_x'] = jax.random.normal(ks[4], (N, 3), dtype=jnp.float32)
    inp['g2_f'] = jax.random.normal(ks[5], (N, 128), dtype=jnp.float32)
    inp['g2_g'] = jax.random.normal(ks[6], (NG, 128), dtype=jnp.float32)
    inp['g2_edge_index'] = jax.random.randint(ks[7], (2, E), 0, N, dtype=jnp.int64 if jax.config.jax_enable_x64 else jnp.int32).astype(jnp.int32)
    inp['params'] = _make_params(ks[8])
    return inp

def _gcn(x, src, dst, W, b, n):
    x = x @ W
    deg = jnp.zeros((n,), dtype=x.dtype).at[dst].add(jnp.ones_like(dst, dtype=x.dtype))
    dinv = jnp.where(deg > 0, jax.lax.rsqrt(jnp.maximum(deg, 1e-12)), 0.0)
    norm = dinv[src] * dinv[dst]
    out = jnp.zeros((n, W.shape[1]), dtype=x.dtype).at[dst].add(x[src] * norm[:, None])
    return out + b

def _encode(x, f, g, edge_index, p):
    n = x.shape[0]
    loop = jnp.arange(n, dtype=edge_index.dtype)
    src = jnp.concatenate([edge_index[0], loop])
    dst = jnp.concatenate([edge_index[1], loop])
    nb = jax.nn.relu(x @ p['node_lin_W'] + p['node_lin_b'])
    pb = jax.nn.relu(f @ p['patch1_W'] + p['patch1_b'])
    pb = jax.nn.relu(pb @ p['patch2_W'] + p['patch2_b'])
    gb = jax.nn.relu(g @ p['glob1_W'] + p['glob1_b'])
    gb = jax.nn.relu(gb @ p['glob2_W'] + p['glob2_b'])
    feats = jnp.concatenate([nb, pb], axis=1)
    out1 = jax.nn.relu(_gcn(feats, src, dst, p['gcn1_W'], p['gcn1_b'], n)) @ p['fc1_W'] + p['fc1_b']
    h1 = jax.nn.relu(jnp.concatenate([out1, feats], axis=1) @ p['proj1_W'] + p['proj1_b'] + out1)
    out2 = jax.nn.relu(_gcn(h1, src, dst, p['gcn2_W'], p['gcn2_b'], n)) @ p['fc2_W'] + p['fc2_b']
    h2 = jax.nn.relu(jnp.concatenate([out2, h1], axis=1) @ p['proj2_W'] + p['proj2_b'] + out2)
    out3 = jax.nn.relu(_gcn(h2, src, dst, p['gcn3_W'], p['gcn3_b'], n)) @ p['fc3_W'] + p['fc3_b']
    h3 = jax.nn.relu(jnp.concatenate([out3, h2], axis=1) @ p['proj3_W'] + p['proj3_b'] + out3)
    out4 = jax.nn.relu(_gcn(h3, src, dst, p['gcn4_W'], p['gcn4_b'], n)) @ p['fc4_W'] + p['fc4_b']
    h4 = jax.nn.relu(jnp.concatenate([out4, h3], axis=1) @ p['proj4_W'] + p['proj4_b'] + out4)
    return h4, gb @ p['gproj_W'] + p['gproj_b']

def reference(g1_x, g1_f, g1_g, g1_edge_index, g2_x, g2_f, g2_g, g2_edge_index, params):
    feat_a, glob_a = _encode(g1_x, g1_f, g1_g, g1_edge_index, params)
    feat_b, glob_b = _encode(g2_x, g2_f, g2_g, g2_edge_index, params)
    return (feat_a, feat_b, glob_a, glob_b)

if __name__ == "__main__":
    import jax
    _d = setup_inputs()
    print(jax.jit(kernel)(*tuple(_d.values())))

</pallas_src>

<mosaic_0001>
#map = affine_map<(d0, d1) -> (0)>
#map1 = affine_map<(d0, d1) -> (0, 0)>
module attributes {stable_mosaic.version = 14 : i64} {
  func.func @deg_kernel(%arg0: i32, %arg1: i32, %arg2: memref<647168xi32, #tpu.memory_space<hbm>>, %arg3: memref<128x128xf32, #tpu.memory_space<hbm>>, %arg4: memref<632x128xf32, #tpu.memory_space<hbm>>, %arg5: memref<20000x128xf32, #tpu.memory_space<hbm>>, %arg6: memref<10016x128xf32, #tpu.memory_space<vmem_shared>>, %arg7: memref<128xi32, #tpu.memory_space<vmem>>, %arg8: memref<128xi32, #tpu.memory_space<vmem>>, %arg9: memref<128x128xf32, #tpu.memory_space<vmem>>, %arg10: memref<!tpu.dma_semaphore, #tpu.memory_space<semaphore_mem>>, %arg11: memref<!tpu.dma_semaphore, #tpu.memory_space<semaphore_mem>>) attributes {dimension_semantics = [#tpu.dimension_semantics<core_parallel>, #tpu.dimension_semantics<subcore_parallel>], iteration_bounds = array<i64: 2, 16>, scalar_prefetch = 0 : i64, scratch_operands = 6 : i64, tpu.core_type = #tpu.core_type<sc_vector_subcore>, window_params = [{transform_indices = #map}, {transform_indices = #map1}, {transform_indices = #map1}, {transform_indices = #map1}]} {
    %mul3A = arith.constant 323584 : i32
    %mul3A_0 = arith.muli %arg0, %mul3A : i32
    %mul3A_1 = arith.constant 20224 : i32
    %mul3A_2 = arith.muli %arg1, %mul3A_1 : i32
    %add3A = arith.addi %mul3A_0, %mul3A_2 : i32
    %lt3A = arith.constant 15 : i32
    %lt3A_3 = arith.cmpi slt, %arg1, %lt3A : i32
    %convert_element_type3A = arith.extui %lt3A_3 : i1 to i32
    %cond3A = arith.constant 0 : i32
    %cond3A_4 = arith.cmpi ne, %convert_element_type3A, %cond3A : i32
    scf.if %cond3A_4 {
      %mul3A_27 = arith.constant 632 : i32
      %mul3A_28 = arith.muli %arg1, %mul3A_27 : i32
      "tpu.region"() ({
        %run_scoped3A = tpu.sem_alloc : memref<!tpu.dma_semaphore, #tpu.memory_space<semaphore_mem>>
        %dma_start3A_29 = arith.constant 0 : i32
        %dma_start3A_30 = tpu.memref_slice %arg6[%mul3A_28, %dma_start3A_29] : memref<10016x128xf32, #tpu.memory_space<vmem_shared>> -> memref<632x128xf32, #tpu.memory_space<vmem_shared>>
        %dma_start3A_31 = arith.constant 0 : i32
        %dma_start3A_32 = arith.constant 0 : i32
        %dma_start3A_33 = tpu.memref_slice %arg4[%dma_start3A_31, %dma_start3A_32] : memref<632x128xf32, #tpu.memory_space<hbm>> -> memref<632x128xf32, #tpu.memory_space<hbm>>
        tpu.enqueue_dma source(%dma_start3A_33 : memref<632x128xf32, #tpu.memory_space<hbm>>) target(%dma_start3A_30 : memref<632x128xf32, #tpu.memory_space<vmem_shared>>) target_semaphore(%run_scoped3A : memref<!tpu.dma_semaphore, #tpu.memory_space<semaphore_mem>>)
        %dma_wait3A = arith.constant 0 : i32
        %dma_wait3A_34 = tpu.memref_slice %arg6[%mul3A_28, %dma_wait3A] : memref<10016x128xf32, #tpu.memory_space<vmem_shared>> -> memref<632x128xf32, #tpu.memory_space<vmem_shared>>
        %dma_wait3A_35 = arith.constant 0 : i32
        %dma_wait3A_36 = arith.constant 0 : i32
        %dma_wait3A_37 = tpu.memref_slice %arg4[%dma_wait3A_35, %dma_wait3A_36] : memref<632x128xf32, #tpu.memory_space<hbm>> -> memref<632x128xf32, #tpu.memory_space<hbm>>
        tpu.wait_dma2 semaphore(%run_scoped3A : memref<!tpu.dma_semaphore, #tpu.memory_space<semaphore_mem>>) src(%dma_wait3A_37 : memref<632x128xf32, #tpu.memory_space<hbm>>) dst(%dma_wait3A_34 : memref<632x128xf32, #tpu.memory_space<vmem_shared>>)
        tpu.yield
      }) : () -> ()
    } else {
    }
    %eq3A = arith.constant 15 : i32
    %eq3A_5 = arith.cmpi eq, %arg1, %eq3A : i32
    %convert_element_type3A_6 = arith.extui %eq3A_5 : i1 to i32
    %cond3A_7 = arith.constant 0 : i32
    %cond3A_8 = arith.cmpi ne, %convert_element_type3A_6, %cond3A_7 : i32
    scf.if %cond3A_8 {
      "tpu.region"() ({
        %run_scoped3A = tpu.sem_alloc : memref<!tpu.dma_semaphore, #tpu.memory_space<semaphore_mem>>
        %dma_start3A_27 = arith.constant 9480 : i32
        %dma_start3A_28 = arith.constant 0 : i32
        %dma_start3A_29 = tpu.memref_slice %arg6[%dma_start3A_27, %dma_start3A_28] : memref<10016x128xf32, #tpu.memory_space<vmem_shared>> -> memref<536x128xf32, #tpu.memory_space<vmem_shared>>
        %dma_start3A_30 = arith.constant 0 : i32
        %dma_start3A_31 = arith.constant 0 : i32
        %dma_start3A_32 = tpu.memref_slice %arg4[%dma_start3A_30, %dma_start3A_31] : memref<632x128xf32, #tpu.memory_space<hbm>> -> memref<536x128xf32, #tpu.memory_space<hbm>>
        tpu.enqueue_dma source(%dma_start3A_32 : memref<536x128xf32, #tpu.memory_space<hbm>>) target(%dma_start3A_29 : memref<536x128xf32, #tpu.memory_space<vmem_shared>>) target_semaphore(%run_scoped3A : memref<!tpu.dma_semaphore, #tpu.memory_space<semaphore_mem>>)
        %dma_wait3A = arith.constant 9480 : i32
        %dma_wait3A_33 = arith.constant 0 : i32
        %dma_wait3A_34 = tpu.memref_slice %arg6[%dma_wait3A, %dma_wait3A_33] : memref<10016x128xf32, #tpu.memory_space<vmem_shared>> -> memref<536x128xf32, #tpu.memory_space<vmem_shared>>
        %dma_wait3A_35 = arith.constant 0 : i32
        %dma_wait3A_36 = arith.constant 0 : i32
        %dma_wait3A_37 = tpu.memref_slice %arg4[%dma_wait3A_35, %dma_wait3A_36] : memref<632x128xf32, #tpu.memory_space<hbm>> -> memref<536x128xf32, #tpu.memory_space<hbm>>
        tpu.wait_dma2 semaphore(%run_scoped3A : memref<!tpu.dma_semaphore, #tpu.memory_space<semaphore_mem>>) src(%dma_wait3A_37 : memref<536x128xf32, #tpu.memory_space<hbm>>) dst(%dma_wait3A_34 : memref<536x128xf32, #tpu.memory_space<vmem_shared>>)
        tpu.yield
      }) : () -> ()
    } else {
    }
    "tpu.region"() ({
      %run_scoped3A = tpu.sem_alloc : memref<!tpu.dma_semaphore, #tpu.memory_space<semaphore_mem>>
      tpu.enqueue_dma source(%arg3 : memref<128x128xf32, #tpu.memory_space<hbm>>) target(%arg9 : memref<128x128xf32, #tpu.memory_space<vmem>>) target_semaphore(%run_scoped3A : memref<!tpu.dma_semaphore, #tpu.memory_space<semaphore_mem>>)
      tpu.wait_dma2 semaphore(%run_scoped3A : memref<!tpu.dma_semaphore, #tpu.memory_space<semaphore_mem>>) src(%arg3 : memref<128x128xf32, #tpu.memory_space<hbm>>) dst(%arg9 : memref<128x128xf32, #tpu.memory_space<vmem>>)
      tpu.yield
    }) : () -> ()
    %barrier3A = arith.constant 0 : index
    tpu.barrier barrier_id(%barrier3A)
    %add3A_9 = arith.constant 0 : i32
    %add3A_10 = arith.addi %add3A, %add3A_9 : i32
    %dma_start3A = tpu.memref_slice %arg2[%add3A_10] : memref<647168xi32, #tpu.memory_space<hbm>> -> memref<128xi32, #tpu.memory_space<hbm>>
    %dma_start3A_11 = tpu.memref_slice %arg2[%add3A_10] : memref<647168xi32, #tpu.memory_space<hbm>> -> memref<128xi32, #tpu.memory_space<hbm>>
    tpu.enqueue_dma source(%dma_start3A_11 : memref<128xi32, #tpu.memory_space<hbm>>) target(%arg7 : memref<128xi32, #tpu.memory_space<vmem>>) target_semaphore(%arg10 : memref<!tpu.dma_semaphore, #tpu.memory_space<semaphore_mem>>)
    %scan3A = arith.constant 0 : i32
    %scan3A_12 = arith.constant 79 : i32
    %scan3A_13 = arith.addi %scan3A, %scan3A_12 : i32
    %scan3A_14 = arith.constant 1 : i32
    scf.for %scan3A_27 = %scan3A to %scan3A_13 step %scan3A_14  : i32 {
      %mul3A_28 = arith.constant 2 : i32
      %mul3A_29 = arith.muli %scan3A_27, %mul3A_28 : i32
      %add3A_30 = arith.constant 0 : i32
      %add3A_31 = arith.addi %add3A_30, %mul3A_29 : i32
      %mul3A_32 = arith.constant 128 : i32
      %mul3A_33 = arith.muli %add3A_31, %mul3A_32 : i32
      %add3A_34 = arith.addi %add3A, %mul3A_33 : i32
      %dma_wait3A = tpu.memref_slice %arg2[%add3A_34] : memref<647168xi32, #tpu.memory_space<hbm>> -> memref<128xi32, #tpu.memory_space<hbm>>
      %dma_wait3A_35 = tpu.memref_slice %arg2[%add3A_34] : memref<647168xi32, #tpu.memory_space<hbm>> -> memref<128xi32, #tpu.memory_space<hbm>>
      tpu.wait_dma2 semaphore(%arg10 : memref<!tpu.dma_semaphore, #tpu.memory_space<semaphore_mem>>) src(%dma_wait3A_35 : memref<128xi32, #tpu.memory_space<hbm>>) dst(%arg7 : memref<128xi32, #tpu.memory_space<vmem>>)
      %add3A_36 = arith.constant 1 : i32
      %add3A_37 = arith.addi %add3A_31, %add3A_36 : i32
      %mul3A_38 = arith.constant 128 : i32
      %mul3A_39 = arith.muli %add3A_37, %mul3A_38 : i32
      %add3A_40 = arith.addi %add3A, %mul3A_39 : i32
      %dma_start3A_41 = tpu.memref_slice %arg2[%add3A_40] : memref<647168xi32, #tpu.memory_space<hbm>> -> memref<128xi32, #tpu.memory_space<hbm>>
      %dma_start3A_42 = tpu.memref_slice %arg2[%add3A_40] : memref<647168xi32, #tpu.memory_space<hbm>> -> memref<128xi32, #tpu.memory_space<hbm>>
      tpu.enqueue_dma source(%dma_start3A_42 : memref<128xi32, #tpu.memory_space<hbm>>) target(%arg8 : memref<128xi32, #tpu.memory_space<vmem>>) target_semaphore(%arg11 : memref<!tpu.dma_semaphore, #tpu.memory_space<semaphore_mem>>)
      "tpu.region"() ({
        %run_scoped3A = tpu.sem_alloc : memref<!tpu.dma_semaphore, #tpu.memory_space<semaphore_mem>>
        %dma_start3A_57 = arith.constant 0 : i32
        %dma_start3A_58 = arith.constant 0 : i32
        %dma_start3A_59 = tpu.memref_slice %arg6[%dma_start3A_57, %dma_start3A_58] : memref<10016x128xf32, #tpu.memory_space<vmem_shared>> -> memref<10016x128xf32, #tpu.memory_space<vmem_shared>>
        tpu.enqueue_indirect_dma source(%arg9 : memref<128x128xf32, #tpu.memory_space<vmem>>) target(%dma_start3A_59 : memref<10016x128xf32, #tpu.memory_space<vmem_shared>>) offsets(%arg7 : memref<128xi32, #tpu.memory_space<vmem>>) semaphore(%run_scoped3A : memref<!tpu.dma_semaphore, #tpu.memory_space<semaphore_mem>>) {add = true}
        %dma_wait3A_60 = arith.constant 0 : i32
        %dma_wait3A_61 = arith.constant 0 : i32
        %dma_wait3A_62 = tpu.memref_slice %arg6[%dma_wait3A_60, %dma_wait3A_61] : memref<10016x128xf32, #tpu.memory_space<vmem_shared>> -> memref<10016x128xf32, #tpu.memory_space<vmem_shared>>
        tpu.wait_indirect_dma semaphore(%run_scoped3A : memref<!tpu.dma_semaphore, #tpu.memory_space<semaphore_mem>>) src(%arg9 : memref<128x128xf32, #tpu.memory_space<vmem>>) dst(%dma_wait3A_62 : memref<10016x128xf32, #tpu.memory_space<vmem_shared>>)
        tpu.yield
      }) : () -> ()
      %add3A_43 = arith.constant 1 : i32
      %add3A_44 = arith.addi %add3A_31, %add3A_43 : i32
      %mul3A_45 = arith.constant 128 : i32
      %mul3A_46 = arith.muli %add3A_44, %mul3A_45 : i32
      %add3A_47 = arith.addi %add3A, %mul3A_46 : i32
      %dma_wait3A_48 = tpu.memref_slice %arg2[%add3A_47] : memref<647168xi32, #tpu.memory_space<hbm>> -> memref<128xi32, #tpu.memory_space<hbm>>
      %dma_wait3A_49 = tpu.memref_slice %arg2[%add3A_47] : memref<647168xi32, #tpu.memory_space<hbm>> -> memref<128xi32, #tpu.memory_space<hbm>>
      tpu.wait_dma2 semaphore(%arg11 : memref<!tpu.dma_semaphore, #tpu.memory_space<semaphore_mem>>) src(%dma_wait3A_49 : memref<128xi32, #tpu.memory_space<hbm>>) dst(%arg8 : memref<128xi32, #tpu.memory_space<vmem>>)
      %add3A_50 = arith.constant 2 : i32
      %add3A_51 = arith.addi %add3A_31, %add3A_50 : i32
      %lt3A_52 = arith.constant 158 : i32
      %lt3A_53 = arith.cmpi slt, %add3A_51, %lt3A_52 : i32
      %convert_element_type3A_54 = arith.extui %lt3A_53 : i1 to i32
      %cond3A_55 = arith.constant 0 : i32
      %cond3A_56 = arith.cmpi ne, %convert_element_type3A_54, %cond3A_55 : i32
      scf.if %cond3A_56 {
        %add3A_57 = arith.constant 2 : i32
        %add3A_58 = arith.addi %add3A_31, %add3A_57 : i32
        %mul3A_59 = arith.constant 128 : i32
        %mul3A_60 = arith.muli %add3A_58, %mul3A_59 : i32
        %add3A_61 = arith.addi %add3A, %mul3A_60 : i32
        %dma_start3A_62 = tpu.memref_slice %arg2[%add3A_61] : memref<647168xi32, #tpu.memory_space<hbm>> -> memref<128xi32, #tpu.memory_space<hbm>>
        %dma_start3A_63 = tpu.memref_slice %arg2[%add3A_61] : memref<647168xi32, #tpu.memory_space<hbm>> -> memref<128xi32, #tpu.memory_space<hbm>>
        tpu.enqueue_dma source(%dma_start3A_63 : memref<128xi32, #tpu.memory_space<hbm>>) target(%arg7 : memref<128xi32, #tpu.memory_space<vmem>>) target_semaphore(%arg10 : memref<!tpu.dma_semaphore, #tpu.memory_space<semaphore_mem>>)
      } else {
      }
      "tpu.region"() ({
        %run_scoped3A = tpu.sem_alloc : memref<!tpu.dma_semaphore, #tpu.memory_space<semaphore_mem>>
        %dma_start3A_57 = arith.constant 0 : i32
        %dma_start3A_58 = arith.constant 0 : i32
        %dma_start3A_59 = tpu.memref_slice %arg6[%dma_start3A_57, %dma_start3A_58] : memref<10016x128xf32, #tpu.memory_space<vmem_shared>> -> memref<10016x128xf32, #tpu.memory_space<vmem_shared>>
        tpu.enqueue_indirect_dma source(%arg9 : memref<128x128xf32, #tpu.memory_space<vmem>>) target(%dma_start3A_59 : memref<10016x128xf32, #tpu.memory_space<vmem_shared>>) offsets(%arg8 : memref<128xi32, #tpu.memory_space<vmem>>) semaphore(%run_scoped3A : memref<!tpu.dma_semaphore, #tpu.memory_space<semaphore_mem>>) {add = true}
        %dma_wait3A_60 = arith.constant 0 : i32
        %dma_wait3A_61 = arith.constant 0 : i32
        %dma_wait3A_62 = tpu.memref_slice %arg6[%dma_wait3A_60, %dma_wait3A_61] : memref<10016x128xf32, #tpu.memory_space<vmem_shared>> -> memref<10016x128xf32, #tpu.memory_space<vmem_shared>>
        tpu.wait_indirect_dma semaphore(%run_scoped3A : memref<!tpu.dma_semaphore, #tpu.memory_space<semaphore_mem>>) src(%arg9 : memref<128x128xf32, #tpu.memory_space<vmem>>) dst(%dma_wait3A_62 : memref<10016x128xf32, #tpu.memory_space<vmem_shared>>)
        tpu.yield
      }) : () -> ()
    }
    %scan3A_15 = arith.constant 79 : i32
    %barrier3A_16 = arith.constant 0 : index
    tpu.barrier barrier_id(%barrier3A_16)
    %lt3A_17 = arith.constant 15 : i32
    %lt3A_18 = arith.cmpi slt, %arg1, %lt3A_17 : i32
    %convert_element_type3A_19 = arith.extui %lt3A_18 : i1 to i32
    %cond3A_20 = arith.constant 0 : i32
    %cond3A_21 = arith.cmpi ne, %convert_element_type3A_19, %cond3A_20 : i32
    scf.if %cond3A_21 {
      %mul3A_27 = arith.constant 632 : i32
      %mul3A_28 = arith.muli %arg1, %mul3A_27 : i32
      %mul3A_29 = arith.constant 10000 : i32
      %mul3A_30 = arith.muli %arg0, %mul3A_29 : i32
      %add3A_31 = arith.addi %mul3A_30, %mul3A_28 : i32
      "tpu.region"() ({
        %run_scoped3A = tpu.sem_alloc : memref<!tpu.dma_semaphore, #tpu.memory_space<semaphore_mem>>
        %dma_start3A_32 = arith.constant 0 : i32
        %dma_start3A_33 = tpu.memref_slice %arg5[%add3A_31, %dma_start3A_32] : memref<20000x128xf32, #tpu.memory_space<hbm>> -> memref<632x128xf32, #tpu.memory_space<hbm>>
        %dma_start3A_34 = arith.constant 0 : i32
        %dma_start3A_35 = tpu.memref_slice %arg6[%mul3A_28, %dma_start3A_34] : memref<10016x128xf32, #tpu.memory_space<vmem_shared>> -> memref<632x128xf32, #tpu.memory_space<vmem_shared>>
        tpu.enqueue_dma source(%dma_start3A_35 : memref<632x128xf32, #tpu.memory_space<vmem_shared>>) target(%dma_start3A_33 : memref<632x128xf32, #tpu.memory_space<hbm>>) target_semaphore(%run_scoped3A : memref<!tpu.dma_semaphore, #tpu.memory_space<semaphore_mem>>)
        %dma_wait3A = arith.constant 0 : i32
        %dma_wait3A_36 = tpu.memref_slice %arg5[%add3A_31, %dma_wait3A] : memref<20000x128xf32, #tpu.memory_space<hbm>> -> memref<632x128xf32, #tpu.memory_space<hbm>>
        %dma_wait3A_37 = arith.constant 0 : i32
        %dma_wait3A_38 = tpu.memref_slice %arg6[%mul3A_28, %dma_wait3A_37] : memref<10016x128xf32, #tpu.memory_space<vmem_shared>> -> memref<632x128xf32, #tpu.memory_space<vmem_shared>>
        tpu.wait_dma2 semaphore(%run_scoped3A : memref<!tpu.dma_semaphore, #tpu.memory_space<semaphore_mem>>) src(%dma_wait3A_38 : memref<632x128xf32, #tpu.memory_space<vmem_shared>>) dst(%dma_wait3A_36 : memref<632x128xf32, #tpu.memory_space<hbm>>)
        tpu.yield
      }) : () -> ()
    } else {
    }
    %eq3A_22 = arith.constant 15 : i32
    %eq3A_23 = arith.cmpi eq, %arg1, %eq3A_22 : i32
    %convert_element_type3A_24 = arith.extui %eq3A_23 : i1 to i32
    %cond3A_25 = arith.constant 0 : i32
    %cond3A_26 = arith.cmpi ne, %convert_element_type3A_24, %cond3A_25 : i32
    scf.if %cond3A_26 {
      %mul3A_27 = arith.constant 10000 : i32
      %mul3A_28 = arith.muli %arg0, %mul3A_27 : i32
      %add3A_29 = arith.constant 9480 : i32
      %add3A_30 = arith.addi %mul3A_28, %add3A_29 : i32
      "tpu.region"() ({
        %run_scoped3A = tpu.sem_alloc : memref<!tpu.dma_semaphore, #tpu.memory_space<semaphore_mem>>
        %dma_start3A_31 = arith.constant 0 : i32
        %dma_start3A_32 = tpu.memref_slice %arg5[%add3A_30, %dma_start3A_31] : memref<20000x128xf32, #tpu.memory_space<hbm>> -> memref<520x128xf32, #tpu.memory_space<hbm>>
        %dma_start3A_33 = arith.constant 9480 : i32
        %dma_start3A_34 = arith.constant 0 : i32
        %dma_start3A_35 = tpu.memref_slice %arg6[%dma_start3A_33, %dma_start3A_34] : memref<10016x128xf32, #tpu.memory_space<vmem_shared>> -> memref<520x128xf32, #tpu.memory_space<vmem_shared>>
        tpu.enqueue_dma source(%dma_start3A_35 : memref<520x128xf32, #tpu.memory_space<vmem_shared>>) target(%dma_start3A_32 : memref<520x128xf32, #tpu.memory_space<hbm>>) target_semaphore(%run_scoped3A : memref<!tpu.dma_semaphore, #tpu.memory_space<semaphore_mem>>)
        %dma_wait3A = arith.constant 0 : i32
        %dma_wait3A_36 = tpu.memref_slice %arg5[%add3A_30, %dma_wait3A] : memref<20000x128xf32, #tpu.memory_space<hbm>> -> memref<520x128xf32, #tpu.memory_space<hbm>>
        %dma_wait3A_37 = arith.constant 9480 : i32
        %dma_wait3A_38 = arith.constant 0 : i32
        %dma_wait3A_39 = tpu.memref_slice %arg6[%dma_wait3A_37, %dma_wait3A_38] : memref<10016x128xf32, #tpu.memory_space<vmem_shared>> -> memref<520x128xf32, #tpu.memory_space<vmem_shared>>
        tpu.wait_dma2 semaphore(%run_scoped3A : memref<!tpu.dma_semaphore, #tpu.memory_space<semaphore_mem>>) src(%dma_wait3A_39 : memref<520x128xf32, #tpu.memory_space<vmem_shared>>) dst(%dma_wait3A_36 : memref<520x128xf32, #tpu.memory_space<hbm>>)
        tpu.yield
      }) : () -> ()
    } else {
    }
    return
  }
}

#map = affine_map<(d0, d1) -> (0, 0)>
#map1 = affine_map<(d0, d1) -> (0)>
module attributes {stable_mosaic.version = 14 : i64} {
  func.func @agg_kernel(%arg0: i32, %arg1: i32, %arg2: memref<20000x128xf32, #tpu.memory_space<hbm>>, %arg3: memref<647168xi32, #tpu.memory_space<hbm>>, %arg4: memref<647168xi32, #tpu.memory_space<hbm>>, %arg5: memref<20000x128xf32, #tpu.memory_space<hbm>>, %arg6: memref<10016x128xf32, #tpu.memory_space<vmem_shared>>, %arg7: memref<128xi32, #tpu.memory_space<vmem>>, %arg8: memref<128xi32, #tpu.memory_space<vmem>>, %arg9: memref<128xi32, #tpu.memory_space<vmem>>, %arg10: memref<128xi32, #tpu.memory_space<vmem>>, %arg11: memref<128x128xf32, #tpu.memory_space<vmem>>, %arg12: memref<128x128xf32, #tpu.memory_space<vmem>>, %arg13: memref<!tpu.dma_semaphore, #tpu.memory_space<semaphore_mem>>, %arg14: memref<!tpu.dma_semaphore, #tpu.memory_space<semaphore_mem>>, %arg15: memref<!tpu.dma_semaphore, #tpu.memory_space<semaphore_mem>>, %arg16: memref<!tpu.dma_semaphore, #tpu.memory_space<semaphore_mem>>) attributes {dimension_semantics = [#tpu.dimension_semantics<core_parallel>, #tpu.dimension_semantics<subcore_parallel>], iteration_bounds = array<i64: 2, 16>, scalar_prefetch = 0 : i64, scratch_operands = 11 : i64, tpu.core_type = #tpu.core_type<sc_vector_subcore>, window_params = [{transform_indices = #map}, {transform_indices = #map1}, {transform_indices = #map1}, {transform_indices = #map}]} {
    %mul3A = arith.constant 323584 : i32
    %mul3A_0 = arith.muli %arg0, %mul3A : i32
    %mul3A_1 = arith.constant 20224 : i32
    %mul3A_2 = arith.muli %arg1, %mul3A_1 : i32
    %add3A = arith.addi %mul3A_0, %mul3A_2 : i32
    %lt3A = arith.constant 15 : i32
    %lt3A_3 = arith.cmpi slt, %arg1, %lt3A : i32
    %convert_element_type3A = arith.extui %lt3A_3 : i1 to i32
    %cond3A = arith.constant 0 : i32
    %cond3A_4 = arith.cmpi ne, %convert_element_type3A, %cond3A : i32
    scf.if %cond3A_4 {
      %mul3A_49 = arith.constant 632 : i32
      %mul3A_50 = arith.muli %arg1, %mul3A_49 : i32
      %mul3A_51 = arith.constant 10000 : i32
      %mul3A_52 = arith.muli %arg0, %mul3A_51 : i32
      %add3A_53 = arith.addi %mul3A_52, %mul3A_50 : i32
      "tpu.region"() ({
        %run_scoped3A = tpu.sem_alloc : memref<!tpu.dma_semaphore, #tpu.memory_space<semaphore_mem>>
        %dma_start3A_54 = arith.constant 0 : i32
        %dma_start3A_55 = tpu.memref_slice %arg6[%mul3A_50, %dma_start3A_54] : memref<10016x128xf32, #tpu.memory_space<vmem_shared>> -> memref<632x128xf32, #tpu.memory_space<vmem_shared>>
        %dma_start3A_56 = arith.constant 0 : i32
        %dma_start3A_57 = tpu.memref_slice %arg2[%add3A_53, %dma_start3A_56] : memref<20000x128xf32, #tpu.memory_space<hbm>> -> memref<632x128xf32, #tpu.memory_space<hbm>>
        tpu.enqueue_dma source(%dma_start3A_57 : memref<632x128xf32, #tpu.memory_space<hbm>>) target(%dma_start3A_55 : memref<632x128xf32, #tpu.memory_space<vmem_shared>>) target_semaphore(%run_scoped3A : memref<!tpu.dma_semaphore, #tpu.memory_space<semaphore_mem>>)
        %dma_wait3A_58 = arith.constant 0 : i32
        %dma_wait3A_59 = tpu.memref_slice %arg6[%mul3A_50, %dma_wait3A_58] : memref<10016x128xf32, #tpu.memory_space<vmem_shared>> -> memref<632x128xf32, #tpu.memory_space<vmem_shared>>
        %dma_wait3A_60 = arith.constant 0 : i32
        %dma_wait3A_61 = tpu.memref_slice %arg2[%add3A_53, %dma_wait3A_60] : memref<20000x128xf32, #tpu.memory_space<hbm>> -> memref<632x128xf32, #tpu.memory_space<hbm>>
        tpu.wait_dma2 semaphore(%run_scoped3A : memref<!tpu.dma_semaphore, #tpu.memory_space<semaphore_mem>>) src(%dma_wait3A_61 : memref<632x128xf32, #tpu.memory_space<hbm>>) dst(%dma_wait3A_59 : memref<632x128xf32, #tpu.memory_space<vmem_shared>>)
        tpu.yield
      }) : () -> ()
    } else {
    }
    %eq3A = arith.constant 15 : i32
    %eq3A_5 = arith.cmpi eq, %arg1, %eq3A : i32
    %convert_element_type3A_6 = arith.extui %eq3A_5 : i1 to i32
    %cond3A_7 = arith.constant 0 : i32
    %cond3A_8 = arith.cmpi ne, %convert_element_type3A_6, %cond3A_7 : i32
    scf.if %cond3A_8 {
      %mul3A_49 = arith.constant 10000 : i32
      %mul3A_50 = arith.muli %arg0, %mul3A_49 : i32
      %add3A_51 = arith.constant 9480 : i32
      %add3A_52 = arith.addi %mul3A_50, %add3A_51 : i32
      "tpu.region"() ({
        %run_scoped3A = tpu.sem_alloc : memref<!tpu.dma_semaphore, #tpu.memory_space<semaphore_mem>>
        %dma_start3A_53 = arith.constant 9480 : i32
        %dma_start3A_54 = arith.constant 0 : i32
        %dma_start3A_55 = tpu.memref_slice %arg6[%dma_start3A_53, %dma_start3A_54] : memref<10016x128xf32, #tpu.memory_space<vmem_shared>> -> memref<520x128xf32, #tpu.memory_space<vmem_shared>>
        %dma_start3A_56 = arith.constant 0 : i32
        %dma_start3A_57 = tpu.memref_slice %arg2[%add3A_52, %dma_start3A_56] : memref<20000x128xf32, #tpu.memory_space<hbm>> -> memref<520x128xf32, #tpu.memory_space<hbm>>
        tpu.enqueue_dma source(%dma_start3A_57 : memref<520x128xf32, #tpu.memory_space<hbm>>) target(%dma_start3A_55 : memref<520x128xf32, #tpu.memory_space<vmem_shared>>) target_semaphore(%run_scoped3A : memref<!tpu.dma_semaphore, #tpu.memory_space<semaphore_mem>>)
        %dma_wait3A_58 = arith.constant 9480 : i32
        %dma_wait3A_59 = arith.constant 0 : i32
        %dma_wait3A_60 = tpu.memref_slice %arg6[%dma_wait3A_58, %dma_wait3A_59] : memref<10016x128xf32, #tpu.memory_space<vmem_shared>> -> memref<520x128xf32, #tpu.memory_space<vmem_shared>>
        %dma_wait3A_61 = arith.constant 0 : i32
        %dma_wait3A_62 = tpu.memref_slice %arg2[%add3A_52, %dma_wait3A_61] : memref<20000x128xf32, #tpu.memory_space<hbm>> -> memref<520x128xf32, #tpu.memory_space<hbm>>
        tpu.wait_dma2 semaphore(%run_scoped3A : memref<!tpu.dma_semaphore, #tpu.memory_space<semaphore_mem>>) src(%dma_wait3A_62 : memref<520x128xf32, #tpu.memory_space<hbm>>) dst(%dma_wait3A_60 : memref<520x128xf32, #tpu.memory_space<vmem_shared>>)
        tpu.yield
      }) : () -> ()
    } else {
    }
    %barrier3A = arith.constant 0 : index
    tpu.barrier barrier_id(%barrier3A)
    %add3A_9 = arith.constant 0 : i32
    %add3A_10 = arith.addi %add3A, %add3A_9 : i32
    %dma_start3A = tpu.memref_slice %arg3[%add3A_10] : memref<647168xi32, #tpu.memory_space<hbm>> -> memref<128xi32, #tpu.memory_space<hbm>>
    %dma_start3A_11 = tpu.memref_slice %arg3[%add3A_10] : memref<647168xi32, #tpu.memory_space<hbm>> -> memref<128xi32, #tpu.memory_space<hbm>>
    tpu.enqueue_dma source(%dma_start3A_11 : memref<128xi32, #tpu.memory_space<hbm>>) target(%arg7 : memref<128xi32, #tpu.memory_space<vmem>>) target_semaphore(%arg13 : memref<!tpu.dma_semaphore, #tpu.memory_space<semaphore_mem>>)
    %add3A_12 = arith.constant 0 : i32
    %add3A_13 = arith.addi %add3A, %add3A_12 : i32
    %dma_start3A_14 = tpu.memref_slice %arg4[%add3A_13] : memref<647168xi32, #tpu.memory_space<hbm>> -> memref<128xi32, #tpu.memory_space<hbm>>
    %dma_start3A_15 = tpu.memref_slice %arg4[%add3A_13] : memref<647168xi32, #tpu.memory_space<hbm>> -> memref<128xi32, #tpu.memory_space<hbm>>
    tpu.enqueue_dma source(%dma_start3A_15 : memref<128xi32, #tpu.memory_space<hbm>>) target(%arg8 : memref<128xi32, #tpu.memory_space<vmem>>) target_semaphore(%arg13 : memref<!tpu.dma_semaphore, #tpu.memory_space<semaphore_mem>>)
    %add3A_16 = arith.constant 0 : i32
    %add3A_17 = arith.addi %add3A, %add3A_16 : i32
    %dma_wait3A = tpu.memref_slice %arg3[%add3A_17] : memref<647168xi32, #tpu.memory_space<hbm>> -> memref<128xi32, #tpu.memory_space<hbm>>
    %dma_wait3A_18 = tpu.memref_slice %arg3[%add3A_17] : memref<647168xi32, #tpu.memory_space<hbm>> -> memref<128xi32, #tpu.memory_space<hbm>>
    tpu.wait_dma2 semaphore(%arg13 : memref<!tpu.dma_semaphore, #tpu.memory_space<semaphore_mem>>) src(%dma_wait3A_18 : memref<128xi32, #tpu.memory_space<hbm>>) dst(%arg7 : memref<128xi32, #tpu.memory_space<vmem>>)
    %add3A_19 = arith.constant 0 : i32
    %add3A_20 = arith.addi %add3A, %add3A_19 : i32
    %dma_wait3A_21 = tpu.memref_slice %arg4[%add3A_20] : memref<647168xi32, #tpu.memory_space<hbm>> -> memref<128xi32, #tpu.memory_space<hbm>>
    %dma_wait3A_22 = tpu.memref_slice %arg4[%add3A_20] : memref<647168xi32, #tpu.memory_space<hbm>> -> memref<128xi32, #tpu.memory_space<hbm>>
    tpu.wait_dma2 semaphore(%arg13 : memref<!tpu.dma_semaphore, #tpu.memory_space<semaphore_mem>>) src(%dma_wait3A_22 : memref<128xi32, #tpu.memory_space<hbm>>) dst(%arg8 : memref<128xi32, #tpu.memory_space<vmem>>)
    %add3A_23 = arith.constant 128 : i32
    %add3A_24 = arith.addi %add3A, %add3A_23 : i32
    %dma_start3A_25 = tpu.memref_slice %arg3[%add3A_24] : memref<647168xi32, #tpu.memory_space<hbm>> -> memref<128xi32, #tpu.memory_space<hbm>>
    %dma_start3A_26 = tpu.memref_slice %arg3[%add3A_24] : memref<647168xi32, #tpu.memory_space<hbm>> -> memref<128xi32, #tpu.memory_space<hbm>>
    tpu.enqueue_dma source(%dma_start3A_26 : memref<128xi32, #tpu.memory_space<hbm>>) target(%arg9 : memref<128xi32, #tpu.memory_space<vmem>>) target_semaphore(%arg14 : memref<!tpu.dma_semaphore, #tpu.memory_space<semaphore_mem>>)
    %add3A_27 = arith.constant 128 : i32
    %add3A_28 = arith.addi %add3A, %add3A_27 : i32
    %dma_start3A_29 = tpu.memref_slice %arg4[%add3A_28] : memref<647168xi32, #tpu.memory_space<hbm>> -> memref<128xi32, #tpu.memory_space<hbm>>
    %dma_start3A_30 = tpu.memref_slice %arg4[%add3A_28] : memref<647168xi32, #tpu.memory_space<hbm>> -> memref<128xi32, #tpu.memory_space<hbm>>
    tpu.enqueue_dma source(%dma_start3A_30 : memref<128xi32, #tpu.memory_space<hbm>>) target(%arg10 : memref<128xi32, #tpu.memory_space<vmem>>) target_semaphore(%arg14 : memref<!tpu.dma_semaphore, #tpu.memory_space<semaphore_mem>>)
    %dma_start3A_31 = arith.constant 0 : i32
    %dma_start3A_32 = arith.constant 0 : i32
    %dma_start3A_33 = tpu.memref_slice %arg2[%dma_start3A_31, %dma_start3A_32] : memref<20000x128xf32, #tpu.memory_space<hbm>> -> memref<20000x128xf32, #tpu.memory_space<hbm>>
    tpu.enqueue_indirect_dma source(%dma_start3A_33 : memref<20000x128xf32, #tpu.memory_space<hbm>>) target(%arg11 : memref<128x128xf32, #tpu.memory_space<vmem>>) offsets(%arg7 : memref<128xi32, #tpu.memory_space<vmem>>) semaphore(%arg15 : memref<!tpu.dma_semaphore, #tpu.memory_space<semaphore_mem>>)
    %scan3A = arith.constant 0 : i32
    %scan3A_34 = arith.constant 79 : i32
    %scan3A_35 = arith.addi %scan3A, %scan3A_34 : i32
    %scan3A_36 = arith.constant 1 : i32
    scf.for %scan3A_49 = %scan3A to %scan3A_35 step %scan3A_36  : i32 {
      %mul3A_50 = arith.constant 2 : i32
      %mul3A_51 = arith.muli %scan3A_49, %mul3A_50 : i32
      %add3A_52 = arith.constant 0 : i32
      %add3A_53 = arith.addi %add3A_52, %mul3A_51 : i32
      %dma_wait3A_54 = arith.constant 0 : i32
      %dma_wait3A_55 = arith.constant 0 : i32
      %dma_wait3A_56 = tpu.memref_slice %arg2[%dma_wait3A_54, %dma_wait3A_55] : memref<20000x128xf32, #tpu.memory_space<hbm>> -> memref<20000x128xf32, #tpu.memory_space<hbm>>
      tpu.wait_indirect_dma semaphore(%arg15 : memref<!tpu.dma_semaphore, #tpu.memory_space<semaphore_mem>>) src(%dma_wait3A_56 : memref<20000x128xf32, #tpu.memory_space<hbm>>) dst(%arg11 : memref<128x128xf32, #tpu.memory_space<vmem>>)
      %add3A_57 = arith.constant 1 : i32
      %add3A_58 = arith.addi %add3A_53, %add3A_57 : i32
      %mul3A_59 = arith.constant 128 : i32
      %mul3A_60 = arith.muli %add3A_58, %mul3A_59 : i32
      %add3A_61 = arith.addi %add3A, %mul3A_60 : i32
      %dma_wait3A_62 = tpu.memref_slice %arg3[%add3A_61] : memref<647168xi32, #tpu.memory_space<hbm>> -> memref<128xi32, #tpu.memory_space<hbm>>
      %dma_wait3A_63 = tpu.memref_slice %arg3[%add3A_61] : memref<647168xi32, #tpu.memory_space<hbm>> -> memref<128xi32, #tpu.memory_space<hbm>>
      tpu.wait_dma2 semaphore(%arg14 : memref<!tpu.dma_semaphore, #tpu.memory_space<semaphore_mem>>) src(%dma_wait3A_63 : memref<128xi32, #tpu.memory_space<hbm>>) dst(%arg9 : memref<128xi32, #tpu.memory_space<vmem>>)
      %mul3A_64 = arith.constant 128 : i32
      %mul3A_65 = arith.muli %add3A_58, %mul3A_64 : i32
      %add3A_66 = arith.addi %add3A, %mul3A_65 : i32
      %dma_wait3A_67 = tpu.memref_slice %arg4[%add3A_66] : memref<647168xi32, #tpu.memory_space<hbm>> -> memref<128xi32, #tpu.memory_space<hbm>>
      %dma_wait3A_68 = tpu.memref_slice %arg4[%add3A_66] : memref<647168xi32, #tpu.memory_space<hbm>> -> memref<128xi32, #tpu.memory_space<hbm>>
      tpu.wait_dma2 semaphore(%arg14 : memref<!tpu.dma_semaphore, #tpu.memory_space<semaphore_mem>>) src(%dma_wait3A_68 : memref<128xi32, #tpu.memory_space<hbm>>) dst(%arg10 : memref<128xi32, #tpu.memory_space<vmem>>)
      %dma_start3A_69 = arith.constant 0 : i32
      %dma_start3A_70 = arith.constant 0 : i32
      %dma_start3A_71 = tpu.memref_slice %arg2[%dma_start3A_69, %dma_start3A_70] : memref<20000x128xf32, #tpu.memory_space<hbm>> -> memref<20000x128xf32, #tpu.memory_space<hbm>>
      tpu.enqueue_indirect_dma source(%dma_start3A_71 : memref<20000x128xf32, #tpu.memory_space<hbm>>) target(%arg12 : memref<128x128xf32, #tpu.memory_space<vmem>>) offsets(%arg9 : memref<128xi32, #tpu.memory_space<vmem>>) semaphore(%arg16 : memref<!tpu.dma_semaphore, #tpu.memory_space<semaphore_mem>>)
      "tpu.region"() ({
        %run_scoped3A = tpu.sem_alloc : memref<!tpu.dma_semaphore, #tpu.memory_space<semaphore_mem>>
        %dma_start3A_96 = arith.constant 0 : i32
        %dma_start3A_97 = arith.constant 0 : i32
        %dma_start3A_98 = tpu.memref_slice %arg6[%dma_start3A_96, %dma_start3A_97] : memref<10016x128xf32, #tpu.memory_space<vmem_shared>> -> memref<10016x128xf32, #tpu.memory_space<vmem_shared>>
        tpu.enqueue_indirect_dma source(%arg11 : memref<128x128xf32, #tpu.memory_space<vmem>>) target(%dma_start3A_98 : memref<10016x128xf32, #tpu.memory_space<vmem_shared>>) offsets(%arg8 : memref<128xi32, #tpu.memory_space<vmem>>) semaphore(%run_scoped3A : memref<!tpu.dma_semaphore, #tpu.memory_space<semaphore_mem>>) {add = true}
        %dma_wait3A_99 = arith.constant 0 : i32
        %dma_wait3A_100 = arith.constant 0 : i32
        %dma_wait3A_101 = tpu.memref_slice %arg6[%dma_wait3A_99, %dma_wait3A_100] : memref<10016x128xf32, #tpu.memory_space<vmem_shared>> -> memref<10016x128xf32, #tpu.memory_space<vmem_shared>>
        tpu.wait_indirect_dma semaphore(%run_scoped3A : memref<!tpu.dma_semaphore, #tpu.memory_space<semaphore_mem>>) src(%arg11 : memref<128x128xf32, #tpu.memory_space<vmem>>) dst(%dma_wait3A_101 : memref<10016x128xf32, #tpu.memory_space<vmem_shared>>)
        tpu.yield
      }) : () -> ()
      %add3A_72 = arith.constant 2 : i32
      %add3A_73 = arith.addi %add3A_53, %add3A_72 : i32
      %lt3A_74 = arith.constant 158 : i32
      %lt3A_75 = arith.cmpi slt, %add3A_73, %lt3A_74 : i32
      %convert_element_type3A_76 = arith.extui %lt3A_75 : i1 to i32
      %cond3A_77 = arith.constant 0 : i32
      %cond3A_78 = arith.cmpi ne, %convert_element_type3A_76, %cond3A_77 : i32
      scf.if %cond3A_78 {
        %add3A_96 = arith.constant 2 : i32
        %add3A_97 = arith.addi %add3A_53, %add3A_96 : i32
        %mul3A_98 = arith.constant 128 : i32
        %mul3A_99 = arith.muli %add3A_97, %mul3A_98 : i32
        %add3A_100 = arith.addi %add3A, %mul3A_99 : i32
        %dma_start3A_101 = tpu.memref_slice %arg3[%add3A_100] : memref<647168xi32, #tpu.memory_space<hbm>> -> memref<128xi32, #tpu.memory_space<hbm>>
        %dma_start3A_102 = tpu.memref_slice %arg3[%add3A_100] : memref<647168xi32, #tpu.memory_space<hbm>> -> memref<128xi32, #tpu.memory_space<hbm>>
        tpu.enqueue_dma source(%dma_start3A_102 : memref<128xi32, #tpu.memory_space<hbm>>) target(%arg7 : memref<128xi32, #tpu.memory_space<vmem>>) target_semaphore(%arg13 : memref<!tpu.dma_semaphore, #tpu.memory_space<semaphore_mem>>)
        %mul3A_103 = arith.constant 128 : i32
        %mul3A_104 = arith.muli %add3A_97, %mul3A_103 : i32
        %add3A_105 = arith.addi %add3A, %mul3A_104 : i32
        %dma_start3A_106 = tpu.memref_slice %arg4[%add3A_105] : memref<647168xi32, #tpu.memory_space<hbm>> -> memref<128xi32, #tpu.memory_space<hbm>>
        %dma_start3A_107 = tpu.memref_slice %arg4[%add3A_105] : memref<647168xi32, #tpu.memory_space<hbm>> -> memref<128xi32, #tpu.memory_space<hbm>>
        tpu.enqueue_dma source(%dma_start3A_107 : memref<128xi32, #tpu.memory_space<hbm>>) target(%arg8 : memref<128xi32, #tpu.memory_space<vmem>>) target_semaphore(%arg13 : memref<!tpu.dma_semaphore, #tpu.memory_space<semaphore_mem>>)
      } else {
      }
      %dma_wait3A_79 = arith.constant 0 : i32
      %dma_wait3A_80 = arith.constant 0 : i32
      %dma_wait3A_81 = tpu.memref_slice %arg2[%dma_wait3A_79, %dma_wait3A_80] : memref<20000x128xf32, #tpu.memory_space<hbm>> -> memref<20000x128xf32, #tpu.memory_space<hbm>>
      tpu.wait_indirect_dma semaphore(%arg16 : memref<!tpu.dma_semaphore, #tpu.memory_space<semaphore_mem>>) src(%dma_wait3A_81 : memref<20000x128xf32, #tpu.memory_space<hbm>>) dst(%arg12 : memref<128x128xf32, #tpu.memory_space<vmem>>)
      %add3A_82 = arith.constant 2 : i32
      %add3A_83 = arith.addi %add3A_53, %add3A_82 : i32
      %lt3A_84 = arith.constant 158 : i32
      %lt3A_85 = arith.cmpi slt, %add3A_83, %lt3A_84 : i32
      %convert_element_type3A_86 = arith.extui %lt3A_85 : i1 to i32
      %cond3A_87 = arith.constant 0 : i32
      %cond3A_88 = arith.cmpi ne, %convert_element_type3A_86, %cond3A_87 : i32
      scf.if %cond3A_88 {
        %add3A_96 = arith.constant 2 : i32
        %add3A_97 = arith.addi %add3A_53, %add3A_96 : i32
        %mul3A_98 = arith.constant 128 : i32
        %mul3A_99 = arith.muli %add3A_97, %mul3A_98 : i32
        %add3A_100 = arith.addi %add3A, %mul3A_99 : i32
        %dma_wait3A_101 = tpu.memref_slice %arg3[%add3A_100] : memref<647168xi32, #tpu.memory_space<hbm>> -> memref<128xi32, #tpu.memory_space<hbm>>
        %dma_wait3A_102 = tpu.memref_slice %arg3[%add3A_100] : memref<647168xi32, #tpu.memory_space<hbm>> -> memref<128xi32, #tpu.memory_space<hbm>>
        tpu.wait_dma2 semaphore(%arg13 : memref<!tpu.dma_semaphore, #tpu.memory_space<semaphore_mem>>) src(%dma_wait3A_102 : memref<128xi32, #tpu.memory_space<hbm>>) dst(%arg7 : memref<128xi32, #tpu.memory_space<vmem>>)
        %mul3A_103 = arith.constant 128 : i32
        %mul3A_104 = arith.muli %add3A_97, %mul3A_103 : i32
        %add3A_105 = arith.addi %add3A, %mul3A_104 : i32
        %dma_wait3A_106 = tpu.memref_slice %arg4[%add3A_105] : memref<647168xi32, #tpu.memory_space<hbm>> -> memref<128xi32, #tpu.memory_space<hbm>>
        %dma_wait3A_107 = tpu.memref_slice %arg4[%add3A_105] : memref<647168xi32, #tpu.memory_space<hbm>> -> memref<128xi32, #tpu.memory_space<hbm>>
        tpu.wait_dma2 semaphore(%arg13 : memref<!tpu.dma_semaphore, #tpu.memory_space<semaphore_mem>>) src(%dma_wait3A_107 : memref<128xi32, #tpu.memory_space<hbm>>) dst(%arg8 : memref<128xi32, #tpu.memory_space<vmem>>)
        %dma_start3A_108 = arith.constant 0 : i32
        %dma_start3A_109 = arith.constant 0 : i32
        %dma_start3A_110 = tpu.memref_slice %arg2[%dma_start3A_108, %dma_start3A_109] : memref<20000x128xf32, #tpu.memory_space<hbm>> -> memref<20000x128xf32, #tpu.memory_space<hbm>>
        tpu.enqueue_indirect_dma source(%dma_start3A_110 : memref<20000x128xf32, #tpu.memory_space<hbm>>) target(%arg11 : memref<128x128xf32, #tpu.memory_space<vmem>>) offsets(%arg7 : memref<128xi32, #tpu.memory_space<vmem>>) semaphore(%arg15 : memref<!tpu.dma_semaphore, #tpu.memory_space<semaphore_mem>>)
      } else {
      }
      "tpu.region"() ({
        %run_scoped3A = tpu.sem_alloc : memref<!tpu.dma_semaphore, #tpu.memory_space<semaphore_mem>>
        %dma_start3A_96 = arith.constant 0 : i32
        %dma_start3A_97 = arith.constant 0 : i32
        %dma_start3A_98 = tpu.memref_slice %arg6[%dma_start3A_96, %dma_start3A_97] : memref<10016x128xf32, #tpu.memory_space<vmem_shared>> -> memref<10016x128xf32, #tpu.memory_space<vmem_shared>>
        tpu.enqueue_indirect_dma source(%arg12 : memref<128x128xf32, #tpu.memory_space<vmem>>) target(%dma_start3A_98 : memref<10016x128xf32, #tpu.memory_space<vmem_shared>>) offsets(%arg10 : memref<128xi32, #tpu.memory_space<vmem>>) semaphore(%run_scoped3A : memref<!tpu.dma_semaphore, #tpu.memory_space<semaphore_mem>>) {add = true}
        %dma_wait3A_99 = arith.constant 0 : i32
        %dma_wait3A_100 = arith.constant 0 : i32
        %dma_wait3A_101 = tpu.memref_slice %arg6[%dma_wait3A_99, %dma_wait3A_100] : memref<10016x128xf32, #tpu.memory_space<vmem_shared>> -> memref<10016x128xf32, #tpu.memory_space<vmem_shared>>
        tpu.wait_indirect_dma semaphore(%run_scoped3A : memref<!tpu.dma_semaphore, #tpu.memory_space<semaphore_mem>>) src(%arg12 : memref<128x128xf32, #tpu.memory_space<vmem>>) dst(%dma_wait3A_101 : memref<10016x128xf32, #tpu.memory_space<vmem_shared>>)
        tpu.yield
      }) : () -> ()
      %add3A_89 = arith.constant 3 : i32
      %add3A_90 = arith.addi %add3A_53, %add3A_89 : i32
      %lt3A_91 = arith.constant 158 : i32
      %lt3A_92 = arith.cmpi slt, %add3A_90, %lt3A_91 : i32
      %convert_element_type3A_93 = arith.extui %lt3A_92 : i1 to i32
      %cond3A_94 = arith.constant 0 : i32
      %cond3A_95 = arith.cmpi ne, %convert_element_type3A_93, %cond3A_94 : i32
      scf.if %cond3A_95 {
        %add3A_96 = arith.constant 3 : i32
        %add3A_97 = arith.addi %add3A_53, %add3A_96 : i32
        %mul3A_98 = arith.constant 128 : i32
        %mul3A_99 = arith.muli %add3A_97, %mul3A_98 : i32
        %add3A_100 = arith.addi %add3A, %mul3A_99 : i32
        %dma_start3A_101 = tpu.memref_slice %arg3[%add3A_100] : memref<647168xi32, #tpu.memory_space<hbm>> -> memref<128xi32, #tpu.memory_space<hbm>>
        %dma_start3A_102 = tpu.memref_slice %arg3[%add3A_100] : memref<647168xi32, #tpu.memory_space<hbm>> -> memref<128xi32, #tpu.memory_space<hbm>>
        tpu.enqueue_dma source(%dma_start3A_102 : memref<128xi32, #tpu.memory_space<hbm>>) target(%arg9 : memref<128xi32, #tpu.memory_space<vmem>>) target_semaphore(%arg14 : memref<!tpu.dma_semaphore, #tpu.memory_space<semaphore_mem>>)
        %mul3A_103 = arith.constant 128 : i32
        %mul3A_104 = arith.muli %add3A_97, %mul3A_103 : i32
        %add3A_105 = arith.addi %add3A, %mul3A_104 : i32
        %dma_start3A_106 = tpu.memref_slice %arg4[%add3A_105] : memref<647168xi32, #tpu.memory_space<hbm>> -> memref<128xi32, #tpu.memory_space<hbm>>
        %dma_start3A_107 = tpu.memref_slice %arg4[%add3A_105] : memref<647168xi32, #tpu.memory_space<hbm>> -> memref<128xi32, #tpu.memory_space<hbm>>
        tpu.enqueue_dma source(%dma_start3A_107 : memref<128xi32, #tpu.memory_space<hbm>>) target(%arg10 : memref<128xi32, #tpu.memory_space<vmem>>) target_semaphore(%arg14 : memref<!tpu.dma_semaphore, #tpu.memory_space<semaphore_mem>>)
      } else {
      }
    }
    %scan3A_37 = arith.constant 79 : i32
    %barrier3A_38 = arith.constant 0 : index
    tpu.barrier barrier_id(%barrier3A_38)
    %lt3A_39 = arith.constant 15 : i32
    %lt3A_40 = arith.cmpi slt, %arg1, %lt3A_39 : i32
    %convert_element_type3A_41 = arith.extui %lt3A_40 : i1 to i32
    %cond3A_42 = arith.constant 0 : i32
    %cond3A_43 = arith.cmpi ne, %convert_element_type3A_41, %cond3A_42 : i32
    scf.if %cond3A_43 {
      %mul3A_49 = arith.constant 632 : i32
      %mul3A_50 = arith.muli %arg1, %mul3A_49 : i32
      %mul3A_51 = arith.constant 10000 : i32
      %mul3A_52 = arith.muli %arg0, %mul3A_51 : i32
      %add3A_53 = arith.addi %mul3A_52, %mul3A_50 : i32
      "tpu.region"() ({
        %run_scoped3A = tpu.sem_alloc : memref<!tpu.dma_semaphore, #tpu.memory_space<semaphore_mem>>
        %dma_start3A_54 = arith.constant 0 : i32
        %dma_start3A_55 = tpu.memref_slice %arg5[%add3A_53, %dma_start3A_54] : memref<20000x128xf32, #tpu.memory_space<hbm>> -> memref<632x128xf32, #tpu.memory_space<hbm>>
        %dma_start3A_56 = arith.constant 0 : i32
        %dma_start3A_57 = tpu.memref_slice %arg6[%mul3A_50, %dma_start3A_56] : memref<10016x128xf32, #tpu.memory_space<vmem_shared>> -> memref<632x128xf32, #tpu.memory_space<vmem_shared>>
        tpu.enqueue_dma source(%dma_start3A_57 : memref<632x128xf32, #tpu.memory_space<vmem_shared>>) target(%dma_start3A_55 : memref<632x128xf32, #tpu.memory_space<hbm>>) target_semaphore(%run_scoped3A : memref<!tpu.dma_semaphore, #tpu.memory_space<semaphore_mem>>)
        %dma_wait3A_58 = arith.constant 0 : i32
        %dma_wait3A_59 = tpu.memref_slice %arg5[%add3A_53, %dma_wait3A_58] : memref<20000x128xf32, #tpu.memory_space<hbm>> -> memref<632x128xf32, #tpu.memory_space<hbm>>
        %dma_wait3A_60 = arith.constant 0 : i32
        %dma_wait3A_61 = tpu.memref_slice %arg6[%mul3A_50, %dma_wait3A_60] : memref<10016x128xf32, #tpu.memory_space<vmem_shared>> -> memref<632x128xf32, #tpu.memory_space<vmem_shared>>
        tpu.wait_dma2 semaphore(%run_scoped3A : memref<!tpu.dma_semaphore, #tpu.memory_space<semaphore_mem>>) src(%dma_wait3A_61 : memref<632x128xf32, #tpu.memory_space<vmem_shared>>) dst(%dma_wait3A_59 : memref<632x128xf32, #tpu.memory_space<hbm>>)
        tpu.yield
      }) : () -> ()
    } else {
    }
    %eq3A_44 = arith.constant 15 : i32
    %eq3A_45 = arith.cmpi eq, %arg1, %eq3A_44 : i32
    %convert_element_type3A_46 = arith.extui %eq3A_45 : i1 to i32
    %cond3A_47 = arith.constant 0 : i32
    %cond3A_48 = arith.cmpi ne, %convert_element_type3A_46, %cond3A_47 : i32
    scf.if %cond3A_48 {
      %mul3A_49 = arith.constant 10000 : i32
      %mul3A_50 = arith.muli %arg0, %mul3A_49 : i32
      %add3A_51 = arith.constant 9480 : i32
      %add3A_52 = arith.addi %mul3A_50, %add3A_51 : i32
      "tpu.region"() ({
        %run_scoped3A = tpu.sem_alloc : memref<!tpu.dma_semaphore, #tpu.memory_space<semaphore_mem>>
        %dma_start3A_53 = arith.constant 0 : i32
        %dma_start3A_54 = tpu.memref_slice %arg5[%add3A_52, %dma_start3A_53] : memref<20000x128xf32, #tpu.memory_space<hbm>> -> memref<520x128xf32, #tpu.memory_space<hbm>>
        %dma_start3A_55 = arith.constant 9480 : i32
        %dma_start3A_56 = arith.constant 0 : i32
        %dma_start3A_57 = tpu.memref_slice %arg6[%dma_start3A_55, %dma_start3A_56] : memref<10016x128xf32, #tpu.memory_space<vmem_shared>> -> memref<520x128xf32, #tpu.memory_space<vmem_shared>>
        tpu.enqueue_dma source(%dma_start3A_57 : memref<520x128xf32, #tpu.memory_space<vmem_shared>>) target(%dma_start3A_54 : memref<520x128xf32, #tpu.memory_space<hbm>>) target_semaphore(%run_scoped3A : memref<!tpu.dma_semaphore, #tpu.memory_space<semaphore_mem>>)
        %dma_wait3A_58 = arith.constant 0 : i32
        %dma_wait3A_59 = tpu.memref_slice %arg5[%add3A_52, %dma_wait3A_58] : memref<20000x128xf32, #tpu.memory_space<hbm>> -> memref<520x128xf32, #tpu.memory_space<hbm>>
        %dma_wait3A_60 = arith.constant 9480 : i32
        %dma_wait3A_61 = arith.constant 0 : i32
        %dma_wait3A_62 = tpu.memref_slice %arg6[%dma_wait3A_60, %dma_wait3A_61] : memref<10016x128xf32, #tpu.memory_space<vmem_shared>> -> memref<520x128xf32, #tpu.memory_space<vmem_shared>>
        tpu.wait_dma2 semaphore(%run_scoped3A : memref<!tpu.dma_semaphore, #tpu.memory_space<semaphore_mem>>) src(%dma_wait3A_62 : memref<520x128xf32, #tpu.memory_space<vmem_shared>>) dst(%dma_wait3A_59 : memref<520x128xf32, #tpu.memory_space<hbm>>)
        tpu.yield
      }) : () -> ()
    } else {
    }
    return
  }
}

#map = affine_map<(d0, d1) -> (0, 0)>
#map1 = affine_map<(d0, d1) -> (0)>
module attributes {stable_mosaic.version = 14 : i64} {
  func.func @agg_kernel(%arg0: i32, %arg1: i32, %arg2: memref<20000x128xf32, #tpu.memory_space<hbm>>, %arg3: memref<647168xi32, #tpu.memory_space<hbm>>, %arg4: memref<647168xi32, #tpu.memory_space<hbm>>, %arg5: memref<20000x128xf32, #tpu.memory_space<hbm>>, %arg6: memref<10016x128xf32, #tpu.memory_space<vmem_shared>>, %arg7: memref<128xi32, #tpu.memory_space<vmem>>, %arg8: memref<128xi32, #tpu.memory_space<vmem>>, %arg9: memref<128xi32, #tpu.memory_space<vmem>>, %arg10: memref<128xi32, #tpu.memory_space<vmem>>, %arg11: memref<128x128xf32, #tpu.memory_space<vmem>>, %arg12: memref<128x128xf32, #tpu.memory_space<vmem>>, %arg13: memref<!tpu.dma_semaphore, #tpu.memory_space<semaphore_mem>>, %arg14: memref<!tpu.dma_semaphore, #tpu.memory_space<semaphore_mem>>, %arg15: memref<!tpu.dma_semaphore, #tpu.memory_space<semaphore_mem>>, %arg16: memref<!tpu.dma_semaphore, #tpu.memory_space<semaphore_mem>>) attributes {dimension_semantics = [#tpu.dimension_semantics<core_parallel>, #tpu.dimension_semantics<subcore_parallel>], iteration_bounds = array<i64: 2, 16>, scalar_prefetch = 0 : i64, scratch_operands = 11 : i64, tpu.core_type = #tpu.core_type<sc_vector_subcore>, window_params = [{transform_indices = #map}, {transform_indices = #map1}, {transform_indices = #map1}, {transform_indices = #map}]} {
    %mul3A = arith.constant 323584 : i32
    %mul3A_0 = arith.muli %arg0, %mul3A : i32
    %mul3A_1 = arith.constant 20224 : i32
    %mul3A_2 = arith.muli %arg1, %mul3A_1 : i32
    %add3A = arith.addi %mul3A_0, %mul3A_2 : i32
    %lt3A = arith.constant 15 : i32
    %lt3A_3 = arith.cmpi slt, %arg1, %lt3A : i32
    %convert_element_type3A = arith.extui %lt3A_3 : i1 to i32
    %cond3A = arith.constant 0 : i32
    %cond3A_4 = arith.cmpi ne, %convert_element_type3A, %cond3A : i32
    scf.if %cond3A_4 {
      %mul3A_49 = arith.constant 632 : i32
      %mul3A_50 = arith.muli %arg1, %mul3A_49 : i32
      %mul3A_51 = arith.constant 10000 : i32
      %mul3A_52 = arith.muli %arg0, %mul3A_51 : i32
      %add3A_53 = arith.addi %mul3A_52, %mul3A_50 : i32
      "tpu.region"() ({
        %run_scoped3A = tpu.sem_alloc : memref<!tpu.dma_semaphore, #tpu.memory_space<semaphore_mem>>
        %dma_start3A_54 = arith.constant 0 : i32
        %dma_start3A_55 = tpu.memref_slice %arg6[%mul3A_50, %dma_start3A_54] : memref<10016x128xf32, #tpu.memory_space<vmem_shared>> -> memref<632x128xf32, #tpu.memory_space<vmem_shared>>
        %dma_start3A_56 = arith.constant 0 : i32
        %dma_start3A_57 = tpu.memref_slice %arg2[%add3A_53, %dma_start3A_56] : memref<20000x128xf32, #tpu.memory_space<hbm>> -> memref<632x128xf32, #tpu.memory_space<hbm>>
        tpu.enqueue_dma source(%dma_start3A_57 : memref<632x128xf32, #tpu.memory_space<hbm>>) target(%dma_start3A_55 : memref<632x128xf32, #tpu.memory_space<vmem_shared>>) target_semaphore(%run_scoped3A : memref<!tpu.dma_semaphore, #tpu.memory_space<semaphore_mem>>)
        %dma_wait3A_58 = arith.constant 0 : i32
        %dma_wait3A_59 = tpu.memref_slice %arg6[%mul3A_50, %dma_wait3A_58] : memref<10016x128xf32, #tpu.memory_space<vmem_shared>> -> memref<632x128xf32, #tpu.memory_space<vmem_shared>>
        %dma_wait3A_60 = arith.constant 0 : i32
        %dma_wait3A_61 = tpu.memref_slice %arg2[%add3A_53, %dma_wait3A_60] : memref<20000x128xf32, #tpu.memory_space<hbm>> -> memref<632x128xf32, #tpu.memory_space<hbm>>
        tpu.wait_dma2 semaphore(%run_scoped3A : memref<!tpu.dma_semaphore, #tpu.memory_space<semaphore_mem>>) src(%dma_wait3A_61 : memref<632x128xf32, #tpu.memory_space<hbm>>) dst(%dma_wait3A_59 : memref<632x128xf32, #tpu.memory_space<vmem_shared>>)
        tpu.yield
      }) : () -> ()
    } else {
    }
    %eq3A = arith.constant 15 : i32
    %eq3A_5 = arith.cmpi eq, %arg1, %eq3A : i32
    %convert_element_type3A_6 = arith.extui %eq3A_5 : i1 to i32
    %cond3A_7 = arith.constant 0 : i32
    %cond3A_8 = arith.cmpi ne, %convert_element_type3A_6, %cond3A_7 : i32
    scf.if %cond3A_8 {
      %mul3A_49 = arith.constant 10000 : i32
      %mul3A_50 = arith.muli %arg0, %mul3A_49 : i32
      %add3A_51 = arith.constant 9480 : i32
      %add3A_52 = arith.addi %mul3A_50, %add3A_51 : i32
      "tpu.region"() ({
        %run_scoped3A = tpu.sem_alloc : memref<!tpu.dma_semaphore, #tpu.memory_space<semaphore_mem>>
        %dma_start3A_53 = arith.constant 9480 : i32
        %dma_start3A_54 = arith.constant 0 : i32
        %dma_start3A_55 = tpu.memref_slice %arg6[%dma_start3A_53, %dma_start3A_54] : memref<10016x128xf32, #tpu.memory_space<vmem_shared>> -> memref<520x128xf32, #tpu.memory_space<vmem_shared>>
        %dma_start3A_56 = arith.constant 0 : i32
        %dma_start3A_57 = tpu.memref_slice %arg2[%add3A_52, %dma_start3A_56] : memref<20000x128xf32, #tpu.memory_space<hbm>> -> memref<520x128xf32, #tpu.memory_space<hbm>>
        tpu.enqueue_dma source(%dma_start3A_57 : memref<520x128xf32, #tpu.memory_space<hbm>>) target(%dma_start3A_55 : memref<520x128xf32, #tpu.memory_space<vmem_shared>>) target_semaphore(%run_scoped3A : memref<!tpu.dma_semaphore, #tpu.memory_space<semaphore_mem>>)
        %dma_wait3A_58 = arith.constant 9480 : i32
        %dma_wait3A_59 = arith.constant 0 : i32
        %dma_wait3A_60 = tpu.memref_slice %arg6[%dma_wait3A_58, %dma_wait3A_59] : memref<10016x128xf32, #tpu.memory_space<vmem_shared>> -> memref<520x128xf32, #tpu.memory_space<vmem_shared>>
        %dma_wait3A_61 = arith.constant 0 : i32
        %dma_wait3A_62 = tpu.memref_slice %arg2[%add3A_52, %dma_wait3A_61] : memref<20000x128xf32, #tpu.memory_space<hbm>> -> memref<520x128xf32, #tpu.memory_space<hbm>>
        tpu.wait_dma2 semaphore(%run_scoped3A : memref<!tpu.dma_semaphore, #tpu.memory_space<semaphore_mem>>) src(%dma_wait3A_62 : memref<520x128xf32, #tpu.memory_space<hbm>>) dst(%dma_wait3A_60 : memref<520x128xf32, #tpu.memory_space<vmem_shared>>)
        tpu.yield
      }) : () -> ()
    } else {
    }
    %barrier3A = arith.constant 0 : index
    tpu.barrier barrier_id(%barrier3A)
    %add3A_9 = arith.constant 0 : i32
    %add3A_10 = arith.addi %add3A, %add3A_9 : i32
    %dma_start3A = tpu.memref_slice %arg3[%add3A_10] : memref<647168xi32, #tpu.memory_space<hbm>> -> memref<128xi32, #tpu.memory_space<hbm>>
    %dma_start3A_11 = tpu.memref_slice %arg3[%add3A_10] : memref<647168xi32, #tpu.memory_space<hbm>> -> memref<128xi32, #tpu.memory_space<hbm>>
    tpu.enqueue_dma source(%dma_start3A_11 : memref<128xi32, #tpu.memory_space<hbm>>) target(%arg7 : memref<128xi32, #tpu.memory_space<vmem>>) target_semaphore(%arg13 : memref<!tpu.dma_semaphore, #tpu.memory_space<semaphore_mem>>)
    %add3A_12 = arith.constant 0 : i32
    %add3A_13 = arith.addi %add3A, %add3A_12 : i32
    %dma_start3A_14 = tpu.memref_slice %arg4[%add3A_13] : memref<647168xi32, #tpu.memory_space<hbm>> -> memref<128xi32, #tpu.memory_space<hbm>>
    %dma_start3A_15 = tpu.memref_slice %arg4[%add3A_13] : memref<647168xi32, #tpu.memory_space<hbm>> -> memref<128xi32, #tpu.memory_space<hbm>>
    tpu.enqueue_dma source(%dma_start3A_15 : memref<128xi32, #tpu.memory_space<hbm>>) target(%arg8 : memref<128xi32, #tpu.memory_space<vmem>>) target_semaphore(%arg13 : memref<!tpu.dma_semaphore, #tpu.memory_space<semaphore_mem>>)
    %add3A_16 = arith.constant 0 : i32
    %add3A_17 = arith.addi %add3A, %add3A_16 : i32
    %dma_wait3A = tpu.memref_slice %arg3[%add3A_17] : memref<647168xi32, #tpu.memory_space<hbm>> -> memref<128xi32, #tpu.memory_space<hbm>>
    %dma_wait3A_18 = tpu.memref_slice %arg3[%add3A_17] : memref<647168xi32, #tpu.memory_space<hbm>> -> memref<128xi32, #tpu.memory_space<hbm>>
    tpu.wait_dma2 semaphore(%arg13 : memref<!tpu.dma_semaphore, #tpu.memory_space<semaphore_mem>>) src(%dma_wait3A_18 : memref<128xi32, #tpu.memory_space<hbm>>) dst(%arg7 : memref<128xi32, #tpu.memory_space<vmem>>)
    %add3A_19 = arith.constant 0 : i32
    %add3A_20 = arith.addi %add3A, %add3A_19 : i32
    %dma_wait3A_21 = tpu.memref_slice %arg4[%add3A_20] : memref<647168xi32, #tpu.memory_space<hbm>> -> memref<128xi32, #tpu.memory_space<hbm>>
    %dma_wait3A_22 = tpu.memref_slice %arg4[%add3A_20] : memref<647168xi32, #tpu.memory_space<hbm>> -> memref<128xi32, #tpu.memory_space<hbm>>
    tpu.wait_dma2 semaphore(%arg13 : memref<!tpu.dma_semaphore, #tpu.memory_space<semaphore_mem>>) src(%dma_wait3A_22 : memref<128xi32, #tpu.memory_space<hbm>>) dst(%arg8 : memref<128xi32, #tpu.memory_space<vmem>>)
    %add3A_23 = arith.constant 128 : i32
    %add3A_24 = arith.addi %add3A, %add3A_23 : i32
    %dma_start3A_25 = tpu.memref_slice %arg3[%add3A_24] : memref<647168xi32, #tpu.memory_space<hbm>> -> memref<128xi32, #tpu.memory_space<hbm>>
    %dma_start3A_26 = tpu.memref_slice %arg3[%add3A_24] : memref<647168xi32, #tpu.memory_space<hbm>> -> memref<128xi32, #tpu.memory_space<hbm>>
    tpu.enqueue_dma source(%dma_start3A_26 : memref<128xi32, #tpu.memory_space<hbm>>) target(%arg9 : memref<128xi32, #tpu.memory_space<vmem>>) target_semaphore(%arg14 : memref<!tpu.dma_semaphore, #tpu.memory_space<semaphore_mem>>)
    %add3A_27 = arith.constant 128 : i32
    %add3A_28 = arith.addi %add3A, %add3A_27 : i32
    %dma_start3A_29 = tpu.memref_slice %arg4[%add3A_28] : memref<647168xi32, #tpu.memory_space<hbm>> -> memref<128xi32, #tpu.memory_space<hbm>>
    %dma_start3A_30 = tpu.memref_slice %arg4[%add3A_28] : memref<647168xi32, #tpu.memory_space<hbm>> -> memref<128xi32, #tpu.memory_space<hbm>>
    tpu.enqueue_dma source(%dma_start3A_30 : memref<128xi32, #tpu.memory_space<hbm>>) target(%arg10 : memref<128xi32, #tpu.memory_space<vmem>>) target_semaphore(%arg14 : memref<!tpu.dma_semaphore, #tpu.memory_space<semaphore_mem>>)
    %dma_start3A_31 = arith.constant 0 : i32
    %dma_start3A_32 = arith.constant 0 : i32
    %dma_start3A_33 = tpu.memref_slice %arg2[%dma_start3A_31, %dma_start3A_32] : memref<20000x128xf32, #tpu.memory_space<hbm>> -> memref<20000x128xf32, #tpu.memory_space<hbm>>
    tpu.enqueue_indirect_dma source(%dma_start3A_33 : memref<20000x128xf32, #tpu.memory_space<hbm>>) target(%arg11 : memref<128x128xf32, #tpu.memory_space<vmem>>) offsets(%arg7 : memref<128xi32, #tpu.memory_space<vmem>>) semaphore(%arg15 : memref<!tpu.dma_semaphore, #tpu.memory_space<semaphore_mem>>)
    %scan3A = arith.constant 0 : i32
    %scan3A_34 = arith.constant 79 : i32
    %scan3A_35 = arith.addi %scan3A, %scan3A_34 : i32
    %scan3A_36 = arith.constant 1 : i32
    scf.for %scan3A_49 = %scan3A to %scan3A_35 step %scan3A_36  : i32 {
      %mul3A_50 = arith.constant 2 : i32
      %mul3A_51 = arith.muli %scan3A_49, %mul3A_50 : i32
      %add3A_52 = arith.constant 0 : i32
      %add3A_53 = arith.addi %add3A_52, %mul3A_51 : i32
      %dma_wait3A_54 = arith.constant 0 : i32
      %dma_wait3A_55 = arith.constant 0 : i32
      %dma_wait3A_56 = tpu.memref_slice %arg2[%dma_wait3A_54, %dma_wait3A_55] : memref<20000x128xf32, #tpu.memory_space<hbm>> -> memref<20000x128xf32, #tpu.memory_space<hbm>>
      tpu.wait_indirect_dma semaphore(%arg15 : memref<!tpu.dma_semaphore, #tpu.memory_space<semaphore_mem>>) src(%dma_wait3A_56 : memref<20000x128xf32, #tpu.memory_space<hbm>>) dst(%arg11 : memref<128x128xf32, #tpu.memory_space<vmem>>)
      %add3A_57 = arith.constant 1 : i32
      %add3A_58 = arith.addi %add3A_53, %add3A_57 : i32
      %mul3A_59 = arith.constant 128 : i32
      %mul3A_60 = arith.muli %add3A_58, %mul3A_59 : i32
      %add3A_61 = arith.addi %add3A, %mul3A_60 : i32
      %dma_wait3A_62 = tpu.memref_slice %arg3[%add3A_61] : memref<647168xi32, #tpu.memory_space<hbm>> -> memref<128xi32, #tpu.memory_space<hbm>>
      %dma_wait3A_63 = tpu.memref_slice %arg3[%add3A_61] : memref<647168xi32, #tpu.memory_space<hbm>> -> memref<128xi32, #tpu.memory_space<hbm>>
      tpu.wait_dma2 semaphore(%arg14 : memref<!tpu.dma_semaphore, #tpu.memory_space<semaphore_mem>>) src(%dma_wait3A_63 : memref<128xi32, #tpu.memory_space<hbm>>) dst(%arg9 : memref<128xi32, #tpu.memory_space<vmem>>)
      %mul3A_64 = arith.constant 128 : i32
      %mul3A_65 = arith.muli %add3A_58, %mul3A_64 : i32
      %add3A_66 = arith.addi %add3A, %mul3A_65 : i32
      %dma_wait3A_67 = tpu.memref_slice %arg4[%add3A_66] : memref<647168xi32, #tpu.memory_space<hbm>> -> memref<128xi32, #tpu.memory_space<hbm>>
      %dma_wait3A_68 = tpu.memref_slice %arg4[%add3A_66] : memref<647168xi32, #tpu.memory_space<hbm>> -> memref<128xi32, #tpu.memory_space<hbm>>
      tpu.wait_dma2 semaphore(%arg14 : memref<!tpu.dma_semaphore, #tpu.memory_space<semaphore_mem>>) src(%dma_wait3A_68 : memref<128xi32, #tpu.memory_space<hbm>>) dst(%arg10 : memref<128xi32, #tpu.memory_space<vmem>>)
      %dma_start3A_69 = arith.constant 0 : i32
      %dma_start3A_70 = arith.constant 0 : i32
      %dma_start3A_71 = tpu.memref_slice %arg2[%dma_start3A_69, %dma_start3A_70] : memref<20000x128xf32, #tpu.memory_space<hbm>> -> memref<20000x128xf32, #tpu.memory_space<hbm>>
      tpu.enqueue_indirect_dma source(%dma_start3A_71 : memref<20000x128xf32, #tpu.memory_space<hbm>>) target(%arg12 : memref<128x128xf32, #tpu.memory_space<vmem>>) offsets(%arg9 : memref<128xi32, #tpu.memory_space<vmem>>) semaphore(%arg16 : memref<!tpu.dma_semaphore, #tpu.memory_space<semaphore_mem>>)
      "tpu.region"() ({
        %run_scoped3A = tpu.sem_alloc : memref<!tpu.dma_semaphore, #tpu.memory_space<semaphore_mem>>
        %dma_start3A_96 = arith.constant 0 : i32
        %dma_start3A_97 = arith.constant 0 : i32
        %dma_start3A_98 = tpu.memref_slice %arg6[%dma_start3A_96, %dma_start3A_97] : memref<10016x128xf32, #tpu.memory_space<vmem_shared>> -> memref<10016x128xf32, #tpu.memory_space<vmem_shared>>
        tpu.enqueue_indirect_dma source(%arg11 : memref<128x128xf32, #tpu.memory_space<vmem>>) target(%dma_start3A_98 : memref<10016x128xf32, #tpu.memory_space<vmem_shared>>) offsets(%arg8 : memref<128xi32, #tpu.memory_space<vmem>>) semaphore(%run_scoped3A : memref<!tpu.dma_semaphore, #tpu.memory_space<semaphore_mem>>) {add = true}
        %dma_wait3A_99 = arith.constant 0 : i32
        %dma_wait3A_100 = arith.constant 0 : i32
        %dma_wait3A_101 = tpu.memref_slice %arg6[%dma_wait3A_99, %dma_wait3A_100] : memref<10016x128xf32, #tpu.memory_space<vmem_shared>> -> memref<10016x128xf32, #tpu.memory_space<vmem_shared>>
        tpu.wait_indirect_dma semaphore(%run_scoped3A : memref<!tpu.dma_semaphore, #tpu.memory_space<semaphore_mem>>) src(%arg11 : memref<128x128xf32, #tpu.memory_space<vmem>>) dst(%dma_wait3A_101 : memref<10016x128xf32, #tpu.memory_space<vmem_shared>>)
        tpu.yield
      }) : () -> ()
      %add3A_72 = arith.constant 2 : i32
      %add3A_73 = arith.addi %add3A_53, %add3A_72 : i32
      %lt3A_74 = arith.constant 158 : i32
      %lt3A_75 = arith.cmpi slt, %add3A_73, %lt3A_74 : i32
      %convert_element_type3A_76 = arith.extui %lt3A_75 : i1 to i32
      %cond3A_77 = arith.constant 0 : i32
      %cond3A_78 = arith.cmpi ne, %convert_element_type3A_76, %cond3A_77 : i32
      scf.if %cond3A_78 {
        %add3A_96 = arith.constant 2 : i32
        %add3A_97 = arith.addi %add3A_53, %add3A_96 : i32
        %mul3A_98 = arith.constant 128 : i32
        %mul3A_99 = arith.muli %add3A_97, %mul3A_98 : i32
        %add3A_100 = arith.addi %add3A, %mul3A_99 : i32
        %dma_start3A_101 = tpu.memref_slice %arg3[%add3A_100] : memref<647168xi32, #tpu.memory_space<hbm>> -> memref<128xi32, #tpu.memory_space<hbm>>
        %dma_start3A_102 = tpu.memref_slice %arg3[%add3A_100] : memref<647168xi32, #tpu.memory_space<hbm>> -> memref<128xi32, #tpu.memory_space<hbm>>
        tpu.enqueue_dma source(%dma_start3A_102 : memref<128xi32, #tpu.memory_space<hbm>>) target(%arg7 : memref<128xi32, #tpu.memory_space<vmem>>) target_semaphore(%arg13 : memref<!tpu.dma_semaphore, #tpu.memory_space<semaphore_mem>>)
        %mul3A_103 = arith.constant 128 : i32
        %mul3A_104 = arith.muli %add3A_97, %mul3A_103 : i32
        %add3A_105 = arith.addi %add3A, %mul3A_104 : i32
        %dma_start3A_106 = tpu.memref_slice %arg4[%add3A_105] : memref<647168xi32, #tpu.memory_space<hbm>> -> memref<128xi32, #tpu.memory_space<hbm>>
        %dma_start3A_107 = tpu.memref_slice %arg4[%add3A_105] : memref<647168xi32, #tpu.memory_space<hbm>> -> memref<128xi32, #tpu.memory_space<hbm>>
        tpu.enqueue_dma source(%dma_start3A_107 : memref<128xi32, #tpu.memory_space<hbm>>) target(%arg8 : memref<128xi32, #tpu.memory_space<vmem>>) target_semaphore(%arg13 : memref<!tpu.dma_semaphore, #tpu.memory_space<semaphore_mem>>)
      } else {
      }
      %dma_wait3A_79 = arith.constant 0 : i32
      %dma_wait3A_80 = arith.constant 0 : i32
      %dma_wait3A_81 = tpu.memref_slice %arg2[%dma_wait3A_79, %dma_wait3A_80] : memref<20000x128xf32, #tpu.memory_space<hbm>> -> memref<20000x128xf32, #tpu.memory_space<hbm>>
      tpu.wait_indirect_dma semaphore(%arg16 : memref<!tpu.dma_semaphore, #tpu.memory_space<semaphore_mem>>) src(%dma_wait3A_81 : memref<20000x128xf32, #tpu.memory_space<hbm>>) dst(%arg12 : memref<128x128xf32, #tpu.memory_space<vmem>>)
      %add3A_82 = arith.constant 2 : i32
      %add3A_83 = arith.addi %add3A_53, %add3A_82 : i32
      %lt3A_84 = arith.constant 158 : i32
      %lt3A_85 = arith.cmpi slt, %add3A_83, %lt3A_84 : i32
      %convert_element_type3A_86 = arith.extui %lt3A_85 : i1 to i32
      %cond3A_87 = arith.constant 0 : i32
      %cond3A_88 = arith.cmpi ne, %convert_element_type3A_86, %cond3A_87 : i32
      scf.if %cond3A_88 {
        %add3A_96 = arith.constant 2 : i32
        %add3A_97 = arith.addi %add3A_53, %add3A_96 : i32
        %mul3A_98 = arith.constant 128 : i32
        %mul3A_99 = arith.muli %add3A_97, %mul3A_98 : i32
        %add3A_100 = arith.addi %add3A, %mul3A_99 : i32
        %dma_wait3A_101 = tpu.memref_slice %arg3[%add3A_100] : memref<647168xi32, #tpu.memory_space<hbm>> -> memref<128xi32, #tpu.memory_space<hbm>>
        %dma_wait3A_102 = tpu.memref_slice %arg3[%add3A_100] : memref<647168xi32, #tpu.memory_space<hbm>> -> memref<128xi32, #tpu.memory_space<hbm>>
        tpu.wait_dma2 semaphore(%arg13 : memref<!tpu.dma_semaphore, #tpu.memory_space<semaphore_mem>>) src(%dma_wait3A_102 : memref<128xi32, #tpu.memory_space<hbm>>) dst(%arg7 : memref<128xi32, #tpu.memory_space<vmem>>)
        %mul3A_103 = arith.constant 128 : i32
        %mul3A_104 = arith.muli %add3A_97, %mul3A_103 : i32
        %add3A_105 = arith.addi %add3A, %mul3A_104 : i32
        %dma_wait3A_106 = tpu.memref_slice %arg4[%add3A_105] : memref<647168xi32, #tpu.memory_space<hbm>> -> memref<128xi32, #tpu.memory_space<hbm>>
        %dma_wait3A_107 = tpu.memref_slice %arg4[%add3A_105] : memref<647168xi32, #tpu.memory_space<hbm>> -> memref<128xi32, #tpu.memory_space<hbm>>
        tpu.wait_dma2 semaphore(%arg13 : memref<!tpu.dma_semaphore, #tpu.memory_space<semaphore_mem>>) src(%dma_wait3A_107 : memref<128xi32, #tpu.memory_space<hbm>>) dst(%arg8 : memref<128xi32, #tpu.memory_space<vmem>>)
        %dma_start3A_108 = arith.constant 0 : i32
        %dma_start3A_109 = arith.constant 0 : i32
        %dma_start3A_110 = tpu.memref_slice %arg2[%dma_start3A_108, %dma_start3A_109] : memref<20000x128xf32, #tpu.memory_space<hbm>> -> memref<20000x128xf32, #tpu.memory_space<hbm>>
        tpu.enqueue_indirect_dma source(%dma_start3A_110 : memref<20000x128xf32, #tpu.memory_space<hbm>>) target(%arg11 : memref<128x128xf32, #tpu.memory_space<vmem>>) offsets(%arg7 : memref<128xi32, #tpu.memory_space<vmem>>) semaphore(%arg15 : memref<!tpu.dma_semaphore, #tpu.memory_space<semaphore_mem>>)
      } else {
      }
      "tpu.region"() ({
        %run_scoped3A = tpu.sem_alloc : memref<!tpu.dma_semaphore, #tpu.memory_space<semaphore_mem>>
        %dma_start3A_96 = arith.constant 0 : i32
        %dma_start3A_97 = arith.constant 0 : i32
        %dma_start3A_98 = tpu.memref_slice %arg6[%dma_start3A_96, %dma_start3A_97] : memref<10016x128xf32, #tpu.memory_space<vmem_shared>> -> memref<10016x128xf32, #tpu.memory_space<vmem_shared>>
        tpu.enqueue_indirect_dma source(%arg12 : memref<128x128xf32, #tpu.memory_space<vmem>>) target(%dma_start3A_98 : memref<10016x128xf32, #tpu.memory_space<vmem_shared>>) offsets(%arg10 : memref<128xi32, #tpu.memory_space<vmem>>) semaphore(%run_scoped3A : memref<!tpu.dma_semaphore, #tpu.memory_space<semaphore_mem>>) {add = true}
        %dma_wait3A_99 = arith.constant 0 : i32
        %dma_wait3A_100 = arith.constant 0 : i32
        %dma_wait3A_101 = tpu.memref_slice %arg6[%dma_wait3A_99, %dma_wait3A_100] : memref<10016x128xf32, #tpu.memory_space<vmem_shared>> -> memref<10016x128xf32, #tpu.memory_space<vmem_shared>>
        tpu.wait_indirect_dma semaphore(%run_scoped3A : memref<!tpu.dma_semaphore, #tpu.memory_space<semaphore_mem>>) src(%arg12 : memref<128x128xf32, #tpu.memory_space<vmem>>) dst(%dma_wait3A_101 : memref<10016x128xf32, #tpu.memory_space<vmem_shared>>)
        tpu.yield
      }) : () -> ()
      %add3A_89 = arith.constant 3 : i32
      %add3A_90 = arith.addi %add3A_53, %add3A_89 : i32
      %lt3A_91 = arith.constant 158 : i32
      %lt3A_92 = arith.cmpi slt, %add3A_90, %lt3A_91 : i32
      %convert_element_type3A_93 = arith.extui %lt3A_92 : i1 to i32
      %cond3A_94 = arith.constant 0 : i32
      %cond3A_95 = arith.cmpi ne, %convert_element_type3A_93, %cond3A_94 : i32
      scf.if %cond3A_95 {
        %add3A_96 = arith.constant 3 : i32
        %add3A_97 = arith.addi %add3A_53, %add3A_96 : i32
        %mul3A_98 = arith.constant 128 : i32
        %mul3A_99 = arith.muli %add3A_97, %mul3A_98 : i32
        %add3A_100 = arith.addi %add3A, %mul3A_99 : i32
        %dma_start3A_101 = tpu.memref_slice %arg3[%add3A_100] : memref<647168xi32, #tpu.memory_space<hbm>> -> memref<128xi32, #tpu.memory_space<hbm>>
        %dma_start3A_102 = tpu.memref_slice %arg3[%add3A_100] : memref<647168xi32, #tpu.memory_space<hbm>> -> memref<128xi32, #tpu.memory_space<hbm>>
        tpu.enqueue_dma source(%dma_start3A_102 : memref<128xi32, #tpu.memory_space<hbm>>) target(%arg9 : memref<128xi32, #tpu.memory_space<vmem>>) target_semaphore(%arg14 : memref<!tpu.dma_semaphore, #tpu.memory_space<semaphore_mem>>)
        %mul3A_103 = arith.constant 128 : i32
        %mul3A_104 = arith.muli %add3A_97, %mul3A_103 : i32
        %add3A_105 = arith.addi %add3A, %mul3A_104 : i32
        %dma_start3A_106 = tpu.memref_slice %arg4[%add3A_105] : memref<647168xi32, #tpu.memory_space<hbm>> -> memref<128xi32, #tpu.memory_space<hbm>>
        %dma_start3A_107 = tpu.memref_slice %arg4[%add3A_105] : memref<647168xi32, #tpu.memory_space<hbm>> -> memref<128xi32, #tpu.memory_space<hbm>>
        tpu.enqueue_dma source(%dma_start3A_107 : memref<128xi32, #tpu.memory_space<hbm>>) target(%arg10 : memref<128xi32, #tpu.memory_space<vmem>>) target_semaphore(%arg14 : memref<!tpu.dma_semaphore, #tpu.memory_space<semaphore_mem>>)
      } else {
      }
    }
    %scan3A_37 = arith.constant 79 : i32
    %barrier3A_38 = arith.constant 0 : index
    tpu.barrier barrier_id(%barrier3A_38)
    %lt3A_39 = arith.constant 15 : i32
    %lt3A_40 = arith.cmpi slt, %arg1, %lt3A_39 : i32
    %convert_element_type3A_41 = arith.extui %lt3A_40 : i1 to i32
    %cond3A_42 = arith.constant 0 : i32
    %cond3A_43 = arith.cmpi ne, %convert_element_type3A_41, %cond3A_42 : i32
    scf.if %cond3A_43 {
      %mul3A_49 = arith.constant 632 : i32
      %mul3A_50 = arith.muli %arg1, %mul3A_49 : i32
      %mul3A_51 = arith.constant 10000 : i32
      %mul3A_52 = arith.muli %arg0, %mul3A_51 : i32
      %add3A_53 = arith.addi %mul3A_52, %mul3A_50 : i32
      "tpu.region"() ({
        %run_scoped3A = tpu.sem_alloc : memref<!tpu.dma_semaphore, #tpu.memory_space<semaphore_mem>>
        %dma_start3A_54 = arith.constant 0 : i32
        %dma_start3A_55 = tpu.memref_slice %arg5[%add3A_53, %dma_start3A_54] : memref<20000x128xf32, #tpu.memory_space<hbm>> -> memref<632x128xf32, #tpu.memory_space<hbm>>
        %dma_start3A_56 = arith.constant 0 : i32
        %dma_start3A_57 = tpu.memref_slice %arg6[%mul3A_50, %dma_start3A_56] : memref<10016x128xf32, #tpu.memory_space<vmem_shared>> -> memref<632x128xf32, #tpu.memory_space<vmem_shared>>
        tpu.enqueue_dma source(%dma_start3A_57 : memref<632x128xf32, #tpu.memory_space<vmem_shared>>) target(%dma_start3A_55 : memref<632x128xf32, #tpu.memory_space<hbm>>) target_semaphore(%run_scoped3A : memref<!tpu.dma_semaphore, #tpu.memory_space<semaphore_mem>>)
        %dma_wait3A_58 = arith.constant 0 : i32
        %dma_wait3A_59 = tpu.memref_slice %arg5[%add3A_53, %dma_wait3A_58] : memref<20000x128xf32, #tpu.memory_space<hbm>> -> memref<632x128xf32, #tpu.memory_space<hbm>>
        %dma_wait3A_60 = arith.constant 0 : i32
        %dma_wait3A_61 = tpu.memref_slice %arg6[%mul3A_50, %dma_wait3A_60] : memref<10016x128xf32, #tpu.memory_space<vmem_shared>> -> memref<632x128xf32, #tpu.memory_space<vmem_shared>>
        tpu.wait_dma2 semaphore(%run_scoped3A : memref<!tpu.dma_semaphore, #tpu.memory_space<semaphore_mem>>) src(%dma_wait3A_61 : memref<632x128xf32, #tpu.memory_space<vmem_shared>>) dst(%dma_wait3A_59 : memref<632x128xf32, #tpu.memory_space<hbm>>)
        tpu.yield
      }) : () -> ()
    } else {
    }
    %eq3A_44 = arith.constant 15 : i32
    %eq3A_45 = arith.cmpi eq, %arg1, %eq3A_44 : i32
    %convert_element_type3A_46 = arith.extui %eq3A_45 : i1 to i32
    %cond3A_47 = arith.constant 0 : i32
    %cond3A_48 = arith.cmpi ne, %convert_element_type3A_46, %cond3A_47 : i32
    scf.if %cond3A_48 {
      %mul3A_49 = arith.constant 10000 : i32
      %mul3A_50 = arith.muli %arg0, %mul3A_49 : i32
      %add3A_51 = arith.constant 9480 : i32
      %add3A_52 = arith.addi %mul3A_50, %add3A_51 : i32
      "tpu.region"() ({
        %run_scoped3A = tpu.sem_alloc : memref<!tpu.dma_semaphore, #tpu.memory_space<semaphore_mem>>
        %dma_start3A_53 = arith.constant 0 : i32
        %dma_start3A_54 = tpu.memref_slice %arg5[%add3A_52, %dma_start3A_53] : memref<20000x128xf32, #tpu.memory_space<hbm>> -> memref<520x128xf32, #tpu.memory_space<hbm>>
        %dma_start3A_55 = arith.constant 9480 : i32
        %dma_start3A_56 = arith.constant 0 : i32
        %dma_start3A_57 = tpu.memref_slice %arg6[%dma_start3A_55, %dma_start3A_56] : memref<10016x128xf32, #tpu.memory_space<vmem_shared>> -> memref<520x128xf32, #tpu.memory_space<vmem_shared>>
        tpu.enqueue_dma source(%dma_start3A_57 : memref<520x128xf32, #tpu.memory_space<vmem_shared>>) target(%dma_start3A_54 : memref<520x128xf32, #tpu.memory_space<hbm>>) target_semaphore(%run_scoped3A : memref<!tpu.dma_semaphore, #tpu.memory_space<semaphore_mem>>)
        %dma_wait3A_58 = arith.constant 0 : i32
        %dma_wait3A_59 = tpu.memref_slice %arg5[%add3A_52, %dma_wait3A_58] : memref<20000x128xf32, #tpu.memory_space<hbm>> -> memref<520x128xf32, #tpu.memory_space<hbm>>
        %dma_wait3A_60 = arith.constant 9480 : i32
        %dma_wait3A_61 = arith.constant 0 : i32
        %dma_wait3A_62 = tpu.memref_slice %arg6[%dma_wait3A_60, %dma_wait3A_61] : memref<10016x128xf32, #tpu.memory_space<vmem_shared>> -> memref<520x128xf32, #tpu.memory_space<vmem_shared>>
        tpu.wait_dma2 semaphore(%run_scoped3A : memref<!tpu.dma_semaphore, #tpu.memory_space<semaphore_mem>>) src(%dma_wait3A_62 : memref<520x128xf32, #tpu.memory_space<vmem_shared>>) dst(%dma_wait3A_59 : memref<520x128xf32, #tpu.memory_space<hbm>>)
        tpu.yield
      }) : () -> ()
    } else {
    }
    return
  }
}

#map = affine_map<(d0, d1) -> (0, 0)>
#map1 = affine_map<(d0, d1) -> (0)>
module attributes {stable_mosaic.version = 14 : i64} {
  func.func @agg_kernel(%arg0: i32, %arg1: i32, %arg2: memref<20000x128xf32, #tpu.memory_space<hbm>>, %arg3: memref<647168xi32, #tpu.memory_space<hbm>>, %arg4: memref<647168xi32, #tpu.memory_space<hbm>>, %arg5: memref<20000x128xf32, #tpu.memory_space<hbm>>, %arg6: memref<10016x128xf32, #tpu.memory_space<vmem_shared>>, %arg7: memref<128xi32, #tpu.memory_space<vmem>>, %arg8: memref<128xi32, #tpu.memory_space<vmem>>, %arg9: memref<128xi32, #tpu.memory_space<vmem>>, %arg10: memref<128xi32, #tpu.memory_space<vmem>>, %arg11: memref<128x128xf32, #tpu.memory_space<vmem>>, %arg12: memref<128x128xf32, #tpu.memory_space<vmem>>, %arg13: memref<!tpu.dma_semaphore, #tpu.memory_space<semaphore_mem>>, %arg14: memref<!tpu.dma_semaphore, #tpu.memory_space<semaphore_mem>>, %arg15: memref<!tpu.dma_semaphore, #tpu.memory_space<semaphore_mem>>, %arg16: memref<!tpu.dma_semaphore, #tpu.memory_space<semaphore_mem>>) attributes {dimension_semantics = [#tpu.dimension_semantics<core_parallel>, #tpu.dimension_semantics<subcore_parallel>], iteration_bounds = array<i64: 2, 16>, scalar_prefetch = 0 : i64, scratch_operands = 11 : i64, tpu.core_type = #tpu.core_type<sc_vector_subcore>, window_params = [{transform_indices = #map}, {transform_indices = #map1}, {transform_indices = #map1}, {transform_indices = #map}]} {
    %mul3A = arith.constant 323584 : i32
    %mul3A_0 = arith.muli %arg0, %mul3A : i32
    %mul3A_1 = arith.constant 20224 : i32
    %mul3A_2 = arith.muli %arg1, %mul3A_1 : i32
    %add3A = arith.addi %mul3A_0, %mul3A_2 : i32
    %lt3A = arith.constant 15 : i32
    %lt3A_3 = arith.cmpi slt, %arg1, %lt3A : i32
    %convert_element_type3A = arith.extui %lt3A_3 : i1 to i32
    %cond3A = arith.constant 0 : i32
    %cond3A_4 = arith.cmpi ne, %convert_element_type3A, %cond3A : i32
    scf.if %cond3A_4 {
      %mul3A_49 = arith.constant 632 : i32
      %mul3A_50 = arith.muli %arg1, %mul3A_49 : i32
      %mul3A_51 = arith.constant 10000 : i32
      %mul3A_52 = arith.muli %arg0, %mul3A_51 : i32
      %add3A_53 = arith.addi %mul3A_52, %mul3A_50 : i32
      "tpu.region"() ({
        %run_scoped3A = tpu.sem_alloc : memref<!tpu.dma_semaphore, #tpu.memory_space<semaphore_mem>>
        %dma_start3A_54 = arith.constant 0 : i32
        %dma_start3A_55 = tpu.memref_slice %arg6[%mul3A_50, %dma_start3A_54] : memref<10016x128xf32, #tpu.memory_space<vmem_shared>> -> memref<632x128xf32, #tpu.memory_space<vmem_shared>>
        %dma_start3A_56 = arith.constant 0 : i32
        %dma_start3A_57 = tpu.memref_slice %arg2[%add3A_53, %dma_start3A_56] : memref<20000x128xf32, #tpu.memory_space<hbm>> -> memref<632x128xf32, #tpu.memory_space<hbm>>
        tpu.enqueue_dma source(%dma_start3A_57 : memref<632x128xf32, #tpu.memory_space<hbm>>) target(%dma_start3A_55 : memref<632x128xf32, #tpu.memory_space<vmem_shared>>) target_semaphore(%run_scoped3A : memref<!tpu.dma_semaphore, #tpu.memory_space<semaphore_mem>>)
        %dma_wait3A_58 = arith.constant 0 : i32
        %dma_wait3A_59 = tpu.memref_slice %arg6[%mul3A_50, %dma_wait3A_58] : memref<10016x128xf32, #tpu.memory_space<vmem_shared>> -> memref<632x128xf32, #tpu.memory_space<vmem_shared>>
        %dma_wait3A_60 = arith.constant 0 : i32
        %dma_wait3A_61 = tpu.memref_slice %arg2[%add3A_53, %dma_wait3A_60] : memref<20000x128xf32, #tpu.memory_space<hbm>> -> memref<632x128xf32, #tpu.memory_space<hbm>>
        tpu.wait_dma2 semaphore(%run_scoped3A : memref<!tpu.dma_semaphore, #tpu.memory_space<semaphore_mem>>) src(%dma_wait3A_61 : memref<632x128xf32, #tpu.memory_space<hbm>>) dst(%dma_wait3A_59 : memref<632x128xf32, #tpu.memory_space<vmem_shared>>)
        tpu.yield
      }) : () -> ()
    } else {
    }
    %eq3A = arith.constant 15 : i32
    %eq3A_5 = arith.cmpi eq, %arg1, %eq3A : i32
    %convert_element_type3A_6 = arith.extui %eq3A_5 : i1 to i32
    %cond3A_7 = arith.constant 0 : i32
    %cond3A_8 = arith.cmpi ne, %convert_element_type3A_6, %cond3A_7 : i32
    scf.if %cond3A_8 {
      %mul3A_49 = arith.constant 10000 : i32
      %mul3A_50 = arith.muli %arg0, %mul3A_49 : i32
      %add3A_51 = arith.constant 9480 : i32
      %add3A_52 = arith.addi %mul3A_50, %add3A_51 : i32
      "tpu.region"() ({
        %run_scoped3A = tpu.sem_alloc : memref<!tpu.dma_semaphore, #tpu.memory_space<semaphore_mem>>
        %dma_start3A_53 = arith.constant 9480 : i32
        %dma_start3A_54 = arith.constant 0 : i32
        %dma_start3A_55 = tpu.memref_slice %arg6[%dma_start3A_53, %dma_start3A_54] : memref<10016x128xf32, #tpu.memory_space<vmem_shared>> -> memref<520x128xf32, #tpu.memory_space<vmem_shared>>
        %dma_start3A_56 = arith.constant 0 : i32
        %dma_start3A_57 = tpu.memref_slice %arg2[%add3A_52, %dma_start3A_56] : memref<20000x128xf32, #tpu.memory_space<hbm>> -> memref<520x128xf32, #tpu.memory_space<hbm>>
        tpu.enqueue_dma source(%dma_start3A_57 : memref<520x128xf32, #tpu.memory_space<hbm>>) target(%dma_start3A_55 : memref<520x128xf32, #tpu.memory_space<vmem_shared>>) target_semaphore(%run_scoped3A : memref<!tpu.dma_semaphore, #tpu.memory_space<semaphore_mem>>)
        %dma_wait3A_58 = arith.constant 9480 : i32
        %dma_wait3A_59 = arith.constant 0 : i32
        %dma_wait3A_60 = tpu.memref_slice %arg6[%dma_wait3A_58, %dma_wait3A_59] : memref<10016x128xf32, #tpu.memory_space<vmem_shared>> -> memref<520x128xf32, #tpu.memory_space<vmem_shared>>
        %dma_wait3A_61 = arith.constant 0 : i32
        %dma_wait3A_62 = tpu.memref_slice %arg2[%add3A_52, %dma_wait3A_61] : memref<20000x128xf32, #tpu.memory_space<hbm>> -> memref<520x128xf32, #tpu.memory_space<hbm>>
        tpu.wait_dma2 semaphore(%run_scoped3A : memref<!tpu.dma_semaphore, #tpu.memory_space<semaphore_mem>>) src(%dma_wait3A_62 : memref<520x128xf32, #tpu.memory_space<hbm>>) dst(%dma_wait3A_60 : memref<520x128xf32, #tpu.memory_space<vmem_shared>>)
        tpu.yield
      }) : () -> ()
    } else {
    }
    %barrier3A = arith.constant 0 : index
    tpu.barrier barrier_id(%barrier3A)
    %add3A_9 = arith.constant 0 : i32
    %add3A_10 = arith.addi %add3A, %add3A_9 : i32
    %dma_start3A = tpu.memref_slice %arg3[%add3A_10] : memref<647168xi32, #tpu.memory_space<hbm>> -> memref<128xi32, #tpu.memory_space<hbm>>
    %dma_start3A_11 = tpu.memref_slice %arg3[%add3A_10] : memref<647168xi32, #tpu.memory_space<hbm>> -> memref<128xi32, #tpu.memory_space<hbm>>
    tpu.enqueue_dma source(%dma_start3A_11 : memref<128xi32, #tpu.memory_space<hbm>>) target(%arg7 : memref<128xi32, #tpu.memory_space<vmem>>) target_semaphore(%arg13 : memref<!tpu.dma_semaphore, #tpu.memory_space<semaphore_mem>>)
    %add3A_12 = arith.constant 0 : i32
    %add3A_13 = arith.addi %add3A, %add3A_12 : i32
    %dma_start3A_14 = tpu.memref_slice %arg4[%add3A_13] : memref<647168xi32, #tpu.memory_space<hbm>> -> memref<128xi32, #tpu.memory_space<hbm>>
    %dma_start3A_15 = tpu.memref_slice %arg4[%add3A_13] : memref<647168xi32, #tpu.memory_space<hbm>> -> memref<128xi32, #tpu.memory_space<hbm>>
    tpu.enqueue_dma source(%dma_start3A_15 : memref<128xi32, #tpu.memory_space<hbm>>) target(%arg8 : memref<128xi32, #tpu.memory_space<vmem>>) target_semaphore(%arg13 : memref<!tpu.dma_semaphore, #tpu.memory_space<semaphore_mem>>)
    %add3A_16 = arith.constant 0 : i32
    %add3A_17 = arith.addi %add3A, %add3A_16 : i32
    %dma_wait3A = tpu.memref_slice %arg3[%add3A_17] : memref<647168xi32, #tpu.memory_space<hbm>> -> memref<128xi32, #tpu.memory_space<hbm>>
    %dma_wait3A_18 = tpu.memref_slice %arg3[%add3A_17] : memref<647168xi32, #tpu.memory_space<hbm>> -> memref<128xi32, #tpu.memory_space<hbm>>
    tpu.wait_dma2 semaphore(%arg13 : memref<!tpu.dma_semaphore, #tpu.memory_space<semaphore_mem>>) src(%dma_wait3A_18 : memref<128xi32, #tpu.memory_space<hbm>>) dst(%arg7 : memref<128xi32, #tpu.memory_space<vmem>>)
    %add3A_19 = arith.constant 0 : i32
    %add3A_20 = arith.addi %add3A, %add3A_19 : i32
    %dma_wait3A_21 = tpu.memref_slice %arg4[%add3A_20] : memref<647168xi32, #tpu.memory_space<hbm>> -> memref<128xi32, #tpu.memory_space<hbm>>
    %dma_wait3A_22 = tpu.memref_slice %arg4[%add3A_20] : memref<647168xi32, #tpu.memory_space<hbm>> -> memref<128xi32, #tpu.memory_space<hbm>>
    tpu.wait_dma2 semaphore(%arg13 : memref<!tpu.dma_semaphore, #tpu.memory_space<semaphore_mem>>) src(%dma_wait3A_22 : memref<128xi32, #tpu.memory_space<hbm>>) dst(%arg8 : memref<128xi32, #tpu.memory_space<vmem>>)
    %add3A_23 = arith.constant 128 : i32
    %add3A_24 = arith.addi %add3A, %add3A_23 : i32
    %dma_start3A_25 = tpu.memref_slice %arg3[%add3A_24] : memref<647168xi32, #tpu.memory_space<hbm>> -> memref<128xi32, #tpu.memory_space<hbm>>
    %dma_start3A_26 = tpu.memref_slice %arg3[%add3A_24] : memref<647168xi32, #tpu.memory_space<hbm>> -> memref<128xi32, #tpu.memory_space<hbm>>
    tpu.enqueue_dma source(%dma_start3A_26 : memref<128xi32, #tpu.memory_space<hbm>>) target(%arg9 : memref<128xi32, #tpu.memory_space<vmem>>) target_semaphore(%arg14 : memref<!tpu.dma_semaphore, #tpu.memory_space<semaphore_mem>>)
    %add3A_27 = arith.constant 128 : i32
    %add3A_28 = arith.addi %add3A, %add3A_27 : i32
    %dma_start3A_29 = tpu.memref_slice %arg4[%add3A_28] : memref<647168xi32, #tpu.memory_space<hbm>> -> memref<128xi32, #tpu.memory_space<hbm>>
    %dma_start3A_30 = tpu.memref_slice %arg4[%add3A_28] : memref<647168xi32, #tpu.memory_space<hbm>> -> memref<128xi32, #tpu.memory_space<hbm>>
    tpu.enqueue_dma source(%dma_start3A_30 : memref<128xi32, #tpu.memory_space<hbm>>) target(%arg10 : memref<128xi32, #tpu.memory_space<vmem>>) target_semaphore(%arg14 : memref<!tpu.dma_semaphore, #tpu.memory_space<semaphore_mem>>)
    %dma_start3A_31 = arith.constant 0 : i32
    %dma_start3A_32 = arith.constant 0 : i32
    %dma_start3A_33 = tpu.memref_slice %arg2[%dma_start3A_31, %dma_start3A_32] : memref<20000x128xf32, #tpu.memory_space<hbm>> -> memref<20000x128xf32, #tpu.memory_space<hbm>>
    tpu.enqueue_indirect_dma source(%dma_start3A_33 : memref<20000x128xf32, #tpu.memory_space<hbm>>) target(%arg11 : memref<128x128xf32, #tpu.memory_space<vmem>>) offsets(%arg7 : memref<128xi32, #tpu.memory_space<vmem>>) semaphore(%arg15 : memref<!tpu.dma_semaphore, #tpu.memory_space<semaphore_mem>>)
    %scan3A = arith.constant 0 : i32
    %scan3A_34 = arith.constant 79 : i32
    %scan3A_35 = arith.addi %scan3A, %scan3A_34 : i32
    %scan3A_36 = arith.constant 1 : i32
    scf.for %scan3A_49 = %scan3A to %scan3A_35 step %scan3A_36  : i32 {
      %mul3A_50 = arith.constant 2 : i32
      %mul3A_51 = arith.muli %scan3A_49, %mul3A_50 : i32
      %add3A_52 = arith.constant 0 : i32
      %add3A_53 = arith.addi %add3A_52, %mul3A_51 : i32
      %dma_wait3A_54 = arith.constant 0 : i32
      %dma_wait3A_55 = arith.constant 0 : i32
      %dma_wait3A_56 = tpu.memref_slice %arg2[%dma_wait3A_54, %dma_wait3A_55] : memref<20000x128xf32, #tpu.memory_space<hbm>> -> memref<20000x128xf32, #tpu.memory_space<hbm>>
      tpu.wait_indirect_dma semaphore(%arg15 : memref<!tpu.dma_semaphore, #tpu.memory_space<semaphore_mem>>) src(%dma_wait3A_56 : memref<20000x128xf32, #tpu.memory_space<hbm>>) dst(%arg11 : memref<128x128xf32, #tpu.memory_space<vmem>>)
      %add3A_57 = arith.constant 1 : i32
      %add3A_58 = arith.addi %add3A_53, %add3A_57 : i32
      %mul3A_59 = arith.constant 128 : i32
      %mul3A_60 = arith.muli %add3A_58, %mul3A_59 : i32
      %add3A_61 = arith.addi %add3A, %mul3A_60 : i32
      %dma_wait3A_62 = tpu.memref_slice %arg3[%add3A_61] : memref<647168xi32, #tpu.memory_space<hbm>> -> memref<128xi32, #tpu.memory_space<hbm>>
      %dma_wait3A_63 = tpu.memref_slice %arg3[%add3A_61] : memref<647168xi32, #tpu.memory_space<hbm>> -> memref<128xi32, #tpu.memory_space<hbm>>
      tpu.wait_dma2 semaphore(%arg14 : memref<!tpu.dma_semaphore, #tpu.memory_space<semaphore_mem>>) src(%dma_wait3A_63 : memref<128xi32, #tpu.memory_space<hbm>>) dst(%arg9 : memref<128xi32, #tpu.memory_space<vmem>>)
      %mul3A_64 = arith.constant 128 : i32
      %mul3A_65 = arith.muli %add3A_58, %mul3A_64 : i32
      %add3A_66 = arith.addi %add3A, %mul3A_65 : i32
      %dma_wait3A_67 = tpu.memref_slice %arg4[%add3A_66] : memref<647168xi32, #tpu.memory_space<hbm>> -> memref<128xi32, #tpu.memory_space<hbm>>
      %dma_wait3A_68 = tpu.memref_slice %arg4[%add3A_66] : memref<647168xi32, #tpu.memory_space<hbm>> -> memref<128xi32, #tpu.memory_space<hbm>>
      tpu.wait_dma2 semaphore(%arg14 : memref<!tpu.dma_semaphore, #tpu.memory_space<semaphore_mem>>) src(%dma_wait3A_68 : memref<128xi32, #tpu.memory_space<hbm>>) dst(%arg10 : memref<128xi32, #tpu.memory_space<vmem>>)
      %dma_start3A_69 = arith.constant 0 : i32
      %dma_start3A_70 = arith.constant 0 : i32
      %dma_start3A_71 = tpu.memref_slice %arg2[%dma_start3A_69, %dma_start3A_70] : memref<20000x128xf32, #tpu.memory_space<hbm>> -> memref<20000x128xf32, #tpu.memory_space<hbm>>
      tpu.enqueue_indirect_dma source(%dma_start3A_71 : memref<20000x128xf32, #tpu.memory_space<hbm>>) target(%arg12 : memref<128x128xf32, #tpu.memory_space<vmem>>) offsets(%arg9 : memref<128xi32, #tpu.memory_space<vmem>>) semaphore(%arg16 : memref<!tpu.dma_semaphore, #tpu.memory_space<semaphore_mem>>)
      "tpu.region"() ({
        %run_scoped3A = tpu.sem_alloc : memref<!tpu.dma_semaphore, #tpu.memory_space<semaphore_mem>>
        %dma_start3A_96 = arith.constant 0 : i32
        %dma_start3A_97 = arith.constant 0 : i32
        %dma_start3A_98 = tpu.memref_slice %arg6[%dma_start3A_96, %dma_start3A_97] : memref<10016x128xf32, #tpu.memory_space<vmem_shared>> -> memref<10016x128xf32, #tpu.memory_space<vmem_shared>>
        tpu.enqueue_indirect_dma source(%arg11 : memref<128x128xf32, #tpu.memory_space<vmem>>) target(%dma_start3A_98 : memref<10016x128xf32, #tpu.memory_space<vmem_shared>>) offsets(%arg8 : memref<128xi32, #tpu.memory_space<vmem>>) semaphore(%run_scoped3A : memref<!tpu.dma_semaphore, #tpu.memory_space<semaphore_mem>>) {add = true}
        %dma_wait3A_99 = arith.constant 0 : i32
        %dma_wait3A_100 = arith.constant 0 : i32
        %dma_wait3A_101 = tpu.memref_slice %arg6[%dma_wait3A_99, %dma_wait3A_100] : memref<10016x128xf32, #tpu.memory_space<vmem_shared>> -> memref<10016x128xf32, #tpu.memory_space<vmem_shared>>
        tpu.wait_indirect_dma semaphore(%run_scoped3A : memref<!tpu.dma_semaphore, #tpu.memory_space<semaphore_mem>>) src(%arg11 : memref<128x128xf32, #tpu.memory_space<vmem>>) dst(%dma_wait3A_101 : memref<10016x128xf32, #tpu.memory_space<vmem_shared>>)
        tpu.yield
      }) : () -> ()
      %add3A_72 = arith.constant 2 : i32
      %add3A_73 = arith.addi %add3A_53, %add3A_72 : i32
      %lt3A_74 = arith.constant 158 : i32
      %lt3A_75 = arith.cmpi slt, %add3A_73, %lt3A_74 : i32
      %convert_element_type3A_76 = arith.extui %lt3A_75 : i1 to i32
      %cond3A_77 = arith.constant 0 : i32
      %cond3A_78 = arith.cmpi ne, %convert_element_type3A_76, %cond3A_77 : i32
      scf.if %cond3A_78 {
        %add3A_96 = arith.constant 2 : i32
        %add3A_97 = arith.addi %add3A_53, %add3A_96 : i32
        %mul3A_98 = arith.constant 128 : i32
        %mul3A_99 = arith.muli %add3A_97, %mul3A_98 : i32
        %add3A_100 = arith.addi %add3A, %mul3A_99 : i32
        %dma_start3A_101 = tpu.memref_slice %arg3[%add3A_100] : memref<647168xi32, #tpu.memory_space<hbm>> -> memref<128xi32, #tpu.memory_space<hbm>>
        %dma_start3A_102 = tpu.memref_slice %arg3[%add3A_100] : memref<647168xi32, #tpu.memory_space<hbm>> -> memref<128xi32, #tpu.memory_space<hbm>>
        tpu.enqueue_dma source(%dma_start3A_102 : memref<128xi32, #tpu.memory_space<hbm>>) target(%arg7 : memref<128xi32, #tpu.memory_space<vmem>>) target_semaphore(%arg13 : memref<!tpu.dma_semaphore, #tpu.memory_space<semaphore_mem>>)
        %mul3A_103 = arith.constant 128 : i32
        %mul3A_104 = arith.muli %add3A_97, %mul3A_103 : i32
        %add3A_105 = arith.addi %add3A, %mul3A_104 : i32
        %dma_start3A_106 = tpu.memref_slice %arg4[%add3A_105] : memref<647168xi32, #tpu.memory_space<hbm>> -> memref<128xi32, #tpu.memory_space<hbm>>
        %dma_start3A_107 = tpu.memref_slice %arg4[%add3A_105] : memref<647168xi32, #tpu.memory_space<hbm>> -> memref<128xi32, #tpu.memory_space<hbm>>
        tpu.enqueue_dma source(%dma_start3A_107 : memref<128xi32, #tpu.memory_space<hbm>>) target(%arg8 : memref<128xi32, #tpu.memory_space<vmem>>) target_semaphore(%arg13 : memref<!tpu.dma_semaphore, #tpu.memory_space<semaphore_mem>>)
      } else {
      }
      %dma_wait3A_79 = arith.constant 0 : i32
      %dma_wait3A_80 = arith.constant 0 : i32
      %dma_wait3A_81 = tpu.memref_slice %arg2[%dma_wait3A_79, %dma_wait3A_80] : memref<20000x128xf32, #tpu.memory_space<hbm>> -> memref<20000x128xf32, #tpu.memory_space<hbm>>
      tpu.wait_indirect_dma semaphore(%arg16 : memref<!tpu.dma_semaphore, #tpu.memory_space<semaphore_mem>>) src(%dma_wait3A_81 : memref<20000x128xf32, #tpu.memory_space<hbm>>) dst(%arg12 : memref<128x128xf32, #tpu.memory_space<vmem>>)
      %add3A_82 = arith.constant 2 : i32
      %add3A_83 = arith.addi %add3A_53, %add3A_82 : i32
      %lt3A_84 = arith.constant 158 : i32
      %lt3A_85 = arith.cmpi slt, %add3A_83, %lt3A_84 : i32
      %convert_element_type3A_86 = arith.extui %lt3A_85 : i1 to i32
      %cond3A_87 = arith.constant 0 : i32
      %cond3A_88 = arith.cmpi ne, %convert_element_type3A_86, %cond3A_87 : i32
      scf.if %cond3A_88 {
        %add3A_96 = arith.constant 2 : i32
        %add3A_97 = arith.addi %add3A_53, %add3A_96 : i32
        %mul3A_98 = arith.constant 128 : i32
        %mul3A_99 = arith.muli %add3A_97, %mul3A_98 : i32
        %add3A_100 = arith.addi %add3A, %mul3A_99 : i32
        %dma_wait3A_101 = tpu.memref_slice %arg3[%add3A_100] : memref<647168xi32, #tpu.memory_space<hbm>> -> memref<128xi32, #tpu.memory_space<hbm>>
        %dma_wait3A_102 = tpu.memref_slice %arg3[%add3A_100] : memref<647168xi32, #tpu.memory_space<hbm>> -> memref<128xi32, #tpu.memory_space<hbm>>
        tpu.wait_dma2 semaphore(%arg13 : memref<!tpu.dma_semaphore, #tpu.memory_space<semaphore_mem>>) src(%dma_wait3A_102 : memref<128xi32, #tpu.memory_space<hbm>>) dst(%arg7 : memref<128xi32, #tpu.memory_space<vmem>>)
        %mul3A_103 = arith.constant 128 : i32
        %mul3A_104 = arith.muli %add3A_97, %mul3A_103 : i32
        %add3A_105 = arith.addi %add3A, %mul3A_104 : i32
        %dma_wait3A_106 = tpu.memref_slice %arg4[%add3A_105] : memref<647168xi32, #tpu.memory_space<hbm>> -> memref<128xi32, #tpu.memory_space<hbm>>
        %dma_wait3A_107 = tpu.memref_slice %arg4[%add3A_105] : memref<647168xi32, #tpu.memory_space<hbm>> -> memref<128xi32, #tpu.memory_space<hbm>>
        tpu.wait_dma2 semaphore(%arg13 : memref<!tpu.dma_semaphore, #tpu.memory_space<semaphore_mem>>) src(%dma_wait3A_107 : memref<128xi32, #tpu.memory_space<hbm>>) dst(%arg8 : memref<128xi32, #tpu.memory_space<vmem>>)
        %dma_start3A_108 = arith.constant 0 : i32
        %dma_start3A_109 = arith.constant 0 : i32
        %dma_start3A_110 = tpu.memref_slice %arg2[%dma_start3A_108, %dma_start3A_109] : memref<20000x128xf32, #tpu.memory_space<hbm>> -> memref<20000x128xf32, #tpu.memory_space<hbm>>
        tpu.enqueue_indirect_dma source(%dma_start3A_110 : memref<20000x128xf32, #tpu.memory_space<hbm>>) target(%arg11 : memref<128x128xf32, #tpu.memory_space<vmem>>) offsets(%arg7 : memref<128xi32, #tpu.memory_space<vmem>>) semaphore(%arg15 : memref<!tpu.dma_semaphore, #tpu.memory_space<semaphore_mem>>)
      } else {
      }
      "tpu.region"() ({
        %run_scoped3A = tpu.sem_alloc : memref<!tpu.dma_semaphore, #tpu.memory_space<semaphore_mem>>
        %dma_start3A_96 = arith.constant 0 : i32
        %dma_start3A_97 = arith.constant 0 : i32
        %dma_start3A_98 = tpu.memref_slice %arg6[%dma_start3A_96, %dma_start3A_97] : memref<10016x128xf32, #tpu.memory_space<vmem_shared>> -> memref<10016x128xf32, #tpu.memory_space<vmem_shared>>
        tpu.enqueue_indirect_dma source(%arg12 : memref<128x128xf32, #tpu.memory_space<vmem>>) target(%dma_start3A_98 : memref<10016x128xf32, #tpu.memory_space<vmem_shared>>) offsets(%arg10 : memref<128xi32, #tpu.memory_space<vmem>>) semaphore(%run_scoped3A : memref<!tpu.dma_semaphore, #tpu.memory_space<semaphore_mem>>) {add = true}
        %dma_wait3A_99 = arith.constant 0 : i32
        %dma_wait3A_100 = arith.constant 0 : i32
        %dma_wait3A_101 = tpu.memref_slice %arg6[%dma_wait3A_99, %dma_wait3A_100] : memref<10016x128xf32, #tpu.memory_space<vmem_shared>> -> memref<10016x128xf32, #tpu.memory_space<vmem_shared>>
        tpu.wait_indirect_dma semaphore(%run_scoped3A : memref<!tpu.dma_semaphore, #tpu.memory_space<semaphore_mem>>) src(%arg12 : memref<128x128xf32, #tpu.memory_space<vmem>>) dst(%dma_wait3A_101 : memref<10016x128xf32, #tpu.memory_space<vmem_shared>>)
        tpu.yield
      }) : () -> ()
      %add3A_89 = arith.constant 3 : i32
      %add3A_90 = arith.addi %add3A_53, %add3A_89 : i32
      %lt3A_91 = arith.constant 158 : i32
      %lt3A_92 = arith.cmpi slt, %add3A_90, %lt3A_91 : i32
      %convert_element_type3A_93 = arith.extui %lt3A_92 : i1 to i32
      %cond3A_94 = arith.constant 0 : i32
      %cond3A_95 = arith.cmpi ne, %convert_element_type3A_93, %cond3A_94 : i32
      scf.if %cond3A_95 {
        %add3A_96 = arith.constant 3 : i32
        %add3A_97 = arith.addi %add3A_53, %add3A_96 : i32
        %mul3A_98 = arith.constant 128 : i32
        %mul3A_99 = arith.muli %add3A_97, %mul3A_98 : i32
        %add3A_100 = arith.addi %add3A, %mul3A_99 : i32
        %dma_start3A_101 = tpu.memref_slice %arg3[%add3A_100] : memref<647168xi32, #tpu.memory_space<hbm>> -> memref<128xi32, #tpu.memory_space<hbm>>
        %dma_start3A_102 = tpu.memref_slice %arg3[%add3A_100] : memref<647168xi32, #tpu.memory_space<hbm>> -> memref<128xi32, #tpu.memory_space<hbm>>
        tpu.enqueue_dma source(%dma_start3A_102 : memref<128xi32, #tpu.memory_space<hbm>>) target(%arg9 : memref<128xi32, #tpu.memory_space<vmem>>) target_semaphore(%arg14 : memref<!tpu.dma_semaphore, #tpu.memory_space<semaphore_mem>>)
        %mul3A_103 = arith.constant 128 : i32
        %mul3A_104 = arith.muli %add3A_97, %mul3A_103 : i32
        %add3A_105 = arith.addi %add3A, %mul3A_104 : i32
        %dma_start3A_106 = tpu.memref_slice %arg4[%add3A_105] : memref<647168xi32, #tpu.memory_space<hbm>> -> memref<128xi32, #tpu.memory_space<hbm>>
        %dma_start3A_107 = tpu.memref_slice %arg4[%add3A_105] : memref<647168xi32, #tpu.memory_space<hbm>> -> memref<128xi32, #tpu.memory_space<hbm>>
        tpu.enqueue_dma source(%dma_start3A_107 : memref<128xi32, #tpu.memory_space<hbm>>) target(%arg10 : memref<128xi32, #tpu.memory_space<vmem>>) target_semaphore(%arg14 : memref<!tpu.dma_semaphore, #tpu.memory_space<semaphore_mem>>)
      } else {
      }
    }
    %scan3A_37 = arith.constant 79 : i32
    %barrier3A_38 = arith.constant 0 : index
    tpu.barrier barrier_id(%barrier3A_38)
    %lt3A_39 = arith.constant 15 : i32
    %lt3A_40 = arith.cmpi slt, %arg1, %lt3A_39 : i32
    %convert_element_type3A_41 = arith.extui %lt3A_40 : i1 to i32
    %cond3A_42 = arith.constant 0 : i32
    %cond3A_43 = arith.cmpi ne, %convert_element_type3A_41, %cond3A_42 : i32
    scf.if %cond3A_43 {
      %mul3A_49 = arith.constant 632 : i32
      %mul3A_50 = arith.muli %arg1, %mul3A_49 : i32
      %mul3A_51 = arith.constant 10000 : i32
      %mul3A_52 = arith.muli %arg0, %mul3A_51 : i32
      %add3A_53 = arith.addi %mul3A_52, %mul3A_50 : i32
      "tpu.region"() ({
        %run_scoped3A = tpu.sem_alloc : memref<!tpu.dma_semaphore, #tpu.memory_space<semaphore_mem>>
        %dma_start3A_54 = arith.constant 0 : i32
        %dma_start3A_55 = tpu.memref_slice %arg5[%add3A_53, %dma_start3A_54] : memref<20000x128xf32, #tpu.memory_space<hbm>> -> memref<632x128xf32, #tpu.memory_space<hbm>>
        %dma_start3A_56 = arith.constant 0 : i32
        %dma_start3A_57 = tpu.memref_slice %arg6[%mul3A_50, %dma_start3A_56] : memref<10016x128xf32, #tpu.memory_space<vmem_shared>> -> memref<632x128xf32, #tpu.memory_space<vmem_shared>>
        tpu.enqueue_dma source(%dma_start3A_57 : memref<632x128xf32, #tpu.memory_space<vmem_shared>>) target(%dma_start3A_55 : memref<632x128xf32, #tpu.memory_space<hbm>>) target_semaphore(%run_scoped3A : memref<!tpu.dma_semaphore, #tpu.memory_space<semaphore_mem>>)
        %dma_wait3A_58 = arith.constant 0 : i32
        %dma_wait3A_59 = tpu.memref_slice %arg5[%add3A_53, %dma_wait3A_58] : memref<20000x128xf32, #tpu.memory_space<hbm>> -> memref<632x128xf32, #tpu.memory_space<hbm>>
        %dma_wait3A_60 = arith.constant 0 : i32
        %dma_wait3A_61 = tpu.memref_slice %arg6[%mul3A_50, %dma_wait3A_60] : memref<10016x128xf32, #tpu.memory_space<vmem_shared>> -> memref<632x128xf32, #tpu.memory_space<vmem_shared>>
        tpu.wait_dma2 semaphore(%run_scoped3A : memref<!tpu.dma_semaphore, #tpu.memory_space<semaphore_mem>>) src(%dma_wait3A_61 : memref<632x128xf32, #tpu.memory_space<vmem_shared>>) dst(%dma_wait3A_59 : memref<632x128xf32, #tpu.memory_space<hbm>>)
        tpu.yield
      }) : () -> ()
    } else {
    }
    %eq3A_44 = arith.constant 15 : i32
    %eq3A_45 = arith.cmpi eq, %arg1, %eq3A_44 : i32
    %convert_element_type3A_46 = arith.extui %eq3A_45 : i1 to i32
    %cond3A_47 = arith.constant 0 : i32
    %cond3A_48 = arith.cmpi ne, %convert_element_type3A_46, %cond3A_47 : i32
    scf.if %cond3A_48 {
      %mul3A_49 = arith.constant 10000 : i32
      %mul3A_50 = arith.muli %arg0, %mul3A_49 : i32
      %add3A_51 = arith.constant 9480 : i32
      %add3A_52 = arith.addi %mul3A_50, %add3A_51 : i32
      "tpu.region"() ({
        %run_scoped3A = tpu.sem_alloc : memref<!tpu.dma_semaphore, #tpu.memory_space<semaphore_mem>>
        %dma_start3A_53 = arith.constant 0 : i32
        %dma_start3A_54 = tpu.memref_slice %arg5[%add3A_52, %dma_start3A_53] : memref<20000x128xf32, #tpu.memory_space<hbm>> -> memref<520x128xf32, #tpu.memory_space<hbm>>
        %dma_start3A_55 = arith.constant 9480 : i32
        %dma_start3A_56 = arith.constant 0 : i32
        %dma_start3A_57 = tpu.memref_slice %arg6[%dma_start3A_55, %dma_start3A_56] : memref<10016x128xf32, #tpu.memory_space<vmem_shared>> -> memref<520x128xf32, #tpu.memory_space<vmem_shared>>
        tpu.enqueue_dma source(%dma_start3A_57 : memref<520x128xf32, #tpu.memory_space<vmem_shared>>) target(%dma_start3A_54 : memref<520x128xf32, #tpu.memory_space<hbm>>) target_semaphore(%run_scoped3A : memref<!tpu.dma_semaphore, #tpu.memory_space<semaphore_mem>>)
        %dma_wait3A_58 = arith.constant 0 : i32
        %dma_wait3A_59 = tpu.memref_slice %arg5[%add3A_52, %dma_wait3A_58] : memref<20000x128xf32, #tpu.memory_space<hbm>> -> memref<520x128xf32, #tpu.memory_space<hbm>>
        %dma_wait3A_60 = arith.constant 9480 : i32
        %dma_wait3A_61 = arith.constant 0 : i32
        %dma_wait3A_62 = tpu.memref_slice %arg6[%dma_wait3A_60, %dma_wait3A_61] : memref<10016x128xf32, #tpu.memory_space<vmem_shared>> -> memref<520x128xf32, #tpu.memory_space<vmem_shared>>
        tpu.wait_dma2 semaphore(%run_scoped3A : memref<!tpu.dma_semaphore, #tpu.memory_space<semaphore_mem>>) src(%dma_wait3A_62 : memref<520x128xf32, #tpu.memory_space<vmem_shared>>) dst(%dma_wait3A_59 : memref<520x128xf32, #tpu.memory_space<hbm>>)
        tpu.yield
      }) : () -> ()
    } else {
    }
    return
  }
}

#map = affine_map<(d0, d1) -> (0, 0)>
#map1 = affine_map<(d0, d1) -> (0)>
module attributes {stable_mosaic.version = 14 : i64} {
  func.func @agg_kernel(%arg0: i32, %arg1: i32, %arg2: memref<20000x128xf32, #tpu.memory_space<hbm>>, %arg3: memref<647168xi32, #tpu.memory_space<hbm>>, %arg4: memref<647168xi32, #tpu.memory_space<hbm>>, %arg5: memref<20000x128xf32, #tpu.memory_space<hbm>>, %arg6: memref<10016x128xf32, #tpu.memory_space<vmem_shared>>, %arg7: memref<128xi32, #tpu.memory_space<vmem>>, %arg8: memref<128xi32, #tpu.memory_space<vmem>>, %arg9: memref<128xi32, #tpu.memory_space<vmem>>, %arg10: memref<128xi32, #tpu.memory_space<vmem>>, %arg11: memref<128x128xf32, #tpu.memory_space<vmem>>, %arg12: memref<128x128xf32, #tpu.memory_space<vmem>>, %arg13: memref<!tpu.dma_semaphore, #tpu.memory_space<semaphore_mem>>, %arg14: memref<!tpu.dma_semaphore, #tpu.memory_space<semaphore_mem>>, %arg15: memref<!tpu.dma_semaphore, #tpu.memory_space<semaphore_mem>>, %arg16: memref<!tpu.dma_semaphore, #tpu.memory_space<semaphore_mem>>) attributes {dimension_semantics = [#tpu.dimension_semantics<core_parallel>, #tpu.dimension_semantics<subcore_parallel>], iteration_bounds = array<i64: 2, 16>, scalar_prefetch = 0 : i64, scratch_operands = 11 : i64, tpu.core_type = #tpu.core_type<sc_vector_subcore>, window_params = [{transform_indices = #map}, {transform_indices = #map1}, {transform_indices = #map1}, {transform_indices = #map}]} {
    %mul3A = arith.constant 323584 : i32
    %mul3A_0 = arith.muli %arg0, %mul3A : i32
    %mul3A_1 = arith.constant 20224 : i32
    %mul3A_2 = arith.muli %arg1, %mul3A_1 : i32
    %add3A = arith.addi %mul3A_0, %mul3A_2 : i32
    %lt3A = arith.constant 15 : i32
    %lt3A_3 = arith.cmpi slt, %arg1, %lt3A : i32
    %convert_element_type3A = arith.extui %lt3A_3 : i1 to i32
    %cond3A = arith.constant 0 : i32
    %cond3A_4 = arith.cmpi ne, %convert_element_type3A, %cond3A : i32
    scf.if %cond3A_4 {
      %mul3A_49 = arith.constant 632 : i32
      %mul3A_50 = arith.muli %arg1, %mul3A_49 : i32
      %mul3A_51 = arith.constant 10000 : i32
      %mul3A_52 = arith.muli %arg0, %mul3A_51 : i32
      %add3A_53 = arith.addi %mul3A_52, %mul3A_50 : i32
      "tpu.region"() ({
        %run_scoped3A = tpu.sem_alloc : memref<!tpu.dma_semaphore, #tpu.memory_space<semaphore_mem>>
        %dma_start3A_54 = arith.constant 0 : i32
        %dma_start3A_55 = tpu.memref_slice %arg6[%mul3A_50, %dma_start3A_54] : memref<10016x128xf32, #tpu.memory_space<vmem_shared>> -> memref<632x128xf32, #tpu.memory_space<vmem_shared>>
        %dma_start3A_56 = arith.constant 0 : i32
        %dma_start3A_57 = tpu.memref_slice %arg2[%add3A_53, %dma_start3A_56] : memref<20000x128xf32, #tpu.memory_space<hbm>> -> memref<632x128xf32, #tpu.memory_space<hbm>>
        tpu.enqueue_dma source(%dma_start3A_57 : memref<632x128xf32, #tpu.memory_space<hbm>>) target(%dma_start3A_55 : memref<632x128xf32, #tpu.memory_space<vmem_shared>>) target_semaphore(%run_scoped3A : memref<!tpu.dma_semaphore, #tpu.memory_space<semaphore_mem>>)
        %dma_wait3A_58 = arith.constant 0 : i32
        %dma_wait3A_59 = tpu.memref_slice %arg6[%mul3A_50, %dma_wait3A_58] : memref<10016x128xf32, #tpu.memory_space<vmem_shared>> -> memref<632x128xf32, #tpu.memory_space<vmem_shared>>
        %dma_wait3A_60 = arith.constant 0 : i32
        %dma_wait3A_61 = tpu.memref_slice %arg2[%add3A_53, %dma_wait3A_60] : memref<20000x128xf32, #tpu.memory_space<hbm>> -> memref<632x128xf32, #tpu.memory_space<hbm>>
        tpu.wait_dma2 semaphore(%run_scoped3A : memref<!tpu.dma_semaphore, #tpu.memory_space<semaphore_mem>>) src(%dma_wait3A_61 : memref<632x128xf32, #tpu.memory_space<hbm>>) dst(%dma_wait3A_59 : memref<632x128xf32, #tpu.memory_space<vmem_shared>>)
        tpu.yield
      }) : () -> ()
    } else {
    }
    %eq3A = arith.constant 15 : i32
    %eq3A_5 = arith.cmpi eq, %arg1, %eq3A : i32
    %convert_element_type3A_6 = arith.extui %eq3A_5 : i1 to i32
    %cond3A_7 = arith.constant 0 : i32
    %cond3A_8 = arith.cmpi ne, %convert_element_type3A_6, %cond3A_7 : i32
    scf.if %cond3A_8 {
      %mul3A_49 = arith.constant 10000 : i32
      %mul3A_50 = arith.muli %arg0, %mul3A_49 : i32
      %add3A_51 = arith.constant 9480 : i32
      %add3A_52 = arith.addi %mul3A_50, %add3A_51 : i32
      "tpu.region"() ({
        %run_scoped3A = tpu.sem_alloc : memref<!tpu.dma_semaphore, #tpu.memory_space<semaphore_mem>>
        %dma_start3A_53 = arith.constant 9480 : i32
        %dma_start3A_54 = arith.constant 0 : i32
        %dma_start3A_55 = tpu.memref_slice %arg6[%dma_start3A_53, %dma_start3A_54] : memref<10016x128xf32, #tpu.memory_space<vmem_shared>> -> memref<520x128xf32, #tpu.memory_space<vmem_shared>>
        %dma_start3A_56 = arith.constant 0 : i32
        %dma_start3A_57 = tpu.memref_slice %arg2[%add3A_52, %dma_start3A_56] : memref<20000x128xf32, #tpu.memory_space<hbm>> -> memref<520x128xf32, #tpu.memory_space<hbm>>
        tpu.enqueue_dma source(%dma_start3A_57 : memref<520x128xf32, #tpu.memory_space<hbm>>) target(%dma_start3A_55 : memref<520x128xf32, #tpu.memory_space<vmem_shared>>) target_semaphore(%run_scoped3A : memref<!tpu.dma_semaphore, #tpu.memory_space<semaphore_mem>>)
        %dma_wait3A_58 = arith.constant 9480 : i32
        %dma_wait3A_59 = arith.constant 0 : i32
        %dma_wait3A_60 = tpu.memref_slice %arg6[%dma_wait3A_58, %dma_wait3A_59] : memref<10016x128xf32, #tpu.memory_space<vmem_shared>> -> memref<520x128xf32, #tpu.memory_space<vmem_shared>>
        %dma_wait3A_61 = arith.constant 0 : i32
        %dma_wait3A_62 = tpu.memref_slice %arg2[%add3A_52, %dma_wait3A_61] : memref<20000x128xf32, #tpu.memory_space<hbm>> -> memref<520x128xf32, #tpu.memory_space<hbm>>
        tpu.wait_dma2 semaphore(%run_scoped3A : memref<!tpu.dma_semaphore, #tpu.memory_space<semaphore_mem>>) src(%dma_wait3A_62 : memref<520x128xf32, #tpu.memory_space<hbm>>) dst(%dma_wait3A_60 : memref<520x128xf32, #tpu.memory_space<vmem_shared>>)
        tpu.yield
      }) : () -> ()
    } else {
    }
    %barrier3A = arith.constant 0 : index
    tpu.barrier barrier_id(%barrier3A)
    %add3A_9 = arith.constant 0 : i32
    %add3A_10 = arith.addi %add3A, %add3A_9 : i32
    %dma_start3A = tpu.memref_slice %arg3[%add3A_10] : memref<647168xi32, #tpu.memory_space<hbm>> -> memref<128xi32, #tpu.memory_space<hbm>>
    %dma_start3A_11 = tpu.memref_slice %arg3[%add3A_10] : memref<647168xi32, #tpu.memory_space<hbm>> -> memref<128xi32, #tpu.memory_space<hbm>>
    tpu.enqueue_dma source(%dma_start3A_11 : memref<128xi32, #tpu.memory_space<hbm>>) target(%arg7 : memref<128xi32, #tpu.memory_space<vmem>>) target_semaphore(%arg13 : memref<!tpu.dma_semaphore, #tpu.memory_space<semaphore_mem>>)
    %add3A_12 = arith.constant 0 : i32
    %add3A_13 = arith.addi %add3A, %add3A_12 : i32
    %dma_start3A_14 = tpu.memref_slice %arg4[%add3A_13] : memref<647168xi32, #tpu.memory_space<hbm>> -> memref<128xi32, #tpu.memory_space<hbm>>
    %dma_start3A_15 = tpu.memref_slice %arg4[%add3A_13] : memref<647168xi32, #tpu.memory_space<hbm>> -> memref<128xi32, #tpu.memory_space<hbm>>
    tpu.enqueue_dma source(%dma_start3A_15 : memref<128xi32, #tpu.memory_space<hbm>>) target(%arg8 : memref<128xi32, #tpu.memory_space<vmem>>) target_semaphore(%arg13 : memref<!tpu.dma_semaphore, #tpu.memory_space<semaphore_mem>>)
    %add3A_16 = arith.constant 0 : i32
    %add3A_17 = arith.addi %add3A, %add3A_16 : i32
    %dma_wait3A = tpu.memref_slice %arg3[%add3A_17] : memref<647168xi32, #tpu.memory_space<hbm>> -> memref<128xi32, #tpu.memory_space<hbm>>
    %dma_wait3A_18 = tpu.memref_slice %arg3[%add3A_17] : memref<647168xi32, #tpu.memory_space<hbm>> -> memref<128xi32, #tpu.memory_space<hbm>>
    tpu.wait_dma2 semaphore(%arg13 : memref<!tpu.dma_semaphore, #tpu.memory_space<semaphore_mem>>) src(%dma_wait3A_18 : memref<128xi32, #tpu.memory_space<hbm>>) dst(%arg7 : memref<128xi32, #tpu.memory_space<vmem>>)
    %add3A_19 = arith.constant 0 : i32
    %add3A_20 = arith.addi %add3A, %add3A_19 : i32
    %dma_wait3A_21 = tpu.memref_slice %arg4[%add3A_20] : memref<647168xi32, #tpu.memory_space<hbm>> -> memref<128xi32, #tpu.memory_space<hbm>>
    %dma_wait3A_22 = tpu.memref_slice %arg4[%add3A_20] : memref<647168xi32, #tpu.memory_space<hbm>> -> memref<128xi32, #tpu.memory_space<hbm>>
    tpu.wait_dma2 semaphore(%arg13 : memref<!tpu.dma_semaphore, #tpu.memory_space<semaphore_mem>>) src(%dma_wait3A_22 : memref<128xi32, #tpu.memory_space<hbm>>) dst(%arg8 : memref<128xi32, #tpu.memory_space<vmem>>)
    %add3A_23 = arith.constant 128 : i32
    %add3A_24 = arith.addi %add3A, %add3A_23 : i32
    %dma_start3A_25 = tpu.memref_slice %arg3[%add3A_24] : memref<647168xi32, #tpu.memory_space<hbm>> -> memref<128xi32, #tpu.memory_space<hbm>>
    %dma_start3A_26 = tpu.memref_slice %arg3[%add3A_24] : memref<647168xi32, #tpu.memory_space<hbm>> -> memref<128xi32, #tpu.memory_space<hbm>>
    tpu.enqueue_dma source(%dma_start3A_26 : memref<128xi32, #tpu.memory_space<hbm>>) target(%arg9 : memref<128xi32, #tpu.memory_space<vmem>>) target_semaphore(%arg14 : memref<!tpu.dma_semaphore, #tpu.memory_space<semaphore_mem>>)
    %add3A_27 = arith.constant 128 : i32
    %add3A_28 = arith.addi %add3A, %add3A_27 : i32
    %dma_start3A_29 = tpu.memref_slice %arg4[%add3A_28] : memref<647168xi32, #tpu.memory_space<hbm>> -> memref<128xi32, #tpu.memory_space<hbm>>
    %dma_start3A_30 = tpu.memref_slice %arg4[%add3A_28] : memref<647168xi32, #tpu.memory_space<hbm>> -> memref<128xi32, #tpu.memory_space<hbm>>
    tpu.enqueue_dma source(%dma_start3A_30 : memref<128xi32, #tpu.memory_space<hbm>>) target(%arg10 : memref<128xi32, #tpu.memory_space<vmem>>) target_semaphore(%arg14 : memref<!tpu.dma_semaphore, #tpu.memory_space<semaphore_mem>>)
    %dma_start3A_31 = arith.constant 0 : i32
    %dma_start3A_32 = arith.constant 0 : i32
    %dma_start3A_33 = tpu.memref_slice %arg2[%dma_start3A_31, %dma_start3A_32] : memref<20000x128xf32, #tpu.memory_space<hbm>> -> memref<20000x128xf32, #tpu.memory_space<hbm>>
    tpu.enqueue_indirect_dma source(%dma_start3A_33 : memref<20000x128xf32, #tpu.memory_space<hbm>>) target(%arg11 : memref<128x128xf32, #tpu.memory_space<vmem>>) offsets(%arg7 : memref<128xi32, #tpu.memory_space<vmem>>) semaphore(%arg15 : memref<!tpu.dma_semaphore, #tpu.memory_space<semaphore_mem>>)
    %scan3A = arith.constant 0 : i32
    %scan3A_34 = arith.constant 79 : i32
    %scan3A_35 = arith.addi %scan3A, %scan3A_34 : i32
    %scan3A_36 = arith.constant 1 : i32
    scf.for %scan3A_49 = %scan3A to %scan3A_35 step %scan3A_36  : i32 {
      %mul3A_50 = arith.constant 2 : i32
      %mul3A_51 = arith.muli %scan3A_49, %mul3A_50 : i32
      %add3A_52 = arith.constant 0 : i32
      %add3A_53 = arith.addi %add3A_52, %mul3A_51 : i32
      %dma_wait3A_54 = arith.constant 0 : i32
      %dma_wait3A_55 = arith.constant 0 : i32
      %dma_wait3A_56 = tpu.memref_slice %arg2[%dma_wait3A_54, %dma_wait3A_55] : memref<20000x128xf32, #tpu.memory_space<hbm>> -> memref<20000x128xf32, #tpu.memory_space<hbm>>
      tpu.wait_indirect_dma semaphore(%arg15 : memref<!tpu.dma_semaphore, #tpu.memory_space<semaphore_mem>>) src(%dma_wait3A_56 : memref<20000x128xf32, #tpu.memory_space<hbm>>) dst(%arg11 : memref<128x128xf32, #tpu.memory_space<vmem>>)
      %add3A_57 = arith.constant 1 : i32
      %add3A_58 = arith.addi %add3A_53, %add3A_57 : i32
      %mul3A_59 = arith.constant 128 : i32
      %mul3A_60 = arith.muli %add3A_58, %mul3A_59 : i32
      %add3A_61 = arith.addi %add3A, %mul3A_60 : i32
      %dma_wait3A_62 = tpu.memref_slice %arg3[%add3A_61] : memref<647168xi32, #tpu.memory_space<hbm>> -> memref<128xi32, #tpu.memory_space<hbm>>
      %dma_wait3A_63 = tpu.memref_slice %arg3[%add3A_61] : memref<647168xi32, #tpu.memory_space<hbm>> -> memref<128xi32, #tpu.memory_space<hbm>>
      tpu.wait_dma2 semaphore(%arg14 : memref<!tpu.dma_semaphore, #tpu.memory_space<semaphore_mem>>) src(%dma_wait3A_63 : memref<128xi32, #tpu.memory_space<hbm>>) dst(%arg9 : memref<128xi32, #tpu.memory_space<vmem>>)
      %mul3A_64 = arith.constant 128 : i32
      %mul3A_65 = arith.muli %add3A_58, %mul3A_64 : i32
      %add3A_66 = arith.addi %add3A, %mul3A_65 : i32
      %dma_wait3A_67 = tpu.memref_slice %arg4[%add3A_66] : memref<647168xi32, #tpu.memory_space<hbm>> -> memref<128xi32, #tpu.memory_space<hbm>>
      %dma_wait3A_68 = tpu.memref_slice %arg4[%add3A_66] : memref<647168xi32, #tpu.memory_space<hbm>> -> memref<128xi32, #tpu.memory_space<hbm>>
      tpu.wait_dma2 semaphore(%arg14 : memref<!tpu.dma_semaphore, #tpu.memory_space<semaphore_mem>>) src(%dma_wait3A_68 : memref<128xi32, #tpu.memory_space<hbm>>) dst(%arg10 : memref<128xi32, #tpu.memory_space<vmem>>)
      %dma_start3A_69 = arith.constant 0 : i32
      %dma_start3A_70 = arith.constant 0 : i32
      %dma_start3A_71 = tpu.memref_slice %arg2[%dma_start3A_69, %dma_start3A_70] : memref<20000x128xf32, #tpu.memory_space<hbm>> -> memref<20000x128xf32, #tpu.memory_space<hbm>>
      tpu.enqueue_indirect_dma source(%dma_start3A_71 : memref<20000x128xf32, #tpu.memory_space<hbm>>) target(%arg12 : memref<128x128xf32, #tpu.memory_space<vmem>>) offsets(%arg9 : memref<128xi32, #tpu.memory_space<vmem>>) semaphore(%arg16 : memref<!tpu.dma_semaphore, #tpu.memory_space<semaphore_mem>>)
      "tpu.region"() ({
        %run_scoped3A = tpu.sem_alloc : memref<!tpu.dma_semaphore, #tpu.memory_space<semaphore_mem>>
        %dma_start3A_96 = arith.constant 0 : i32
        %dma_start3A_97 = arith.constant 0 : i32
        %dma_start3A_98 = tpu.memref_slice %arg6[%dma_start3A_96, %dma_start3A_97] : memref<10016x128xf32, #tpu.memory_space<vmem_shared>> -> memref<10016x128xf32, #tpu.memory_space<vmem_shared>>
        tpu.enqueue_indirect_dma source(%arg11 : memref<128x128xf32, #tpu.memory_space<vmem>>) target(%dma_start3A_98 : memref<10016x128xf32, #tpu.memory_space<vmem_shared>>) offsets(%arg8 : memref<128xi32, #tpu.memory_space<vmem>>) semaphore(%run_scoped3A : memref<!tpu.dma_semaphore, #tpu.memory_space<semaphore_mem>>) {add = true}
        %dma_wait3A_99 = arith.constant 0 : i32
        %dma_wait3A_100 = arith.constant 0 : i32
        %dma_wait3A_101 = tpu.memref_slice %arg6[%dma_wait3A_99, %dma_wait3A_100] : memref<10016x128xf32, #tpu.memory_space<vmem_shared>> -> memref<10016x128xf32, #tpu.memory_space<vmem_shared>>
        tpu.wait_indirect_dma semaphore(%run_scoped3A : memref<!tpu.dma_semaphore, #tpu.memory_space<semaphore_mem>>) src(%arg11 : memref<128x128xf32, #tpu.memory_space<vmem>>) dst(%dma_wait3A_101 : memref<10016x128xf32, #tpu.memory_space<vmem_shared>>)
        tpu.yield
      }) : () -> ()
      %add3A_72 = arith.constant 2 : i32
      %add3A_73 = arith.addi %add3A_53, %add3A_72 : i32
      %lt3A_74 = arith.constant 158 : i32
      %lt3A_75 = arith.cmpi slt, %add3A_73, %lt3A_74 : i32
      %convert_element_type3A_76 = arith.extui %lt3A_75 : i1 to i32
      %cond3A_77 = arith.constant 0 : i32
      %cond3A_78 = arith.cmpi ne, %convert_element_type3A_76, %cond3A_77 : i32
      scf.if %cond3A_78 {
        %add3A_96 = arith.constant 2 : i32
        %add3A_97 = arith.addi %add3A_53, %add3A_96 : i32
        %mul3A_98 = arith.constant 128 : i32
        %mul3A_99 = arith.muli %add3A_97, %mul3A_98 : i32
        %add3A_100 = arith.addi %add3A, %mul3A_99 : i32
        %dma_start3A_101 = tpu.memref_slice %arg3[%add3A_100] : memref<647168xi32, #tpu.memory_space<hbm>> -> memref<128xi32, #tpu.memory_space<hbm>>
        %dma_start3A_102 = tpu.memref_slice %arg3[%add3A_100] : memref<647168xi32, #tpu.memory_space<hbm>> -> memref<128xi32, #tpu.memory_space<hbm>>
        tpu.enqueue_dma source(%dma_start3A_102 : memref<128xi32, #tpu.memory_space<hbm>>) target(%arg7 : memref<128xi32, #tpu.memory_space<vmem>>) target_semaphore(%arg13 : memref<!tpu.dma_semaphore, #tpu.memory_space<semaphore_mem>>)
        %mul3A_103 = arith.constant 128 : i32
        %mul3A_104 = arith.muli %add3A_97, %mul3A_103 : i32
        %add3A_105 = arith.addi %add3A, %mul3A_104 : i32
        %dma_start3A_106 = tpu.memref_slice %arg4[%add3A_105] : memref<647168xi32, #tpu.memory_space<hbm>> -> memref<128xi32, #tpu.memory_space<hbm>>
        %dma_start3A_107 = tpu.memref_slice %arg4[%add3A_105] : memref<647168xi32, #tpu.memory_space<hbm>> -> memref<128xi32, #tpu.memory_space<hbm>>
        tpu.enqueue_dma source(%dma_start3A_107 : memref<128xi32, #tpu.memory_space<hbm>>) target(%arg8 : memref<128xi32, #tpu.memory_space<vmem>>) target_semaphore(%arg13 : memref<!tpu.dma_semaphore, #tpu.memory_space<semaphore_mem>>)
      } else {
      }
      %dma_wait3A_79 = arith.constant 0 : i32
      %dma_wait3A_80 = arith.constant 0 : i32
      %dma_wait3A_81 = tpu.memref_slice %arg2[%dma_wait3A_79, %dma_wait3A_80] : memref<20000x128xf32, #tpu.memory_space<hbm>> -> memref<20000x128xf32, #tpu.memory_space<hbm>>
      tpu.wait_indirect_dma semaphore(%arg16 : memref<!tpu.dma_semaphore, #tpu.memory_space<semaphore_mem>>) src(%dma_wait3A_81 : memref<20000x128xf32, #tpu.memory_space<hbm>>) dst(%arg12 : memref<128x128xf32, #tpu.memory_space<vmem>>)
      %add3A_82 = arith.constant 2 : i32
      %add3A_83 = arith.addi %add3A_53, %add3A_82 : i32
      %lt3A_84 = arith.constant 158 : i32
      %lt3A_85 = arith.cmpi slt, %add3A_83, %lt3A_84 : i32
      %convert_element_type3A_86 = arith.extui %lt3A_85 : i1 to i32
      %cond3A_87 = arith.constant 0 : i32
      %cond3A_88 = arith.cmpi ne, %convert_element_type3A_86, %cond3A_87 : i32
      scf.if %cond3A_88 {
        %add3A_96 = arith.constant 2 : i32
        %add3A_97 = arith.addi %add3A_53, %add3A_96 : i32
        %mul3A_98 = arith.constant 128 : i32
        %mul3A_99 = arith.muli %add3A_97, %mul3A_98 : i32
        %add3A_100 = arith.addi %add3A, %mul3A_99 : i32
        %dma_wait3A_101 = tpu.memref_slice %arg3[%add3A_100] : memref<647168xi32, #tpu.memory_space<hbm>> -> memref<128xi32, #tpu.memory_space<hbm>>
        %dma_wait3A_102 = tpu.memref_slice %arg3[%add3A_100] : memref<647168xi32, #tpu.memory_space<hbm>> -> memref<128xi32, #tpu.memory_space<hbm>>
        tpu.wait_dma2 semaphore(%arg13 : memref<!tpu.dma_semaphore, #tpu.memory_space<semaphore_mem>>) src(%dma_wait3A_102 : memref<128xi32, #tpu.memory_space<hbm>>) dst(%arg7 : memref<128xi32, #tpu.memory_space<vmem>>)
        %mul3A_103 = arith.constant 128 : i32
        %mul3A_104 = arith.muli %add3A_97, %mul3A_103 : i32
        %add3A_105 = arith.addi %add3A, %mul3A_104 : i32
        %dma_wait3A_106 = tpu.memref_slice %arg4[%add3A_105] : memref<647168xi32, #tpu.memory_space<hbm>> -> memref<128xi32, #tpu.memory_space<hbm>>
        %dma_wait3A_107 = tpu.memref_slice %arg4[%add3A_105] : memref<647168xi32, #tpu.memory_space<hbm>> -> memref<128xi32, #tpu.memory_space<hbm>>
        tpu.wait_dma2 semaphore(%arg13 : memref<!tpu.dma_semaphore, #tpu.memory_space<semaphore_mem>>) src(%dma_wait3A_107 : memref<128xi32, #tpu.memory_space<hbm>>) dst(%arg8 : memref<128xi32, #tpu.memory_space<vmem>>)
        %dma_start3A_108 = arith.constant 0 : i32
        %dma_start3A_109 = arith.constant 0 : i32
        %dma_start3A_110 = tpu.memref_slice %arg2[%dma_start3A_108, %dma_start3A_109] : memref<20000x128xf32, #tpu.memory_space<hbm>> -> memref<20000x128xf32, #tpu.memory_space<hbm>>
        tpu.enqueue_indirect_dma source(%dma_start3A_110 : memref<20000x128xf32, #tpu.memory_space<hbm>>) target(%arg11 : memref<128x128xf32, #tpu.memory_space<vmem>>) offsets(%arg7 : memref<128xi32, #tpu.memory_space<vmem>>) semaphore(%arg15 : memref<!tpu.dma_semaphore, #tpu.memory_space<semaphore_mem>>)
      } else {
      }
      "tpu.region"() ({
        %run_scoped3A = tpu.sem_alloc : memref<!tpu.dma_semaphore, #tpu.memory_space<semaphore_mem>>
        %dma_start3A_96 = arith.constant 0 : i32
        %dma_start3A_97 = arith.constant 0 : i32
        %dma_start3A_98 = tpu.memref_slice %arg6[%dma_start3A_96, %dma_start3A_97] : memref<10016x128xf32, #tpu.memory_space<vmem_shared>> -> memref<10016x128xf32, #tpu.memory_space<vmem_shared>>
        tpu.enqueue_indirect_dma source(%arg12 : memref<128x128xf32, #tpu.memory_space<vmem>>) target(%dma_start3A_98 : memref<10016x128xf32, #tpu.memory_space<vmem_shared>>) offsets(%arg10 : memref<128xi32, #tpu.memory_space<vmem>>) semaphore(%run_scoped3A : memref<!tpu.dma_semaphore, #tpu.memory_space<semaphore_mem>>) {add = true}
        %dma_wait3A_99 = arith.constant 0 : i32
        %dma_wait3A_100 = arith.constant 0 : i32
        %dma_wait3A_101 = tpu.memref_slice %arg6[%dma_wait3A_99, %dma_wait3A_100] : memref<10016x128xf32, #tpu.memory_space<vmem_shared>> -> memref<10016x128xf32, #tpu.memory_space<vmem_shared>>
        tpu.wait_indirect_dma semaphore(%run_scoped3A : memref<!tpu.dma_semaphore, #tpu.memory_space<semaphore_mem>>) src(%arg12 : memref<128x128xf32, #tpu.memory_space<vmem>>) dst(%dma_wait3A_101 : memref<10016x128xf32, #tpu.memory_space<vmem_shared>>)
        tpu.yield
      }) : () -> ()
      %add3A_89 = arith.constant 3 : i32
      %add3A_90 = arith.addi %add3A_53, %add3A_89 : i32
      %lt3A_91 = arith.constant 158 : i32
      %lt3A_92 = arith.cmpi slt, %add3A_90, %lt3A_91 : i32
      %convert_element_type3A_93 = arith.extui %lt3A_92 : i1 to i32
      %cond3A_94 = arith.constant 0 : i32
      %cond3A_95 = arith.cmpi ne, %convert_element_type3A_93, %cond3A_94 : i32
      scf.if %cond3A_95 {
        %add3A_96 = arith.constant 3 : i32
        %add3A_97 = arith.addi %add3A_53, %add3A_96 : i32
        %mul3A_98 = arith.constant 128 : i32
        %mul3A_99 = arith.muli %add3A_97, %mul3A_98 : i32
        %add3A_100 = arith.addi %add3A, %mul3A_99 : i32
        %dma_start3A_101 = tpu.memref_slice %arg3[%add3A_100] : memref<647168xi32, #tpu.memory_space<hbm>> -> memref<128xi32, #tpu.memory_space<hbm>>
        %dma_start3A_102 = tpu.memref_slice %arg3[%add3A_100] : memref<647168xi32, #tpu.memory_space<hbm>> -> memref<128xi32, #tpu.memory_space<hbm>>
        tpu.enqueue_dma source(%dma_start3A_102 : memref<128xi32, #tpu.memory_space<hbm>>) target(%arg9 : memref<128xi32, #tpu.memory_space<vmem>>) target_semaphore(%arg14 : memref<!tpu.dma_semaphore, #tpu.memory_space<semaphore_mem>>)
        %mul3A_103 = arith.constant 128 : i32
        %mul3A_104 = arith.muli %add3A_97, %mul3A_103 : i32
        %add3A_105 = arith.addi %add3A, %mul3A_104 : i32
        %dma_start3A_106 = tpu.memref_slice %arg4[%add3A_105] : memref<647168xi32, #tpu.memory_space<hbm>> -> memref<128xi32, #tpu.memory_space<hbm>>
        %dma_start3A_107 = tpu.memref_slice %arg4[%add3A_105] : memref<647168xi32, #tpu.memory_space<hbm>> -> memref<128xi32, #tpu.memory_space<hbm>>
        tpu.enqueue_dma source(%dma_start3A_107 : memref<128xi32, #tpu.memory_space<hbm>>) target(%arg10 : memref<128xi32, #tpu.memory_space<vmem>>) target_semaphore(%arg14 : memref<!tpu.dma_semaphore, #tpu.memory_space<semaphore_mem>>)
      } else {
      }
    }
    %scan3A_37 = arith.constant 79 : i32
    %barrier3A_38 = arith.constant 0 : index
    tpu.barrier barrier_id(%barrier3A_38)
    %lt3A_39 = arith.constant 15 : i32
    %lt3A_40 = arith.cmpi slt, %arg1, %lt3A_39 : i32
    %convert_element_type3A_41 = arith.extui %lt3A_40 : i1 to i32
    %cond3A_42 = arith.constant 0 : i32
    %cond3A_43 = arith.cmpi ne, %convert_element_type3A_41, %cond3A_42 : i32
    scf.if %cond3A_43 {
      %mul3A_49 = arith.constant 632 : i32
      %mul3A_50 = arith.muli %arg1, %mul3A_49 : i32
      %mul3A_51 = arith.constant 10000 : i32
      %mul3A_52 = arith.muli %arg0, %mul3A_51 : i32
      %add3A_53 = arith.addi %mul3A_52, %mul3A_50 : i32
      "tpu.region"() ({
        %run_scoped3A = tpu.sem_alloc : memref<!tpu.dma_semaphore, #tpu.memory_space<semaphore_mem>>
        %dma_start3A_54 = arith.constant 0 : i32
        %dma_start3A_55 = tpu.memref_slice %arg5[%add3A_53, %dma_start3A_54] : memref<20000x128xf32, #tpu.memory_space<hbm>> -> memref<632x128xf32, #tpu.memory_space<hbm>>
        %dma_start3A_56 = arith.constant 0 : i32
        %dma_start3A_57 = tpu.memref_slice %arg6[%mul3A_50, %dma_start3A_56] : memref<10016x128xf32, #tpu.memory_space<vmem_shared>> -> memref<632x128xf32, #tpu.memory_space<vmem_shared>>
        tpu.enqueue_dma source(%dma_start3A_57 : memref<632x128xf32, #tpu.memory_space<vmem_shared>>) target(%dma_start3A_55 : memref<632x128xf32, #tpu.memory_space<hbm>>) target_semaphore(%run_scoped3A : memref<!tpu.dma_semaphore, #tpu.memory_space<semaphore_mem>>)
        %dma_wait3A_58 = arith.constant 0 : i32
        %dma_wait3A_59 = tpu.memref_slice %arg5[%add3A_53, %dma_wait3A_58] : memref<20000x128xf32, #tpu.memory_space<hbm>> -> memref<632x128xf32, #tpu.memory_space<hbm>>
        %dma_wait3A_60 = arith.constant 0 : i32
        %dma_wait3A_61 = tpu.memref_slice %arg6[%mul3A_50, %dma_wait3A_60] : memref<10016x128xf32, #tpu.memory_space<vmem_shared>> -> memref<632x128xf32, #tpu.memory_space<vmem_shared>>
        tpu.wait_dma2 semaphore(%run_scoped3A : memref<!tpu.dma_semaphore, #tpu.memory_space<semaphore_mem>>) src(%dma_wait3A_61 : memref<632x128xf32, #tpu.memory_space<vmem_shared>>) dst(%dma_wait3A_59 : memref<632x128xf32, #tpu.memory_space<hbm>>)
        tpu.yield
      }) : () -> ()
    } else {
    }
    %eq3A_44 = arith.constant 15 : i32
    %eq3A_45 = arith.cmpi eq, %arg1, %eq3A_44 : i32
    %convert_element_type3A_46 = arith.extui %eq3A_45 : i1 to i32
    %cond3A_47 = arith.constant 0 : i32
    %cond3A_48 = arith.cmpi ne, %convert_element_type3A_46, %cond3A_47 : i32
    scf.if %cond3A_48 {
      %mul3A_49 = arith.constant 10000 : i32
      %mul3A_50 = arith.muli %arg0, %mul3A_49 : i32
      %add3A_51 = arith.constant 9480 : i32
      %add3A_52 = arith.addi %mul3A_50, %add3A_51 : i32
      "tpu.region"() ({
        %run_scoped3A = tpu.sem_alloc : memref<!tpu.dma_semaphore, #tpu.memory_space<semaphore_mem>>
        %dma_start3A_53 = arith.constant 0 : i32
        %dma_start3A_54 = tpu.memref_slice %arg5[%add3A_52, %dma_start3A_53] : memref<20000x128xf32, #tpu.memory_space<hbm>> -> memref<520x128xf32, #tpu.memory_space<hbm>>
        %dma_start3A_55 = arith.constant 9480 : i32
        %dma_start3A_56 = arith.constant 0 : i32
        %dma_start3A_57 = tpu.memref_slice %arg6[%dma_start3A_55, %dma_start3A_56] : memref<10016x128xf32, #tpu.memory_space<vmem_shared>> -> memref<520x128xf32, #tpu.memory_space<vmem_shared>>
        tpu.enqueue_dma source(%dma_start3A_57 : memref<520x128xf32, #tpu.memory_space<vmem_shared>>) target(%dma_start3A_54 : memref<520x128xf32, #tpu.memory_space<hbm>>) target_semaphore(%run_scoped3A : memref<!tpu.dma_semaphore, #tpu.memory_space<semaphore_mem>>)
        %dma_wait3A_58 = arith.constant 0 : i32
        %dma_wait3A_59 = tpu.memref_slice %arg5[%add3A_52, %dma_wait3A_58] : memref<20000x128xf32, #tpu.memory_space<hbm>> -> memref<520x128xf32, #tpu.memory_space<hbm>>
        %dma_wait3A_60 = arith.constant 9480 : i32
        %dma_wait3A_61 = arith.constant 0 : i32
        %dma_wait3A_62 = tpu.memref_slice %arg6[%dma_wait3A_60, %dma_wait3A_61] : memref<10016x128xf32, #tpu.memory_space<vmem_shared>> -> memref<520x128xf32, #tpu.memory_space<vmem_shared>>
        tpu.wait_dma2 semaphore(%run_scoped3A : memref<!tpu.dma_semaphore, #tpu.memory_space<semaphore_mem>>) src(%dma_wait3A_62 : memref<520x128xf32, #tpu.memory_space<vmem_shared>>) dst(%dma_wait3A_59 : memref<520x128xf32, #tpu.memory_space<hbm>>)
        tpu.yield
      }) : () -> ()
    } else {
    }
    return
  }
}

module attributes {stable_mosaic.version = 14 : i64} {
  func.func @body(%arg0: i32, %arg1: memref<1000x3xf32, #tpu.memory_space<vmem>>, %arg2: memref<1000x128xf32, #tpu.memory_space<vmem>>, %arg3: memref<3x128xf32, #tpu.memory_space<vmem>>, %arg4: memref<1x128xf32, #tpu.memory_space<vmem>>, %arg5: memref<128x256xf32, #tpu.memory_space<vmem>>, %arg6: memref<1x256xf32, #tpu.memory_space<vmem>>, %arg7: memref<256x128xf32, #tpu.memory_space<vmem>>, %arg8: memref<1x128xf32, #tpu.memory_space<vmem>>, %arg9: memref<1000x256xf32, #tpu.memory_space<vmem>>) attributes {dimension_semantics = [#tpu.dimension_semantics<arbitrary>], iteration_bounds = array<i64: 20>, scalar_prefetch = 0 : i64, scratch_operands = 0 : i64, tpu.core_type = #tpu.core_type<tc>, window_params = [{transform_indices = @transform_0, window_bounds = array<i64: 1000, 3>}, {transform_indices = @transform_1, window_bounds = array<i64: 1000, 128>}, {pipeline_mode = #tpu.pipeline_mode<synchronous>, transform_indices = @transform_2, window_bounds = array<i64: 3, 128>}, {pipeline_mode = #tpu.pipeline_mode<synchronous>, transform_indices = @transform_3, window_bounds = array<i64: 1, 128>}, {pipeline_mode = #tpu.pipeline_mode<synchronous>, transform_indices = @transform_4, window_bounds = array<i64: 128, 256>}, {pipeline_mode = #tpu.pipeline_mode<synchronous>, transform_indices = @transform_5, window_bounds = array<i64: 1, 256>}, {pipeline_mode = #tpu.pipeline_mode<synchronous>, transform_indices = @transform_6, window_bounds = array<i64: 256, 128>}, {pipeline_mode = #tpu.pipeline_mode<synchronous>, transform_indices = @transform_7, window_bounds = array<i64: 1, 128>}, {transform_indices = @transform_8, window_bounds = array<i64: 1000, 256>}]} {
    %get3A = arith.constant 0 : index
    %get3A_0 = arith.constant 0 : index
    %get3A_1 = vector.load %arg1[%get3A, %get3A_0] : memref<1000x3xf32, #tpu.memory_space<vmem>>, vector<1000x3xf32>
    %get3A_2 = arith.constant 0 : index
    %get3A_3 = arith.constant 0 : index
    %get3A_4 = vector.load %arg3[%get3A_2, %get3A_3] : memref<3x128xf32, #tpu.memory_space<vmem>>, vector<3x128xf32>
    %dot_general3A = arith.constant dense<0.000000e+00> : vector<1000x128xf32>
    %dot_general3A_5 = tpu.matmul %get3A_1, %get3A_4, %dot_general3A {dimension_numbers = #tpu.dot_dimension_numbers<[1], [0], [0], [1], [0, 0, 1, 1], [], []>, precision = #tpu.contract_precision<fp32>, transpose_lhs_hint = false} : vector<1000x3xf32>, vector<3x128xf32>, vector<1000x128xf32> -> vector<1000x128xf32>
    %get3A_6 = arith.constant 0 : index
    %get3A_7 = arith.constant 0 : index
    %get3A_8 = vector.load %arg4[%get3A_6, %get3A_7] : memref<1x128xf32, #tpu.memory_space<vmem>>, vector<1x128xf32>
    %add3A = vector.broadcast %get3A_8 : vector<1x128xf32> to vector<1000x128xf32>
    %add3A_9 = arith.addf %dot_general3A_5, %add3A : vector<1000x128xf32>
    %max3A = arith.constant 0.000000e+00 : f32
    %max3A_10 = vector.broadcast %max3A : f32 to vector<1000x128xf32>
    %max3A_11 = arith.maximumf %add3A_9, %max3A_10 : vector<1000x128xf32>
    %get3A_12 = arith.constant 0 : index
    %get3A_13 = arith.constant 0 : index
    %get3A_14 = vector.load %arg2[%get3A_12, %get3A_13] : memref<1000x128xf32, #tpu.memory_space<vmem>>, vector<1000x128xf32>
    %get3A_15 = arith.constant 0 : index
    %get3A_16 = arith.constant 0 : index
    %get3A_17 = vector.load %arg5[%get3A_15, %get3A_16] : memref<128x256xf32, #tpu.memory_space<vmem>>, vector<128x256xf32>
    %dot_general3A_18 = arith.constant dense<0.000000e+00> : vector<1000x256xf32>
    %dot_general3A_19 = tpu.matmul %get3A_14, %get3A_17, %dot_general3A_18 {dimension_numbers = #tpu.dot_dimension_numbers<[1], [0], [0], [1], [0, 0, 1, 1], [], []>, precision = #tpu.contract_precision<fp32>, transpose_lhs_hint = false} : vector<1000x128xf32>, vector<128x256xf32>, vector<1000x256xf32> -> vector<1000x256xf32>
    %get3A_20 = arith.constant 0 : index
    %get3A_21 = arith.constant 0 : index
    %get3A_22 = vector.load %arg6[%get3A_20, %get3A_21] : memref<1x256xf32, #tpu.memory_space<vmem>>, vector<1x256xf32>
    %add3A_23 = vector.broadcast %get3A_22 : vector<1x256xf32> to vector<1000x256xf32>
    %add3A_24 = arith.addf %dot_general3A_19, %add3A_23 : vector<1000x256xf32>
    %max3A_25 = arith.constant 0.000000e+00 : f32
    %max3A_26 = vector.broadcast %max3A_25 : f32 to vector<1000x256xf32>
    %max3A_27 = arith.maximumf %add3A_24, %max3A_26 : vector<1000x256xf32>
    %get3A_28 = arith.constant 0 : index
    %get3A_29 = arith.constant 0 : index
    %get3A_30 = vector.load %arg7[%get3A_28, %get3A_29] : memref<256x128xf32, #tpu.memory_space<vmem>>, vector<256x128xf32>
    %dot_general3A_31 = arith.constant dense<0.000000e+00> : vector<1000x128xf32>
    %dot_general3A_32 = tpu.matmul %max3A_27, %get3A_30, %dot_general3A_31 {dimension_numbers = #tpu.dot_dimension_numbers<[1], [0], [0], [1], [0, 0, 1, 1], [], []>, precision = #tpu.contract_precision<fp32>, transpose_lhs_hint = false} : vector<1000x256xf32>, vector<256x128xf32>, vector<1000x128xf32> -> vector<1000x128xf32>
    %get3A_33 = arith.constant 0 : index
    %get3A_34 = arith.constant 0 : index
    %get3A_35 = vector.load %arg8[%get3A_33, %get3A_34] : memref<1x128xf32, #tpu.memory_space<vmem>>, vector<1x128xf32>
    %add3A_36 = vector.broadcast %get3A_35 : vector<1x128xf32> to vector<1000x128xf32>
    %add3A_37 = arith.addf %dot_general3A_32, %add3A_36 : vector<1000x128xf32>
    %max3A_38 = arith.constant 0.000000e+00 : f32
    %max3A_39 = vector.broadcast %max3A_38 : f32 to vector<1000x128xf32>
    %max3A_40 = arith.maximumf %add3A_37, %max3A_39 : vector<1000x128xf32>
    %concatenate3A = tpu.concatenate %max3A_11, %max3A_40 in 1 : vector<1000x128xf32>, vector<1000x128xf32> -> vector<1000x256xf32>
    %swap3A = arith.constant 0 : index
    %swap3A_41 = arith.constant 0 : index
    %swap3A_42 = vector.load %arg9[%swap3A, %swap3A_41] : memref<1000x256xf32, #tpu.memory_space<vmem>>, vector<1000x256xf32>
    tpu.vector_store %arg9[%swap3A, %swap3A_41], %concatenate3A {strides = array<i32>} : memref<1000x256xf32, #tpu.memory_space<vmem>>, vector<1000x256xf32>,
    return
  }
  func.func @transform_0(%arg0: i32) -> (i32, i32) {
    %c0_i32 = arith.constant 0 : i32
    %c0_i32_0 = arith.constant 0 : i32
    return %arg0, %c0_i32 : i32, i32
  }
  func.func @transform_1(%arg0: i32) -> (i32, i32) {
    %c0_i32 = arith.constant 0 : i32
    %c0_i32_0 = arith.constant 0 : i32
    return %arg0, %c0_i32 : i32, i32
  }
  func.func @transform_2(%arg0: i32) -> (i32, i32) {
    %c0_i32 = arith.constant 0 : i32
    %c0_i32_0 = arith.constant 0 : i32
    %c0_i32_1 = arith.constant 0 : i32
    return %c0_i32, %c0_i32_0 : i32, i32
  }
  func.func @transform_3(%arg0: i32) -> (i32, i32) {
    %c0_i32 = arith.constant 0 : i32
    %c0_i32_0 = arith.constant 0 : i32
    %c0_i32_1 = arith.constant 0 : i32
    return %c0_i32, %c0_i32_0 : i32, i32
  }
  func.func @transform_4(%arg0: i32) -> (i32, i32) {
    %c0_i32 = arith.constant 0 : i32
    %c0_i32_0 = arith.constant 0 : i32
    %c0_i32_1 = arith.constant 0 : i32
    return %c0_i32, %c0_i32_0 : i32, i32
  }
  func.func @transform_5(%arg0: i32) -> (i32, i32) {
    %c0_i32 = arith.constant 0 : i32
    %c0_i32_0 = arith.constant 0 : i32
    %c0_i32_1 = arith.constant 0 : i32
    return %c0_i32, %c0_i32_0 : i32, i32
  }
  func.func @transform_6(%arg0: i32) -> (i32, i32) {
    %c0_i32 = arith.constant 0 : i32
    %c0_i32_0 = arith.constant 0 : i32
    %c0_i32_1 = arith.constant 0 : i32
    return %c0_i32, %c0_i32_0 : i32, i32
  }
  func.func @transform_7(%arg0: i32) -> (i32, i32) {
    %c0_i32 = arith.constant 0 : i32
    %c0_i32_0 = arith.constant 0 : i32
    %c0_i32_1 = arith.constant 0 : i32
    return %c0_i32, %c0_i32_0 : i32, i32
  }
  func.func @transform_8(%arg0: i32) -> (i32, i32) {
    %c0_i32 = arith.constant 0 : i32
    %c0_i32_0 = arith.constant 0 : i32
    return %arg0, %c0_i32 : i32, i32
  }
}

module attributes {stable_mosaic.version = 14 : i64} {
  func.func @body(%arg0: i32, %arg1: memref<1000x256xf32, #tpu.memory_space<vmem>>, %arg2: memref<1000x128xf32, #tpu.memory_space<vmem>>, %arg3: memref<256x128xf32, #tpu.memory_space<vmem>>, %arg4: memref<1000x128xf32, #tpu.memory_space<vmem>>, %arg5: memref<1000x128xf32, #tpu.memory_space<vmem>>) attributes {dimension_semantics = [#tpu.dimension_semantics<arbitrary>], iteration_bounds = array<i64: 20>, scalar_prefetch = 0 : i64, scratch_operands = 0 : i64, tpu.core_type = #tpu.core_type<tc>, window_params = [{transform_indices = @transform_0, window_bounds = array<i64: 1000, 256>}, {transform_indices = @transform_1, window_bounds = array<i64: 1000, 128>}, {pipeline_mode = #tpu.pipeline_mode<synchronous>, transform_indices = @transform_2, window_bounds = array<i64: 256, 128>}, {transform_indices = @transform_3, window_bounds = array<i64: 1000, 128>}, {transform_indices = @transform_4, window_bounds = array<i64: 1000, 128>}]} {
    %get3A = arith.constant 0 : index
    %get3A_0 = arith.constant 0 : index
    %get3A_1 = vector.load %arg2[%get3A, %get3A_0] : memref<1000x128xf32, #tpu.memory_space<vmem>>, vector<1000x128xf32>
    %slice3A = vector.extract_strided_slice %get3A_1 {offsets = [0, 0], sizes = [1000, 1], strides = [1, 1]} : vector<1000x128xf32> to vector<1000x1xf32>
    %add3A = arith.constant 1.000000e+00 : f32
    %add3A_2 = vector.broadcast %add3A : f32 to vector<1000x1xf32>
    %add3A_3 = arith.addf %slice3A, %add3A_2 : vector<1000x1xf32>
    %rsqrt3A = math.rsqrt %add3A_3 : vector<1000x1xf32>
    %broadcast_in_dim3A = vector.shape_cast %rsqrt3A : vector<1000x1xf32> to vector<1000x1xf32>
    %broadcast_in_dim3A_4 = vector.broadcast %broadcast_in_dim3A : vector<1000x1xf32> to vector<1000x128xf32>
    %get3A_5 = arith.constant 0 : index
    %get3A_6 = arith.constant 0 : index
    %get3A_7 = vector.load %arg1[%get3A_5, %get3A_6] : memref<1000x256xf32, #tpu.memory_space<vmem>>, vector<1000x256xf32>
    %get3A_8 = arith.constant 0 : index
    %get3A_9 = arith.constant 0 : index
    %get3A_10 = vector.load %arg3[%get3A_8, %get3A_9] : memref<256x128xf32, #tpu.memory_space<vmem>>, vector<256x128xf32>
    %dot_general3A = arith.constant dense<0.000000e+00> : vector<1000x128xf32>
    %dot_general3A_11 = tpu.matmul %get3A_7, %get3A_10, %dot_general3A {dimension_numbers = #tpu.dot_dimension_numbers<[1], [0], [0], [1], [0, 0, 1, 1], [], []>, precision = #tpu.contract_precision<fp32>, transpose_lhs_hint = false} : vector<1000x256xf32>, vector<256x128xf32>, vector<1000x128xf32> -> vector<1000x128xf32>
    %mul3A = arith.mulf %dot_general3A_11, %broadcast_in_dim3A_4 : vector<1000x128xf32>
    %swap3A = arith.constant 0 : index
    %swap3A_12 = arith.constant 0 : index
    %swap3A_13 = vector.load %arg4[%swap3A, %swap3A_12] : memref<1000x128xf32, #tpu.memory_space<vmem>>, vector<1000x128xf32>
    tpu.vector_store %arg4[%swap3A, %swap3A_12], %mul3A {strides = array<i32>} : memref<1000x128xf32, #tpu.memory_space<vmem>>, vector<1000x128xf32>,
    %swap3A_14 = arith.constant 0 : index
    %swap3A_15 = arith.constant 0 : index
    %swap3A_16 = vector.load %arg5[%swap3A_14, %swap3A_15] : memref<1000x128xf32, #tpu.memory_space<vmem>>, vector<1000x128xf32>
    tpu.vector_store %arg5[%swap3A_14, %swap3A_15], %broadcast_in_dim3A_4 {strides = array<i32>} : memref<1000x128xf32, #tpu.memory_space<vmem>>, vector<1000x128xf32>,
    return
  }
  func.func @transform_0(%arg0: i32) -> (i32, i32) {
    %c0_i32 = arith.constant 0 : i32
    %c0_i32_0 = arith.constant 0 : i32
    return %arg0, %c0_i32 : i32, i32
  }
  func.func @transform_1(%arg0: i32) -> (i32, i32) {
    %c0_i32 = arith.constant 0 : i32
    %c0_i32_0 = arith.constant 0 : i32
    return %arg0, %c0_i32 : i32, i32
  }
  func.func @transform_2(%arg0: i32) -> (i32, i32) {
    %c0_i32 = arith.constant 0 : i32
    %c0_i32_0 = arith.constant 0 : i32
    %c0_i32_1 = arith.constant 0 : i32
    return %c0_i32, %c0_i32_0 : i32, i32
  }
  func.func @transform_3(%arg0: i32) -> (i32, i32) {
    %c0_i32 = arith.constant 0 : i32
    %c0_i32_0 = arith.constant 0 : i32
    return %arg0, %c0_i32 : i32, i32
  }
  func.func @transform_4(%arg0: i32) -> (i32, i32) {
    %c0_i32 = arith.constant 0 : i32
    %c0_i32_0 = arith.constant 0 : i32
    return %arg0, %c0_i32 : i32, i32
  }
}

module attributes {stable_mosaic.version = 14 : i64} {
  func.func @body(%arg0: i32, %arg1: memref<1000x128xf32, #tpu.memory_space<vmem>>, %arg2: memref<1000x128xf32, #tpu.memory_space<vmem>>, %arg3: memref<1000x256xf32, #tpu.memory_space<vmem>>, %arg4: memref<1x128xf32, #tpu.memory_space<vmem>>, %arg5: memref<128x64xf32, #tpu.memory_space<vmem>>, %arg6: memref<1x64xf32, #tpu.memory_space<vmem>>, %arg7: memref<320x64xf32, #tpu.memory_space<vmem>>, %arg8: memref<1x64xf32, #tpu.memory_space<vmem>>, %arg9: memref<64x128xf32, #tpu.memory_space<vmem>>, %arg10: memref<1000x64xf32, #tpu.memory_space<vmem>>, %arg11: memref<1000x128xf32, #tpu.memory_space<vmem>>) attributes {dimension_semantics = [#tpu.dimension_semantics<arbitrary>], iteration_bounds = array<i64: 20>, scalar_prefetch = 0 : i64, scratch_operands = 0 : i64, tpu.core_type = #tpu.core_type<tc>, window_params = [{transform_indices = @transform_0, window_bounds = array<i64: 1000, 128>}, {transform_indices = @transform_1, window_bounds = array<i64: 1000, 128>}, {transform_indices = @transform_2, window_bounds = array<i64: 1000, 256>}, {pipeline_mode = #tpu.pipeline_mode<synchronous>, transform_indices = @transform_3, window_bounds = array<i64: 1, 128>}, {pipeline_mode = #tpu.pipeline_mode<synchronous>, transform_indices = @transform_4, window_bounds = array<i64: 128, 64>}, {pipeline_mode = #tpu.pipeline_mode<synchronous>, transform_indices = @transform_5, window_bounds = array<i64: 1, 64>}, {pipeline_mode = #tpu.pipeline_mode<synchronous>, transform_indices = @transform_6, window_bounds = array<i64: 320, 64>}, {pipeline_mode = #tpu.pipeline_mode<synchronous>, transform_indices = @transform_7, window_bounds = array<i64: 1, 64>}, {pipeline_mode = #tpu.pipeline_mode<synchronous>, transform_indices = @transform_8, window_bounds = array<i64: 64, 128>}, {transform_indices = @transform_9, window_bounds = array<i64: 1000, 64>}, {transform_indices = @transform_10, window_bounds = array<i64: 1000, 128>}]} {
    %get3A = arith.constant 0 : index
    %get3A_0 = arith.constant 0 : index
    %get3A_1 = vector.load %arg1[%get3A, %get3A_0] : memref<1000x128xf32, #tpu.memory_space<vmem>>, vector<1000x128xf32>
    %get3A_2 = arith.constant 0 : index
    %get3A_3 = arith.constant 0 : index
    %get3A_4 = vector.load %arg2[%get3A_2, %get3A_3] : memref<1000x128xf32, #tpu.memory_space<vmem>>, vector<1000x128xf32>
    %mul3A = arith.mulf %get3A_1, %get3A_4 : vector<1000x128xf32>
    %get3A_5 = arith.constant 0 : index
    %get3A_6 = arith.constant 0 : index
    %get3A_7 = vector.load %arg4[%get3A_5, %get3A_6] : memref<1x128xf32, #tpu.memory_space<vmem>>, vector<1x128xf32>
    %add3A = vector.broadcast %get3A_7 : vector<1x128xf32> to vector<1000x128xf32>
    %add3A_8 = arith.addf %mul3A, %add3A : vector<1000x128xf32>
    %max3A = arith.constant 0.000000e+00 : f32
    %max3A_9 = vector.broadcast %max3A : f32 to vector<1000x128xf32>
    %max3A_10 = arith.maximumf %add3A_8, %max3A_9 : vector<1000x128xf32>
    %get3A_11 = arith.constant 0 : index
    %get3A_12 = arith.constant 0 : index
    %get3A_13 = vector.load %arg5[%get3A_11, %get3A_12] : memref<128x64xf32, #tpu.memory_space<vmem>>, vector<128x64xf32>
    %dot_general3A = arith.constant dense<0.000000e+00> : vector<1000x64xf32>
    %dot_general3A_14 = tpu.matmul %max3A_10, %get3A_13, %dot_general3A {dimension_numbers = #tpu.dot_dimension_numbers<[1], [0], [0], [1], [0, 0, 1, 1], [], []>, precision = #tpu.contract_precision<fp32>, transpose_lhs_hint = false} : vector<1000x128xf32>, vector<128x64xf32>, vector<1000x64xf32> -> vector<1000x64xf32>
    %get3A_15 = arith.constant 0 : index
    %get3A_16 = arith.constant 0 : index
    %get3A_17 = vector.load %arg6[%get3A_15, %get3A_16] : memref<1x64xf32, #tpu.memory_space<vmem>>, vector<1x64xf32>
    %add3A_18 = vector.broadcast %get3A_17 : vector<1x64xf32> to vector<1000x64xf32>
    %add3A_19 = arith.addf %dot_general3A_14, %add3A_18 : vector<1000x64xf32>
    %get3A_20 = arith.constant 0 : index
    %get3A_21 = arith.constant 0 : index
    %get3A_22 = vector.load %arg3[%get3A_20, %get3A_21] : memref<1000x256xf32, #tpu.memory_space<vmem>>, vector<1000x256xf32>
    %concatenate3A = tpu.concatenate %add3A_19, %get3A_22 in 1 : vector<1000x64xf32>, vector<1000x256xf32> -> vector<1000x320xf32>
    %get3A_23 = arith.constant 0 : index
    %get3A_24 = arith.constant 0 : index
    %get3A_25 = vector.load %arg7[%get3A_23, %get3A_24] : memref<320x64xf32, #tpu.memory_space<vmem>>, vector<320x64xf32>
    %dot_general3A_26 = arith.constant dense<0.000000e+00> : vector<1000x64xf32>
    %dot_general3A_27 = tpu.matmul %concatenate3A, %get3A_25, %dot_general3A_26 {dimension_numbers = #tpu.dot_dimension_numbers<[1], [0], [0], [1], [0, 0, 1, 1], [], []>, precision = #tpu.contract_precision<fp32>, transpose_lhs_hint = false} : vector<1000x320xf32>, vector<320x64xf32>, vector<1000x64xf32> -> vector<1000x64xf32>
    %get3A_28 = arith.constant 0 : index
    %get3A_29 = arith.constant 0 : index
    %get3A_30 = vector.load %arg8[%get3A_28, %get3A_29] : memref<1x64xf32, #tpu.memory_space<vmem>>, vector<1x64xf32>
    %add3A_31 = vector.broadcast %get3A_30 : vector<1x64xf32> to vector<1000x64xf32>
    %add3A_32 = arith.addf %dot_general3A_27, %add3A_31 : vector<1000x64xf32>
    %add3A_33 = arith.addf %add3A_32, %add3A_19 : vector<1000x64xf32>
    %max3A_34 = arith.constant 0.000000e+00 : f32
    %max3A_35 = vector.broadcast %max3A_34 : f32 to vector<1000x64xf32>
    %max3A_36 = arith.maximumf %add3A_33, %max3A_35 : vector<1000x64xf32>
    %swap3A = arith.constant 0 : index
    %swap3A_37 = arith.constant 0 : index
    %swap3A_38 = vector.load %arg10[%swap3A, %swap3A_37] : memref<1000x64xf32, #tpu.memory_space<vmem>>, vector<1000x64xf32>
    tpu.vector_store %arg10[%swap3A, %swap3A_37], %max3A_36 {strides = array<i32>} : memref<1000x64xf32, #tpu.memory_space<vmem>>, vector<1000x64xf32>,
    %get3A_39 = arith.constant 0 : index
    %get3A_40 = arith.constant 0 : index
    %get3A_41 = vector.load %arg9[%get3A_39, %get3A_40] : memref<64x128xf32, #tpu.memory_space<vmem>>, vector<64x128xf32>
    %dot_general3A_42 = arith.constant dense<0.000000e+00> : vector<1000x128xf32>
    %dot_general3A_43 = tpu.matmul %max3A_36, %get3A_41, %dot_general3A_42 {dimension_numbers = #tpu.dot_dimension_numbers<[1], [0], [0], [1], [0, 0, 1, 1], [], []>, precision = #tpu.contract_precision<fp32>, transpose_lhs_hint = false} : vector<1000x64xf32>, vector<64x128xf32>, vector<1000x128xf32> -> vector<1000x128xf32>
    %get3A_44 = arith.constant 0 : index
    %get3A_45 = arith.constant 0 : index
    %get3A_46 = vector.load %arg2[%get3A_44, %get3A_45] : memref<1000x128xf32, #tpu.memory_space<vmem>>, vector<1000x128xf32>
    %mul3A_47 = arith.mulf %dot_general3A_43, %get3A_46 : vector<1000x128xf32>
    %swap3A_48 = arith.constant 0 : index
    %swap3A_49 = arith.constant 0 : index
    %swap3A_50 = vector.load %arg11[%swap3A_48, %swap3A_49] : memref<1000x128xf32, #tpu.memory_space<vmem>>, vector<1000x128xf32>
    tpu.vector_store %arg11[%swap3A_48, %swap3A_49], %mul3A_47 {strides = array<i32>} : memref<1000x128xf32, #tpu.memory_space<vmem>>, vector<1000x128xf32>,
    return
  }
  func.func @transform_0(%arg0: i32) -> (i32, i32) {
    %c0_i32 = arith.constant 0 : i32
    %c0_i32_0 = arith.constant 0 : i32
    return %arg0, %c0_i32 : i32, i32
  }
  func.func @transform_1(%arg0: i32) -> (i32, i32) {
    %c0_i32 = arith.constant 0 : i32
    %c0_i32_0 = arith.constant 0 : i32
    return %arg0, %c0_i32 : i32, i32
  }
  func.func @transform_2(%arg0: i32) -> (i32, i32) {
    %c0_i32 = arith.constant 0 : i32
    %c0_i32_0 = arith.constant 0 : i32
    return %arg0, %c0_i32 : i32, i32
  }
  func.func @transform_3(%arg0: i32) -> (i32, i32) {
    %c0_i32 = arith.constant 0 : i32
    %c0_i32_0 = arith.constant 0 : i32
    %c0_i32_1 = arith.constant 0 : i32
    return %c0_i32, %c0_i32_0 : i32, i32
  }
  func.func @transform_4(%arg0: i32) -> (i32, i32) {
    %c0_i32 = arith.constant 0 : i32
    %c0_i32_0 = arith.constant 0 : i32
    %c0_i32_1 = arith.constant 0 : i32
    return %c0_i32, %c0_i32_0 : i32, i32
  }
  func.func @transform_5(%arg0: i32) -> (i32, i32) {
    %c0_i32 = arith.constant 0 : i32
    %c0_i32_0 = arith.constant 0 : i32
    %c0_i32_1 = arith.constant 0 : i32
    return %c0_i32, %c0_i32_0 : i32, i32
  }
  func.func @transform_6(%arg0: i32) -> (i32, i32) {
    %c0_i32 = arith.constant 0 : i32
    %c0_i32_0 = arith.constant 0 : i32
    %c0_i32_1 = arith.constant 0 : i32
    return %c0_i32, %c0_i32_0 : i32, i32
  }
  func.func @transform_7(%arg0: i32) -> (i32, i32) {
    %c0_i32 = arith.constant 0 : i32
    %c0_i32_0 = arith.constant 0 : i32
    %c0_i32_1 = arith.constant 0 : i32
    return %c0_i32, %c0_i32_0 : i32, i32
  }
  func.func @transform_8(%arg0: i32) -> (i32, i32) {
    %c0_i32 = arith.constant 0 : i32
    %c0_i32_0 = arith.constant 0 : i32
    %c0_i32_1 = arith.constant 0 : i32
    return %c0_i32, %c0_i32_0 : i32, i32
  }
  func.func @transform_9(%arg0: i32) -> (i32, i32) {
    %c0_i32 = arith.constant 0 : i32
    %c0_i32_0 = arith.constant 0 : i32
    return %arg0, %c0_i32 : i32, i32
  }
  func.func @transform_10(%arg0: i32) -> (i32, i32) {
    %c0_i32 = arith.constant 0 : i32
    %c0_i32_0 = arith.constant 0 : i32
    return %arg0, %c0_i32 : i32, i32
  }
}

module attributes {stable_mosaic.version = 14 : i64} {
  func.func @body(%arg0: i32, %arg1: memref<1000x128xf32, #tpu.memory_space<vmem>>, %arg2: memref<1000x128xf32, #tpu.memory_space<vmem>>, %arg3: memref<1000x64xf32, #tpu.memory_space<vmem>>, %arg4: memref<1x128xf32, #tpu.memory_space<vmem>>, %arg5: memref<128x64xf32, #tpu.memory_space<vmem>>, %arg6: memref<1x64xf32, #tpu.memory_space<vmem>>, %arg7: memref<128x64xf32, #tpu.memory_space<vmem>>, %arg8: memref<1x64xf32, #tpu.memory_space<vmem>>, %arg9: memref<64x128xf32, #tpu.memory_space<vmem>>, %arg10: memref<1000x64xf32, #tpu.memory_space<vmem>>, %arg11: memref<1000x128xf32, #tpu.memory_space<vmem>>) attributes {dimension_semantics = [#tpu.dimension_semantics<arbitrary>], iteration_bounds = array<i64: 20>, scalar_prefetch = 0 : i64, scratch_operands = 0 : i64, tpu.core_type = #tpu.core_type<tc>, window_params = [{transform_indices = @transform_0, window_bounds = array<i64: 1000, 128>}, {transform_indices = @transform_1, window_bounds = array<i64: 1000, 128>}, {transform_indices = @transform_2, window_bounds = array<i64: 1000, 64>}, {pipeline_mode = #tpu.pipeline_mode<synchronous>, transform_indices = @transform_3, window_bounds = array<i64: 1, 128>}, {pipeline_mode = #tpu.pipeline_mode<synchronous>, transform_indices = @transform_4, window_bounds = array<i64: 128, 64>}, {pipeline_mode = #tpu.pipeline_mode<synchronous>, transform_indices = @transform_5, window_bounds = array<i64: 1, 64>}, {pipeline_mode = #tpu.pipeline_mode<synchronous>, transform_indices = @transform_6, window_bounds = array<i64: 128, 64>}, {pipeline_mode = #tpu.pipeline_mode<synchronous>, transform_indices = @transform_7, window_bounds = array<i64: 1, 64>}, {pipeline_mode = #tpu.pipeline_mode<synchronous>, transform_indices = @transform_8, window_bounds = array<i64: 64, 128>}, {transform_indices = @transform_9, window_bounds = array<i64: 1000, 64>}, {transform_indices = @transform_10, window_bounds = array<i64: 1000, 128>}]} {
    %get3A = arith.constant 0 : index
    %get3A_0 = arith.constant 0 : index
    %get3A_1 = vector.load %arg1[%get3A, %get3A_0] : memref<1000x128xf32, #tpu.memory_space<vmem>>, vector<1000x128xf32>
    %get3A_2 = arith.constant 0 : index
    %get3A_3 = arith.constant 0 : index
    %get3A_4 = vector.load %arg2[%get3A_2, %get3A_3] : memref<1000x128xf32, #tpu.memory_space<vmem>>, vector<1000x128xf32>
    %mul3A = arith.mulf %get3A_1, %get3A_4 : vector<1000x128xf32>
    %get3A_5 = arith.constant 0 : index
    %get3A_6 = arith.constant 0 : index
    %get3A_7 = vector.load %arg4[%get3A_5, %get3A_6] : memref<1x128xf32, #tpu.memory_space<vmem>>, vector<1x128xf32>
    %add3A = vector.broadcast %get3A_7 : vector<1x128xf32> to vector<1000x128xf32>
    %add3A_8 = arith.addf %mul3A, %add3A : vector<1000x128xf32>
    %max3A = arith.constant 0.000000e+00 : f32
    %max3A_9 = vector.broadcast %max3A : f32 to vector<1000x128xf32>
    %max3A_10 = arith.maximumf %add3A_8, %max3A_9 : vector<1000x128xf32>
    %get3A_11 = arith.constant 0 : index
    %get3A_12 = arith.constant 0 : index
    %get3A_13 = vector.load %arg5[%get3A_11, %get3A_12] : memref<128x64xf32, #tpu.memory_space<vmem>>, vector<128x64xf32>
    %dot_general3A = arith.constant dense<0.000000e+00> : vector<1000x64xf32>
    %dot_general3A_14 = tpu.matmul %max3A_10, %get3A_13, %dot_general3A {dimension_numbers = #tpu.dot_dimension_numbers<[1], [0], [0], [1], [0, 0, 1, 1], [], []>, precision = #tpu.contract_precision<fp32>, transpose_lhs_hint = false} : vector<1000x128xf32>, vector<128x64xf32>, vector<1000x64xf32> -> vector<1000x64xf32>
    %get3A_15 = arith.constant 0 : index
    %get3A_16 = arith.constant 0 : index
    %get3A_17 = vector.load %arg6[%get3A_15, %get3A_16] : memref<1x64xf32, #tpu.memory_space<vmem>>, vector<1x64xf32>
    %add3A_18 = vector.broadcast %get3A_17 : vector<1x64xf32> to vector<1000x64xf32>
    %add3A_19 = arith.addf %dot_general3A_14, %add3A_18 : vector<1000x64xf32>
    %get3A_20 = arith.constant 0 : index
    %get3A_21 = arith.constant 0 : index
    %get3A_22 = vector.load %arg3[%get3A_20, %get3A_21] : memref<1000x64xf32, #tpu.memory_space<vmem>>, vector<1000x64xf32>
    %concatenate3A = tpu.concatenate %add3A_19, %get3A_22 in 1 : vector<1000x64xf32>, vector<1000x64xf32> -> vector<1000x128xf32>
    %get3A_23 = arith.constant 0 : index
    %get3A_24 = arith.constant 0 : index
    %get3A_25 = vector.load %arg7[%get3A_23, %get3A_24] : memref<128x64xf32, #tpu.memory_space<vmem>>, vector<128x64xf32>
    %dot_general3A_26 = arith.constant dense<0.000000e+00> : vector<1000x64xf32>
    %dot_general3A_27 = tpu.matmul %concatenate3A, %get3A_25, %dot_general3A_26 {dimension_numbers = #tpu.dot_dimension_numbers<[1], [0], [0], [1], [0, 0, 1, 1], [], []>, precision = #tpu.contract_precision<fp32>, transpose_lhs_hint = false} : vector<1000x128xf32>, vector<128x64xf32>, vector<1000x64xf32> -> vector<1000x64xf32>
    %get3A_28 = arith.constant 0 : index
    %get3A_29 = arith.constant 0 : index
    %get3A_30 = vector.load %arg8[%get3A_28, %get3A_29] : memref<1x64xf32, #tpu.memory_space<vmem>>, vector<1x64xf32>
    %add3A_31 = vector.broadcast %get3A_30 : vector<1x64xf32> to vector<1000x64xf32>
    %add3A_32 = arith.addf %dot_general3A_27, %add3A_31 : vector<1000x64xf32>
    %add3A_33 = arith.addf %add3A_32, %add3A_19 : vector<1000x64xf32>
    %max3A_34 = arith.constant 0.000000e+00 : f32
    %max3A_35 = vector.broadcast %max3A_34 : f32 to vector<1000x64xf32>
    %max3A_36 = arith.maximumf %add3A_33, %max3A_35 : vector<1000x64xf32>
    %swap3A = arith.constant 0 : index
    %swap3A_37 = arith.constant 0 : index
    %swap3A_38 = vector.load %arg10[%swap3A, %swap3A_37] : memref<1000x64xf32, #tpu.memory_space<vmem>>, vector<1000x64xf32>
    tpu.vector_store %arg10[%swap3A, %swap3A_37], %max3A_36 {strides = array<i32>} : memref<1000x64xf32, #tpu.memory_space<vmem>>, vector<1000x64xf32>,
    %get3A_39 = arith.constant 0 : index
    %get3A_40 = arith.constant 0 : index
    %get3A_41 = vector.load %arg9[%get3A_39, %get3A_40] : memref<64x128xf32, #tpu.memory_space<vmem>>, vector<64x128xf32>
    %dot_general3A_42 = arith.constant dense<0.000000e+00> : vector<1000x128xf32>
    %dot_general3A_43 = tpu.matmul %max3A_36, %get3A_41, %dot_general3A_42 {dimension_numbers = #tpu.dot_dimension_numbers<[1], [0], [0], [1], [0, 0, 1, 1], [], []>, precision = #tpu.contract_precision<fp32>, transpose_lhs_hint = false} : vector<1000x64xf32>, vector<64x128xf32>, vector<1000x128xf32> -> vector<1000x128xf32>
    %get3A_44 = arith.constant 0 : index
    %get3A_45 = arith.constant 0 : index
    %get3A_46 = vector.load %arg2[%get3A_44, %get3A_45] : memref<1000x128xf32, #tpu.memory_space<vmem>>, vector<1000x128xf32>
    %mul3A_47 = arith.mulf %dot_general3A_43, %get3A_46 : vector<1000x128xf32>
    %swap3A_48 = arith.constant 0 : index
    %swap3A_49 = arith.constant 0 : index
    %swap3A_50 = vector.load %arg11[%swap3A_48, %swap3A_49] : memref<1000x128xf32, #tpu.memory_space<vmem>>, vector<1000x128xf32>
    tpu.vector_store %arg11[%swap3A_48, %swap3A_49], %mul3A_47 {strides = array<i32>} : memref<1000x128xf32, #tpu.memory_space<vmem>>, vector<1000x128xf32>,
    return
  }
  func.func @transform_0(%arg0: i32) -> (i32, i32) {
    %c0_i32 = arith.constant 0 : i32
    %c0_i32_0 = arith.constant 0 : i32
    return %arg0, %c0_i32 : i32, i32
  }
  func.func @transform_1(%arg0: i32) -> (i32, i32) {
    %c0_i32 = arith.constant 0 : i32
    %c0_i32_0 = arith.constant 0 : i32
    return %arg0, %c0_i32 : i32, i32
  }
  func.func @transform_2(%arg0: i32) -> (i32, i32) {
    %c0_i32 = arith.constant 0 : i32
    %c0_i32_0 = arith.constant 0 : i32
    return %arg0, %c0_i32 : i32, i32
  }
  func.func @transform_3(%arg0: i32) -> (i32, i32) {
    %c0_i32 = arith.constant 0 : i32
    %c0_i32_0 = arith.constant 0 : i32
    %c0_i32_1 = arith.constant 0 : i32
    return %c0_i32, %c0_i32_0 : i32, i32
  }
  func.func @transform_4(%arg0: i32) -> (i32, i32) {
    %c0_i32 = arith.constant 0 : i32
    %c0_i32_0 = arith.constant 0 : i32
    %c0_i32_1 = arith.constant 0 : i32
    return %c0_i32, %c0_i32_0 : i32, i32
  }
  func.func @transform_5(%arg0: i32) -> (i32, i32) {
    %c0_i32 = arith.constant 0 : i32
    %c0_i32_0 = arith.constant 0 : i32
    %c0_i32_1 = arith.constant 0 : i32
    return %c0_i32, %c0_i32_0 : i32, i32
  }
  func.func @transform_6(%arg0: i32) -> (i32, i32) {
    %c0_i32 = arith.constant 0 : i32
    %c0_i32_0 = arith.constant 0 : i32
    %c0_i32_1 = arith.constant 0 : i32
    return %c0_i32, %c0_i32_0 : i32, i32
  }
  func.func @transform_7(%arg0: i32) -> (i32, i32) {
    %c0_i32 = arith.constant 0 : i32
    %c0_i32_0 = arith.constant 0 : i32
    %c0_i32_1 = arith.constant 0 : i32
    return %c0_i32, %c0_i32_0 : i32, i32
  }
  func.func @transform_8(%arg0: i32) -> (i32, i32) {
    %c0_i32 = arith.constant 0 : i32
    %c0_i32_0 = arith.constant 0 : i32
    %c0_i32_1 = arith.constant 0 : i32
    return %c0_i32, %c0_i32_0 : i32, i32
  }
  func.func @transform_9(%arg0: i32) -> (i32, i32) {
    %c0_i32 = arith.constant 0 : i32
    %c0_i32_0 = arith.constant 0 : i32
    return %arg0, %c0_i32 : i32, i32
  }
  func.func @transform_10(%arg0: i32) -> (i32, i32) {
    %c0_i32 = arith.constant 0 : i32
    %c0_i32_0 = arith.constant 0 : i32
    return %arg0, %c0_i32 : i32, i32
  }
}

module attributes {stable_mosaic.version = 14 : i64} {
  func.func @body(%arg0: i32, %arg1: memref<128x128xf32, #tpu.memory_space<vmem>>, %arg2: memref<128x256xf32, #tpu.memory_space<vmem>>, %arg3: memref<1x256xf32, #tpu.memory_space<vmem>>, %arg4: memref<256x128xf32, #tpu.memory_space<vmem>>, %arg5: memref<1x128xf32, #tpu.memory_space<vmem>>, %arg6: memref<128x64xf32, #tpu.memory_space<vmem>>, %arg7: memref<1x64xf32, #tpu.memory_space<vmem>>, %arg8: memref<128x64xf32, #tpu.memory_space<vmem>>) attributes {dimension_semantics = [#tpu.dimension_semantics<arbitrary>], iteration_bounds = array<i64: 1>, scalar_prefetch = 0 : i64, scratch_operands = 0 : i64, tpu.core_type = #tpu.core_type<tc>, window_params = [{transform_indices = @transform_0, window_bounds = array<i64: 128, 128>}, {pipeline_mode = #tpu.pipeline_mode<synchronous>, transform_indices = @transform_1, window_bounds = array<i64: 128, 256>}, {pipeline_mode = #tpu.pipeline_mode<synchronous>, transform_indices = @transform_2, window_bounds = array<i64: 1, 256>}, {pipeline_mode = #tpu.pipeline_mode<synchronous>, transform_indices = @transform_3, window_bounds = array<i64: 256, 128>}, {pipeline_mode = #tpu.pipeline_mode<synchronous>, transform_indices = @transform_4, window_bounds = array<i64: 1, 128>}, {pipeline_mode = #tpu.pipeline_mode<synchronous>, transform_indices = @transform_5, window_bounds = array<i64: 128, 64>}, {pipeline_mode = #tpu.pipeline_mode<synchronous>, transform_indices = @transform_6, window_bounds = array<i64: 1, 64>}, {transform_indices = @transform_7, window_bounds = array<i64: 128, 64>}]} {
    %get3A = arith.constant 0 : index
    %get3A_0 = arith.constant 0 : index
    %get3A_1 = vector.load %arg1[%get3A, %get3A_0] : memref<128x128xf32, #tpu.memory_space<vmem>>, vector<128x128xf32>
    %get3A_2 = arith.constant 0 : index
    %get3A_3 = arith.constant 0 : index
    %get3A_4 = vector.load %arg2[%get3A_2, %get3A_3] : memref<128x256xf32, #tpu.memory_space<vmem>>, vector<128x256xf32>
    %dot_general3A = arith.constant dense<0.000000e+00> : vector<128x256xf32>
    %dot_general3A_5 = tpu.matmul %get3A_1, %get3A_4, %dot_general3A {dimension_numbers = #tpu.dot_dimension_numbers<[1], [0], [0], [1], [0, 0, 1, 1], [], []>, precision = #tpu.contract_precision<fp32>, transpose_lhs_hint = false} : vector<128x128xf32>, vector<128x256xf32>, vector<128x256xf32> -> vector<128x256xf32>
    %get3A_6 = arith.constant 0 : index
    %get3A_7 = arith.constant 0 : index
    %get3A_8 = vector.load %arg3[%get3A_6, %get3A_7] : memref<1x256xf32, #tpu.memory_space<vmem>>, vector<1x256xf32>
    %add3A = vector.broadcast %get3A_8 : vector<1x256xf32> to vector<128x256xf32>
    %add3A_9 = arith.addf %dot_general3A_5, %add3A : vector<128x256xf32>
    %max3A = arith.constant 0.000000e+00 : f32
    %max3A_10 = vector.broadcast %max3A : f32 to vector<128x256xf32>
    %max3A_11 = arith.maximumf %add3A_9, %max3A_10 : vector<128x256xf32>
    %get3A_12 = arith.constant 0 : index
    %get3A_13 = arith.constant 0 : index
    %get3A_14 = vector.load %arg4[%get3A_12, %get3A_13] : memref<256x128xf32, #tpu.memory_space<vmem>>, vector<256x128xf32>
    %dot_general3A_15 = arith.constant dense<0.000000e+00> : vector<128x128xf32>
    %dot_general3A_16 = tpu.matmul %max3A_11, %get3A_14, %dot_general3A_15 {dimension_numbers = #tpu.dot_dimension_numbers<[1], [0], [0], [1], [0, 0, 1, 1], [], []>, precision = #tpu.contract_precision<fp32>, transpose_lhs_hint = false} : vector<128x256xf32>, vector<256x128xf32>, vector<128x128xf32> -> vector<128x128xf32>
    %get3A_17 = arith.constant 0 : index
    %get3A_18 = arith.constant 0 : index
    %get3A_19 = vector.load %arg5[%get3A_17, %get3A_18] : memref<1x128xf32, #tpu.memory_space<vmem>>, vector<1x128xf32>
    %add3A_20 = vector.broadcast %get3A_19 : vector<1x128xf32> to vector<128x128xf32>
    %add3A_21 = arith.addf %dot_general3A_16, %add3A_20 : vector<128x128xf32>
    %max3A_22 = arith.constant 0.000000e+00 : f32
    %max3A_23 = vector.broadcast %max3A_22 : f32 to vector<128x128xf32>
    %max3A_24 = arith.maximumf %add3A_21, %max3A_23 : vector<128x128xf32>
    %get3A_25 = arith.constant 0 : index
    %get3A_26 = arith.constant 0 : index
    %get3A_27 = vector.load %arg6[%get3A_25, %get3A_26] : memref<128x64xf32, #tpu.memory_space<vmem>>, vector<128x64xf32>
    %dot_general3A_28 = arith.constant dense<0.000000e+00> : vector<128x64xf32>
    %dot_general3A_29 = tpu.matmul %max3A_24, %get3A_27, %dot_general3A_28 {dimension_numbers = #tpu.dot_dimension_numbers<[1], [0], [0], [1], [0, 0, 1, 1], [], []>, precision = #tpu.contract_precision<fp32>, transpose_lhs_hint = false} : vector<128x128xf32>, vector<128x64xf32>, vector<128x64xf32> -> vector<128x64xf32>
    %get3A_30 = arith.constant 0 : index
    %get3A_31 = arith.constant 0 : index
    %get3A_32 = vector.load %arg7[%get3A_30, %get3A_31] : memref<1x64xf32, #tpu.memory_space<vmem>>, vector<1x64xf32>
    %add3A_33 = vector.broadcast %get3A_32 : vector<1x64xf32> to vector<128x64xf32>
    %add3A_34 = arith.addf %dot_general3A_29, %add3A_33 : vector<128x64xf32>
    %swap3A = arith.constant 0 : index
    %swap3A_35 = arith.constant 0 : index
    %swap3A_36 = vector.load %arg8[%swap3A, %swap3A_35] : memref<128x64xf32, #tpu.memory_space<vmem>>, vector<128x64xf32>
    tpu.vector_store %arg8[%swap3A, %swap3A_35], %add3A_34 {strides = array<i32>} : memref<128x64xf32, #tpu.memory_space<vmem>>, vector<128x64xf32>,
    return
  }
  func.func @transform_0(%arg0: i32) -> (i32, i32) {
    %c0_i32 = arith.constant 0 : i32
    %c0_i32_0 = arith.constant 0 : i32
    return %arg0, %c0_i32 : i32, i32
  }
  func.func @transform_1(%arg0: i32) -> (i32, i32) {
    %c0_i32 = arith.constant 0 : i32
    %c0_i32_0 = arith.constant 0 : i32
    %c0_i32_1 = arith.constant 0 : i32
    return %c0_i32, %c0_i32_0 : i32, i32
  }
  func.func @transform_2(%arg0: i32) -> (i32, i32) {
    %c0_i32 = arith.constant 0 : i32
    %c0_i32_0 = arith.constant 0 : i32
    %c0_i32_1 = arith.constant 0 : i32
    return %c0_i32, %c0_i32_0 : i32, i32
  }
  func.func @transform_3(%arg0: i32) -> (i32, i32) {
    %c0_i32 = arith.constant 0 : i32
    %c0_i32_0 = arith.constant 0 : i32
    %c0_i32_1 = arith.constant 0 : i32
    return %c0_i32, %c0_i32_0 : i32, i32
  }
  func.func @transform_4(%arg0: i32) -> (i32, i32) {
    %c0_i32 = arith.constant 0 : i32
    %c0_i32_0 = arith.constant 0 : i32
    %c0_i32_1 = arith.constant 0 : i32
    return %c0_i32, %c0_i32_0 : i32, i32
  }
  func.func @transform_5(%arg0: i32) -> (i32, i32) {
    %c0_i32 = arith.constant 0 : i32
    %c0_i32_0 = arith.constant 0 : i32
    %c0_i32_1 = arith.constant 0 : i32
    return %c0_i32, %c0_i32_0 : i32, i32
  }
  func.func @transform_6(%arg0: i32) -> (i32, i32) {
    %c0_i32 = arith.constant 0 : i32
    %c0_i32_0 = arith.constant 0 : i32
    %c0_i32_1 = arith.constant 0 : i32
    return %c0_i32, %c0_i32_0 : i32, i32
  }
  func.func @transform_7(%arg0: i32) -> (i32, i32) {
    %c0_i32 = arith.constant 0 : i32
    %c0_i32_0 = arith.constant 0 : i32
    return %arg0, %c0_i32 : i32, i32
  }
}

module attributes {stable_mosaic.version = 14 : i64} {
  func.func @body(%arg0: i32, %arg1: memref<1000x128xf32, #tpu.memory_space<vmem>>, %arg2: memref<1000x128xf32, #tpu.memory_space<vmem>>, %arg3: memref<1000x64xf32, #tpu.memory_space<vmem>>, %arg4: memref<1x128xf32, #tpu.memory_space<vmem>>, %arg5: memref<128x64xf32, #tpu.memory_space<vmem>>, %arg6: memref<1x64xf32, #tpu.memory_space<vmem>>, %arg7: memref<128x64xf32, #tpu.memory_space<vmem>>, %arg8: memref<1x64xf32, #tpu.memory_space<vmem>>, %arg9: memref<1000x64xf32, #tpu.memory_space<vmem>>) attributes {dimension_semantics = [#tpu.dimension_semantics<arbitrary>], iteration_bounds = array<i64: 20>, scalar_prefetch = 0 : i64, scratch_operands = 0 : i64, tpu.core_type = #tpu.core_type<tc>, window_params = [{transform_indices = @transform_0, window_bounds = array<i64: 1000, 128>}, {transform_indices = @transform_1, window_bounds = array<i64: 1000, 128>}, {transform_indices = @transform_2, window_bounds = array<i64: 1000, 64>}, {pipeline_mode = #tpu.pipeline_mode<synchronous>, transform_indices = @transform_3, window_bounds = array<i64: 1, 128>}, {pipeline_mode = #tpu.pipeline_mode<synchronous>, transform_indices = @transform_4, window_bounds = array<i64: 128, 64>}, {pipeline_mode = #tpu.pipeline_mode<synchronous>, transform_indices = @transform_5, window_bounds = array<i64: 1, 64>}, {pipeline_mode = #tpu.pipeline_mode<synchronous>, transform_indices = @transform_6, window_bounds = array<i64: 128, 64>}, {pipeline_mode = #tpu.pipeline_mode<synchronous>, transform_indices = @transform_7, window_bounds = array<i64: 1, 64>}, {transform_indices = @transform_8, window_bounds = array<i64: 1000, 64>}]} {
    %get3A = arith.constant 0 : index
    %get3A_0 = arith.constant 0 : index
    %get3A_1 = vector.load %arg1[%get3A, %get3A_0] : memref<1000x128xf32, #tpu.memory_space<vmem>>, vector<1000x128xf32>
    %get3A_2 = arith.constant 0 : index
    %get3A_3 = arith.constant 0 : index
    %get3A_4 = vector.load %arg2[%get3A_2, %get3A_3] : memref<1000x128xf32, #tpu.memory_space<vmem>>, vector<1000x128xf32>
    %mul3A = arith.mulf %get3A_1, %get3A_4 : vector<1000x128xf32>
    %get3A_5 = arith.constant 0 : index
    %get3A_6 = arith.constant 0 : index
    %get3A_7 = vector.load %arg4[%get3A_5, %get3A_6] : memref<1x128xf32, #tpu.memory_space<vmem>>, vector<1x128xf32>
    %add3A = vector.broadcast %get3A_7 : vector<1x128xf32> to vector<1000x128xf32>
    %add3A_8 = arith.addf %mul3A, %add3A : vector<1000x128xf32>
    %max3A = arith.constant 0.000000e+00 : f32
    %max3A_9 = vector.broadcast %max3A : f32 to vector<1000x128xf32>
    %max3A_10 = arith.maximumf %add3A_8, %max3A_9 : vector<1000x128xf32>
    %get3A_11 = arith.constant 0 : index
    %get3A_12 = arith.constant 0 : index
    %get3A_13 = vector.load %arg5[%get3A_11, %get3A_12] : memref<128x64xf32, #tpu.memory_space<vmem>>, vector<128x64xf32>
    %dot_general3A = arith.constant dense<0.000000e+00> : vector<1000x64xf32>
    %dot_general3A_14 = tpu.matmul %max3A_10, %get3A_13, %dot_general3A {dimension_numbers = #tpu.dot_dimension_numbers<[1], [0], [0], [1], [0, 0, 1, 1], [], []>, precision = #tpu.contract_precision<fp32>, transpose_lhs_hint = false} : vector<1000x128xf32>, vector<128x64xf32>, vector<1000x64xf32> -> vector<1000x64xf32>
    %get3A_15 = arith.constant 0 : index
    %get3A_16 = arith.constant 0 : index
    %get3A_17 = vector.load %arg6[%get3A_15, %get3A_16] : memref<1x64xf32, #tpu.memory_space<vmem>>, vector<1x64xf32>
    %add3A_18 = vector.broadcast %get3A_17 : vector<1x64xf32> to vector<1000x64xf32>
    %add3A_19 = arith.addf %dot_general3A_14, %add3A_18 : vector<1000x64xf32>
    %get3A_20 = arith.constant 0 : index
    %get3A_21 = arith.constant 0 : index
    %get3A_22 = vector.load %arg3[%get3A_20, %get3A_21] : memref<1000x64xf32, #tpu.memory_space<vmem>>, vector<1000x64xf32>
    %concatenate3A = tpu.concatenate %add3A_19, %get3A_22 in 1 : vector<1000x64xf32>, vector<1000x64xf32> -> vector<1000x128xf32>
    %get3A_23 = arith.constant 0 : index
    %get3A_24 = arith.constant 0 : index
    %get3A_25 = vector.load %arg7[%get3A_23, %get3A_24] : memref<128x64xf32, #tpu.memory_space<vmem>>, vector<128x64xf32>
    %dot_general3A_26 = arith.constant dense<0.000000e+00> : vector<1000x64xf32>
    %dot_general3A_27 = tpu.matmul %concatenate3A, %get3A_25, %dot_general3A_26 {dimension_numbers = #tpu.dot_dimension_numbers<[1], [0], [0], [1], [0, 0, 1, 1], [], []>, precision = #tpu.contract_precision<fp32>, transpose_lhs_hint = false} : vector<1000x128xf32>, vector<128x64xf32>, vector<1000x64xf32> -> vector<1000x64xf32>
    %get3A_28 = arith.constant 0 : index
    %get3A_29 = arith.constant 0 : index
    %get3A_30 = vector.load %arg8[%get3A_28, %get3A_29] : memref<1x64xf32, #tpu.memory_space<vmem>>, vector<1x64xf32>
    %add3A_31 = vector.broadcast %get3A_30 : vector<1x64xf32> to vector<1000x64xf32>
    %add3A_32 = arith.addf %dot_general3A_27, %add3A_31 : vector<1000x64xf32>
    %add3A_33 = arith.addf %add3A_32, %add3A_19 : vector<1000x64xf32>
    %max3A_34 = arith.constant 0.000000e+00 : f32
    %max3A_35 = vector.broadcast %max3A_34 : f32 to vector<1000x64xf32>
    %max3A_36 = arith.maximumf %add3A_33, %max3A_35 : vector<1000x64xf32>
    %swap3A = arith.constant 0 : index
    %swap3A_37 = arith.constant 0 : index
    %swap3A_38 = vector.load %arg9[%swap3A, %swap3A_37] : memref<1000x64xf32, #tpu.memory_space<vmem>>, vector<1000x64xf32>
    tpu.vector_store %arg9[%swap3A, %swap3A_37], %max3A_36 {strides = array<i32>} : memref<1000x64xf32, #tpu.memory_space<vmem>>, vector<1000x64xf32>,
    return
  }
  func.func @transform_0(%arg0: i32) -> (i32, i32) {
    %c0_i32 = arith.constant 0 : i32
    %c0_i32_0 = arith.constant 0 : i32
    return %arg0, %c0_i32 : i32, i32
  }
  func.func @transform_1(%arg0: i32) -> (i32, i32) {
    %c0_i32 = arith.constant 0 : i32
    %c0_i32_0 = arith.constant 0 : i32
    return %arg0, %c0_i32 : i32, i32
  }
  func.func @transform_2(%arg0: i32) -> (i32, i32) {
    %c0_i32 = arith.constant 0 : i32
    %c0_i32_0 = arith.constant 0 : i32
    return %arg0, %c0_i32 : i32, i32
  }
  func.func @transform_3(%arg0: i32) -> (i32, i32) {
    %c0_i32 = arith.constant 0 : i32
    %c0_i32_0 = arith.constant 0 : i32
    %c0_i32_1 = arith.constant 0 : i32
    return %c0_i32, %c0_i32_0 : i32, i32
  }
  func.func @transform_4(%arg0: i32) -> (i32, i32) {
    %c0_i32 = arith.constant 0 : i32
    %c0_i32_0 = arith.constant 0 : i32
    %c0_i32_1 = arith.constant 0 : i32
    return %c0_i32, %c0_i32_0 : i32, i32
  }
  func.func @transform_5(%arg0: i32) -> (i32, i32) {
    %c0_i32 = arith.constant 0 : i32
    %c0_i32_0 = arith.constant 0 : i32
    %c0_i32_1 = arith.constant 0 : i32
    return %c0_i32, %c0_i32_0 : i32, i32
  }
  func.func @transform_6(%arg0: i32) -> (i32, i32) {
    %c0_i32 = arith.constant 0 : i32
    %c0_i32_0 = arith.constant 0 : i32
    %c0_i32_1 = arith.constant 0 : i32
    return %c0_i32, %c0_i32_0 : i32, i32
  }
  func.func @transform_7(%arg0: i32) -> (i32, i32) {
    %c0_i32 = arith.constant 0 : i32
    %c0_i32_0 = arith.constant 0 : i32
    %c0_i32_1 = arith.constant 0 : i32
    return %c0_i32, %c0_i32_0 : i32, i32
  }
  func.func @transform_8(%arg0: i32) -> (i32, i32) {
    %c0_i32 = arith.constant 0 : i32
    %c0_i32_0 = arith.constant 0 : i32
    return %arg0, %c0_i32 : i32, i32
  }
}

</mosaic_0001>

<sc_bundles>
// kernel: kernel.14.cloned.1.call-start
scs
__scs_entry_jumppad:
0x0: {  	(pc) =	sbr.rel $0x88, $3  }
0x1: {  	(tag) =	ssettag $0x0;
	lr =	simm.s32 $0x1  }
0x2: {  	[smem:$0x3F75] =	sst lr;
	_ =	strace $0xD0000000  }
0x3: {  	_ = 	snop  }
0x4: {  	_ = 	snop  }
0x5: {  	_ = 	snop  }
0x6: {  	_ = 	snop  }
0x7: {  	_ = 	snop  }
__scs_overlays_trampoline_lowered:
0x8: {  	[smem:$0x3F84] =	sst s0  }
0x9: {  	[smem:$0x3F85] =	sst s1  }
0xa: {  	[smem:$0x3F86] =	sst s2  }
0xb: {  	[smem:$0x3F87] =	sst s3  }
0xc: {  	[smem:$0x3F88] =	sst s4  }
0xd: {  	[smem:$0x3F89] =	sst s5  }
0xe: {  	[smem:$0x3F8A] =	sst s6  }
0xf: {  	[smem:$0x3F8B] =	sst s7  }
0x10: {  	[smem:$0x3F8C] =	sst s8  }
0x11: {  	[smem:$0x3F8D] =	sst s9;
	s0 =	simm.s32 @!p0 $0x0  }
0x12: {  	s1 =	sld [smem:$0x3F73];
	s0 =	simm.s32 @p0 $0x1  }
0x13: {  	[smem:$0x3F8E] =	sst s0;
	s0 =	simm.s32 @!p1 $0x0  }
0x14: {  	s2 =	sld [smem:$0x3F72];
	s0 =	simm.s32 @p1 $0x1  }
0x15: {  	[smem:$0x3F8F] =	sst s0;
	s0 =	simm.s32 @!p2 $0x0  }
0x16: {  	s3 =	sld [smem:$0x3FDB];
	s0 =	simm.s32 @p2 $0x1  }
0x17: {  	s4 =	simm.s32 $0x1BF5;
	[smem:$0x3F91] =	sst s0  }
0x18: {  	s0 =	sld [smem:$0x3F74];
	_ =	swait.ge [sflag:s4], $0x0  }
0x19: {  	s7 =	sld [smem:$0x3F75]  }
0x1a: {  	s8 =	sadd.s32 $0xFFFFE003, lr  }
0x1b: {  	s9 =	sadd.s32 $0xFFFFFEF7, lr;
	s5 =	simm.s32 $0xFFFFFFFF;
	p2 =	slt.u32 s8, $0xFFFFF086  }
0x1c: {  	p1 =	slt.u32 s9, $0xF7A;
	s5 =	simm.s32 @!p2 $0x0  }
0x1d: {  	s5 =	simm.s32 @p1 $0x1;
	p0 =	seq.s32 s7, s2  }
0x1e: {  	s7 =	smul.u32 @!p0 $0xF7A, s2;
	p2 =	seq.s32 @!p0 s5, $0x0  }
0x1f: {  	s9 =	smul.u32 $0xF7A, s1;
	s8 =	simm.s32 @!p0 $0x1BF5;
	p2 =	por !p2, p0  }
0x20: {  	[sflag:s8] =	ssyncset.s32 @!p0 $0xFFFFF086;
	s6 =	sadd.s32 @!p0 s3, s7;
	s7 =	simm.s32 @!p0 $0x108  }
0x21: {  	s3 =	sadd.s32 s3, s9;
	s6 =	sadd.s32 @!p0 $0x88, s6;
	s7 =	simm.s32 @p2 $0x1082  }
0x22: {  	[simem:s7], [sflag:s8] =	dma.local @!p0 [hbm:s6], $0xF7A  }
0x23: {  	s9 =	sor.u32 $0xD0000000, s2;
	s6 =	simm.s32 $0x108;
	_ =	swait.ge @!p0 [sflag:s8], $0x0  }
0x24: {  	s3 =	sadd.s32 $0x88, s3;
	s6 =	simm.s32 @!p1 $0x1082;
	[sflag:s4] =	ssyncset.s32 $0xFFFFF086  }
0x25: {  	[simem:s6], [sflag:s4] =	dma.local [hbm:s3], $0xF7A  }
0x26: {  	[smem:$0x3F75] =	sst s1;
	(tag) =	ssettag s2;
	_ =	strace s9  }
0x27: {  	s1 =	sld [smem:$0x3F85]  }
0x28: {  	s2 =	sld [smem:$0x3F86]  }
0x29: {  	s4 =	sld [smem:$0x3F88]  }
0x2a: {  	p0 =	seq.s32 s5, $0x0;
	s5 =	sld [smem:$0x3F89]  }
0x2b: {  	s6 =	sld [smem:$0x3F8A]  }
0x2c: {  	s7 =	sld [smem:$0x3F8B]  }
0x2d: {  	s3 =	simm.s32 $0x108;
	s8 =	sld [smem:$0x3F8C]  }
0x2e: {  	s3 =	simm.s32 @!p0 $0x1082;
	s9 =	sld [smem:$0x3F8D]  }
0x2f: {  	lr =	sadd.s32 s0, s3;
	s0 =	sld [smem:$0x3F84]  }
0x30: {  	s3 =	sld [smem:$0x3F87]  }
0x31: {  	[smem:$0x3F90] =	sst s10  }
0x32: {  	s10 =	sld [smem:$0x3F8E];
	_ =	sdelay $0x3  }
0x33: {  	p0 =	seq.s32 s10, $0x1;
	s10 =	sld [smem:$0x3F90];
	_ =	sdelay $0x3  }
0x34: {  	[smem:$0x3F90] =	sst s10  }
0x35: {  	s10 =	sld [smem:$0x3F8F];
	_ =	sdelay $0x3  }
0x36: {  	p1 =	seq.s32 s10, $0x1;
	s10 =	sld [smem:$0x3F90];
	_ =	sdelay $0x3  }
0x37: {  	[smem:$0x3F90] =	sst s10  }
0x38: {  	s10 =	sld [smem:$0x3F91]  }
0x39: {  	_ = 	snop;
	(pc) =	sbr.ind lr, $3  }
0x3a: {  	_ = 	snop  }
0x3b: {  	_ = 	snop  }
0x3c: {  	p2 =	seq.s32 s10, $0x1;
	s10 =	sld [smem:$0x3F90]  }
0x3d: {  	_ =	shalt  }
0x3e: {  	_ =	shalt  }
0x3f: {  	_ =	shalt  }
0x40: {  	_ =	shalt  }
0x41: {  	_ =	shalt  }
0x42: {  	_ =	shalt  }
0x43: {  	_ =	shalt  }
0x44: {  	_ =	shalt  }
0x45: {  	_ =	shalt  }
0x46: {  	_ =	shalt  }
0x47: {  	_ =	shalt  }
0x48: {  	_ =	shalt  }
0x49: {  	_ =	shalt  }
0x4a: {  	_ =	shalt  }
0x4b: {  	_ =	shalt  }
0x4c: {  	_ =	shalt  }
0x4d: {  	_ =	shalt  }
0x4e: {  	_ =	shalt  }
0x4f: {  	_ =	shalt  }
0x50: {  	_ =	shalt  }
0x51: {  	_ =	shalt  }
0x52: {  	_ =	shalt  }
0x53: {  	_ =	shalt  }
0x54: {  	_ =	shalt  }
0x55: {  	_ =	shalt  }
0x56: {  	_ =	shalt  }
0x57: {  	_ =	shalt  }
0x58: {  	_ =	shalt  }
0x59: {  	_ =	shalt  }
0x5a: {  	_ =	shalt  }
0x5b: {  	_ =	shalt  }
0x5c: {  	_ =	shalt  }
0x5d: {  	_ =	shalt  }
0x5e: {  	_ =	shalt  }
0x5f: {  	_ =	shalt  }
0x60: {  	_ =	shalt  }
0x61: {  	_ =	shalt  }
0x62: {  	_ =	shalt  }
0x63: {  	_ =	shalt  }
0x64: {  	_ =	shalt  }
0x65: {  	_ =	shalt  }
0x66: {  	_ =	shalt  }
0x67: {  	_ =	shalt  }
0x68: {  	_ =	shalt  }
0x69: {  	_ =	shalt  }
0x6a: {  	_ =	shalt  }
0x6b: {  	_ =	shalt  }
0x6c: {  	_ =	shalt  }
0x6d: {  	_ =	shalt  }
0x6e: {  	_ =	shalt  }
0x6f: {  	_ =	shalt  }
0x70: {  	_ =	shalt  }
0x71: {  	_ =	shalt  }
0x72: {  	_ =	shalt  }
0x73: {  	_ =	shalt  }
0x74: {  	_ =	shalt  }
0x75: {  	_ =	shalt  }
0x76: {  	_ =	shalt  }
0x77: {  	_ =	shalt  }
0x78: {  	_ =	shalt  }
0x79: {  	_ =	shalt  }
0x7a: {  	_ =	shalt  }
0x7b: {  	_ =	shalt  }
0x7c: {  	_ =	shalt  }
0x7d: {  	_ =	shalt  }
0x7e: {  	_ =	shalt  }
0x7f: {  	_ =	shalt  }
0x80: {  	_ =	shalt  }
0x81: {  	_ =	shalt  }
0x82: {  	_ =	shalt  }
0x83: {  	_ =	shalt  }
0x84: {  	_ =	shalt  }
0x85: {  	_ =	shalt  }
0x86: {  	_ =	shalt  }
0x87: {  	_ =	shalt  }
.Lfunc_end0:
.L_simem_size_0:
called_computation_lowered:
.L_overlay_start_0:
0x88: {  	s2 =	sld [smem:$0x3FD9]  }
0x89: {  	s3 =	sld [smem:$0x3FFE];
	_ =	sdelay $0x1  }
0x8a: {  	s1 =	srdreg.scid  }
0x8b: {  	s0 =	sand.u32 $0x1, s1  }
0x8c: {  	s14 =	sshll.u32 s0, $0xA;
	s2 =	sadd.s32 s3, s2  }
0x8d: {  	s2 =	sadd.s32 s2, s14  }
0x8e: {  	[smem:$0x3F9C] =	sst s2  }
0x8f: {  	_ = 	snop  }
0x90: {  	s2 =	sld [smem:$0x3FD0];
	_ =	sdelay $0x2  }
0x91: {  	s15 =	simm.s32 $0xA;
	s4 =	simm.s32 $0x10  }
0x92: {  	[smem:s4], [sflag:s15] =	dma.local [hbm:s2], $0x1  }
0x93: {  	_ =	swait.eq [sflag:s15], $0x1  }
0x94: {  	[sflag:s15] =	ssyncset.done $0x0  }
0x95: {  	[sflag:s15] =	ssyncadd.s32 $0xFFFFFFFF  }
0x96: {  	s16 =	sld [smem:$0x11];
	(tm) =	ssettm $0x1  }
0x97: {  	s17 =	sld [smem:$0x3FFB];
	_ =	sdelay $0x3  }
0x98: {  	_ =	strace s17  }
0x99: {  	s3 =	sld [smem:$0x3FFC];
	_ =	sdelay $0x3  }
0x9a: {  	_ =	strace s3  }
0x9b: {  	s3 =	sld [smem:$0x3FFD];
	_ =	sdelay $0x3  }
0x9c: {  	_ =	strace s3  }
0x9d: {  	_ =	strace $0x8FFFFFFF  }
0x9e: {  	s18 =	sld [smem:$0x3FDB];
	_ =	sdelay $0x1  }
0x9f: {  	s19 =	simm.s32 $_scs_section_size  }
0xa0: {  	s5 =	simm.s32 $_size__tile_overlayer_lowered;
	s6 =	simm.s32 $_tile_overlayer_lowered  }
0xa1: {  	s22 =	simm.s32 $0x1BFF;
	s21 =	sshll.u32 s6, $0x1;
	s3 =	sadd.s32 s19, s18  }
0xa2: {  	s7 =	simm.s32 $0x0;
	s20 =	sshll.u32 s5, $0x1;
	s5 =	sadd.s32 s21, s3  }
0xa3: {  	[timem:s7], [sflag:s22] =	dma.local [hbm:s5], s20  }
0xa4: {  	_ =	swait.ge [sflag:s22], s20  }
0xa5: {  	s4 =	ssub.s32 $0x0, s20;
	[sflag:s22] =	ssyncset.done $0x0  }
0xa6: {  	[sflag:s22] =	ssyncadd.s32 s4;
	_ =	sdelay $0x1  }
0xa7: {  	s23 =	simm.s32 $0x1B8B  }
0xa8: {  	_ =	swait.ge [sflag:s23], $0x1  }
0xa9: {  	[sflag:s23] =	ssyncset.done $0x0  }
0xaa: {  	s25 =	simm.s32 $0x1B8E;
	s24 =	sld [smem:$0x3FFE];
	[sflag:s23] =	ssyncadd.s32 $0xFFFFFFFF  }
0xab: {  	s26 =	simm.s32 $execute0_lowered;
	[smem:$0x3FD2] =	sst s25  }
0xac: {  	s5 =	sshll.u32 s26, $0x1;
	_ =	strace $0x80000046;
	[dreg:$0x1] =	wrdreg $0xFFFFFFFF  }
0xad: {  	s28 =	simm.s32 $_size_execute0_lowered;
	s3 =	sadd.s32 s3, s5;
	[dreg:$0x0] =	wrdreg $0x0  }
0xae: {  	s5 =	sshll.u32 s28, $0x1;
	[dreg:$0x2] =	wrdreg s3  }
0xaf: {  	[dreg:$0x3] =	wrdreg s5  }
0xb0: {  	[dreg:$0x4] =	wrdreg $0xC0  }
0xb1: {  	_ =	task [dreg:s7], $0x5FFFF  }
0xb2: {  	[dreg:$0x1] =	wrdreg $0xFFFFFFFF  }
0xb3: {  	[dreg:$0x0] =	wrdreg $0x60  }
0xb4: {  	[dreg:$0x2] =	wrdreg s16  }
0xb5: {  	[dreg:$0x3] =	wrdreg s24  }
0xb6: {  	[dreg:$0x4] =	wrdreg $0x0  }
0xb7: {  	[dreg:$0x5] =	wrdreg $0x9  }
0xb8: {  	_ =	task.clear_ibuf [dreg:s7], $0x6FFFF;
	_ =	strace $0x90000046  }
0xb9: {  	s29 =	simm.s32 $0x9;
	_ =	strace $0x80000048  }
0xba: {  	_ =	swait.ge [sflag:s29], $0x1  }
0xbb: {  	[sflag:s29] =	ssyncadd.s32 $0xFFFFFFFF  }
0xbc: {  	_ =	strace $0x90000048  }
0xbd: {  	_ =	sfence  }
0xbe: {  	s30 =	sld [smem:$0x0];
	_ =	sdelay $0x2  }
0xbf: {  	s31 =	sshll.u32 s1, $0xD;
	s1 =	sshrl.u32 s1, $0x2  }
0xc0: {  	s3 =	sand.u32 $0x4000, s31;
	s1 =	sadd.s32 s1, s30  }
0xc1: {  	s0 =	sor.u32 s3, s0;
	s1 =	sshll.u32 s1, $0x11  }
0xc2: {  	s0 =	sor.u32 s1, s0  }
0xc3: {  	s0 =	sadd.s32 $0x8F2B, s0  }
0xc4: {  	[sflag:s0] =	ssyncadd.remote.s32 $0x1  }
0xc5: {  	_ =	sfence.sel $0xFFFF  }
0xc6: {  	[dreg:$0x0] =	wrdreg $0xFFFFFFFF;
	(pc) =	sbr.abs _section_cstart, $3  }
0xc7: {  	[dreg:$0x1] =	wrdreg $0xFFFFFFFF  }
0xc8: {  	_ =	task.clear_ibuf [dreg:s7], $0x2FFFF;
	_ =	strace $0x9FFFFFFF  }
0xc9: {  	(tm) =	ssettm $0x7FFFFFFF  }
tec
execute0_lowered:
.L_overlay_start_1:
0x0: {  	(tag) =	ssettag $0x1  }
0x1: {  	s1 =	rddreg [dreg:$0x0]  }
0x2: {  	s7 =	rddreg [dreg:$0x1]  }
0x3: {  	s2 =	rddreg [dreg:$0x2]  }
0x4: {  	s0 =	rddreg [dreg:$0x3]  }
0x5: {  	s4 =	simm.s32 $0x0;
	s3 =	srdreg.scid;
	s18 =	simm.s32 $0x3  }
0x6: {  	s19 =	simm.s32 $0x13900;
	s20 =	simm.s32 $0x1;
	s21 =	simm.s32 $0x13980  }
0x7: {  	s22 =	simm.s32 $0x80;
	[smem:$0x7FF] =	sst s4;
	s8 =	sand.u32 $0x1, s3  }
0x8: {  	s23 =	simm.s32 $0x2;
	s3 =	stileid.u32;
	s9 =	smul.u32 $0x4F000, s8  }
0x9: {  	s5 =	sadd.s32 $0xAC00, s7;
	s6 =	sadd.s32 $0x8400, s7;
	s10 =	smul.u32 $0x4F00, s3  }
0xa: {  	s13 =	sadd.s32 $0xB400, s7;
	s15 =	sadd.s32 $0x128400, s2;
	s12 =	smul.u32 $0x4F000, s3  }
0xb: {  	_ =	strace $0x80000047;
	s11 =	ssub.s32 $0x2, s8;
	s14 =	smul.u32 $0x27100, s8  }
0xc: {  	s8 =	smul.u32 $0x138800, s8;
	p0 =	seq.s32 s3, $0xF;
	s24 =	sshrl.u32 s11, $0x1  }
0xd: {  	s28 =	smul.u32 $0x2780, s3;
	s17 =	sshll.u32 @!p0 s3, $0x6;
	s11 =	ssub.s32 s11, s24  }
0xe: {  	s25 =	sshrl.u32 s12, $0x2;
	s26 =	sadd.s32 s10, s9;
	s8 =	sshrl.u32 s8, $0x3  }
0xf: {  	s9 =	sadd.s32 s28, s14;
	s14 =	sshrl.u32 @p0 s15, $0x3;
	s15 =	sor.u32 @!p0 $0x1C03, s17  }
0x10: {  	s17 =	simm.s32 $0x13A00;
	s24 =	simm.s32 $0x0;
	s16 =	sadd.s32 s25, s2  }
0x11: {  	s29 =	sshrl.u32 s26, $0x3;
	s30 =	sadd.s32 s13, s8;
	s8 =	sadd.s32 s13, s9  }
0x12: {  	s10 =	smax.u32 s11, $0x1;
	s31 =	sor.u32 $0x80, s26;
	s12 =	sadd.s32 $0x100, s26  }
0x13: {  	s7 =	sadd.s32 s1, s29;
	s9 =	sadd.s32 $0x25080, s30;
	s13 =	sshrl.u32 s31, $0x3  }
0x14: {  	s16 =	sshrl.u32 @!p0 s16, $0x3;
	s11 =	sadd.s32 $0x9D0, s7;
	s13 =	sadd.s32 s13, s1  }
.LBB2_1:
0x15: {  	s25 =	simm.s32 @p0 $0x1FC3  }
0x16: {  	[spmem:s14], [sflag:s25] =	dma.local @p0 [hbm:s6], $0x2180  }
0x17: {  	s25 =	simm.s32 @p0 $0x3  }
0x18: {  	_ =	swait.ge @p0 [sflag:s25], $0x2180  }
0x19: {  	[sflag:s25] =	ssyncset.done @p0 $0x0  }
0x1a: {  	[sflag:s25] =	ssyncadd.s32 @p0 $0xFFFFDE80;
	s25 =	simm.s32 @!p0 $0x3  }
0x1b: {  	[spmem:s16], [sflag:s15] =	dma.local @!p0 [hbm:s6], $0x2780  }
0x1c: {  	_ =	swait.ge @!p0 [sflag:s25], $0x2780  }
0x1d: {  	[sflag:s25] =	ssyncset.done @!p0 $0x0  }
0x1e: {  	[sflag:s25] =	ssyncadd.s32 @!p0 $0xFFFFD880  }
0x1f: {  	[tilespmem:s17], [sflag:$0x3] =	stream.linear.gather [hbm4b:s5+s4], $0x4000, $0x38;
	[tilespmem:$0x17A00] =	vst v63  }
0x20: {  	_ =	swait.ge [sflag:s18], $0x4000  }
0x21: {  	[sflag:s18] =	ssyncset.done $0x0  }
0x22: {  	[sflag:s18] =	ssyncadd.s32 $0xFFFFC000  }
0x23: {  	[bflag:$0x0] =	sbarrier.arrive $0xFFFF  }
0x24: {  	[tilespmem:s19], [sflag:$0x1] =	stream.linear.gather [hbm4b:s7+s4], $0x80, $0x38;
	[tilespmem:$0x17A00] =	vst v63  }
0x25: {  	_ =	swait.ge [sflag:s20], $0x80  }
0x26: {  	[sflag:s20] =	ssyncset.done $0x0  }
0x27: {  	s30 =	sadd.s32 $0x0, s13;
	[sflag:s20] =	ssyncadd.s32 $0xFFFFFF80  }
0x28: {  	[tilespmem:s21], [sflag:$0x2] =	stream.linear.gather [hbm4b:s30+s4], $0x80, $0x38;
	[tilespmem:$0x17A00] =	vst v63  }
0x29: {  	_ = 	snop  }
0x2a: {  	[spmem:s2] =	stream.indirect.scatter.add.f32 [tilespmem:s17], [sflag:$0x3], $0x80, s19, s22, $0xb8;
	[tilespmem:$0x17A00] =	vst v63  }
0x2b: {  	_ =	swait.ge [sflag:s18], $0x4000  }
0x2c: {  	[sflag:s18] =	ssyncset.done $0x0  }
0x2d: {  	[sflag:s18] =	ssyncadd.s32 $0xFFFFC000  }
0x2e: {  	_ =	swait.ge [sflag:s23], $0x80  }
0x2f: {  	s31 =	sshrl.u32 s12, $0x3;
	[sflag:s23] =	ssyncset.done $0x0  }
0x30: {  	s25 =	sadd.s32 s1, s31;
	[sflag:s23] =	ssyncadd.s32 $0xFFFFFF80  }
0x31: {  	[tilespmem:s19], [sflag:$0x1] =	stream.linear.gather [hbm4b:s25+s4], $0x80, $0x38;
	[tilespmem:$0x17A00] =	vst v63  }
0x32: {  	_ = 	snop  }
0x33: {  	[spmem:s2] =	stream.indirect.scatter.add.f32 [tilespmem:s17], [sflag:$0x3], $0x80, s21, s22, $0xb8;
	[tilespmem:$0x17A00] =	vst v63  }
0x34: {  	_ =	swait.ge [sflag:s18], $0x4000  }
0x35: {  	s26 =	smov.u32 s12;
	s25 =	simm.s32 $0x20;
	[sflag:s18] =	ssyncset.done $0x0  }
.LBB2_2:
0x36: {  	p1 =	sne.s32 s25, $0x9A0;
	[sflag:s18] =	ssyncadd.s32 $0xFFFFC000;
	s26 =	sadd.s32 $0x100, s26  }
0x37: {  	s28 =	smov.u32 s25;
	s25 =	sadd.s32 $0x20, s25  }
0x38: {  	_ =	swait.ge [sflag:s20], $0x80  }
0x39: {  	[sflag:s20] =	ssyncset.done $0x0  }
0x3a: {  	s28 =	sadd.s32 s28, s13;
	[sflag:s20] =	ssyncadd.s32 $0xFFFFFF80  }
0x3b: {  	[tilespmem:s21], [sflag:$0x2] =	stream.linear.gather [hbm4b:s28+s4], $0x80, $0x38;
	[tilespmem:$0x17A00] =	vst v63  }
0x3c: {  	_ = 	snop  }
0x3d: {  	[spmem:s2] =	stream.indirect.scatter.add.f32 [tilespmem:s17], [sflag:$0x3], $0x80, s19, s22, $0xb8;
	[tilespmem:$0x17A00] =	vst v63  }
0x3e: {  	_ =	swait.ge [sflag:s18], $0x4000  }
0x3f: {  	[sflag:s18] =	ssyncset.done $0x0  }
0x40: {  	[sflag:s18] =	ssyncadd.s32 $0xFFFFC000  }
0x41: {  	_ =	swait.ge [sflag:s23], $0x80  }
0x42: {  	s28 =	sshrl.u32 s26, $0x3;
	[sflag:s23] =	ssyncset.done $0x0  }
0x43: {  	s28 =	sadd.s32 s1, s28;
	[sflag:s23] =	ssyncadd.s32 $0xFFFFFF80  }
0x44: {  	[tilespmem:s19], [sflag:$0x1] =	stream.linear.gather [hbm4b:s28+s4], $0x80, $0x38;
	[tilespmem:$0x17A00] =	vst v63  }
.Ltmp0:
0x45: {  	_ = 	snop;
	(pc) =	sbr.rel @p1 .LBB2_2-.Ltmp0, $4  }
0x46: {  	_ = 	snop  }
0x47: {  	[spmem:s2] =	stream.indirect.scatter.add.f32 [tilespmem:s17], [sflag:$0x3], $0x80, s21, s22, $0xb8;
	[tilespmem:$0x17A00] =	vst v63  }
0x48: {  	_ =	swait.ge [sflag:s18], $0x4000  }
0x49: {  	[sflag:s18] =	ssyncset.done $0x0  }
0x4a: {  	[sflag:s18] =	ssyncadd.s32 $0xFFFFC000  }
0x4b: {  	_ =	swait.ge [sflag:s20], $0x80  }
0x4c: {  	[sflag:s20] =	ssyncset.done $0x0  }
0x4d: {  	[sflag:s20] =	ssyncadd.s32 $0xFFFFFF80  }
0x4e: {  	[tilespmem:s21], [sflag:$0x2] =	stream.linear.gather [hbm4b:s11+s4], $0x80, $0x38;
	[tilespmem:$0x17A00] =	vst v63  }
0x4f: {  	_ = 	snop  }
0x50: {  	[spmem:s2] =	stream.indirect.scatter.add.f32 [tilespmem:s17], [sflag:$0x3], $0x80, s19, s22, $0xb8;
	[tilespmem:$0x17A00] =	vst v63  }
0x51: {  	_ =	swait.ge [sflag:s18], $0x4000  }
0x52: {  	[sflag:s18] =	ssyncset.done $0x0  }
0x53: {  	[sflag:s18] =	ssyncadd.s32 $0xFFFFC000  }
0x54: {  	_ =	swait.ge [sflag:s23], $0x80  }
0x55: {  	[sflag:s23] =	ssyncset.done $0x0  }
0x56: {  	[sflag:s23] =	ssyncadd.s32 $0xFFFFFF80  }
0x57: {  	[spmem:s2] =	stream.indirect.scatter.add.f32 [tilespmem:s17], [sflag:$0x3], $0x80, s21, s22, $0xb8;
	[tilespmem:$0x17A00] =	vst v63  }
0x58: {  	_ =	swait.ge [sflag:s18], $0x4000  }
0x59: {  	[sflag:s18] =	ssyncset.done $0x0  }
0x5a: {  	[sflag:s18] =	ssyncadd.s32 $0xFFFFC000  }
0x5b: {  	s25 =	simm.s32 @p0 $0x1FC3;
	[bflag:$0x0] =	sbarrier.arrive $0xFFFF  }
0x5c: {  	[hbm:s9], [sflag:s25] =	dma.local @p0 [spmem:s14], $0x2080  }
0x5d: {  	s25 =	simm.s32 @p0 $0x3  }
0x5e: {  	s24 =	sadd.s32 $0x1, s24;
	_ =	swait.ge @p0 [sflag:s25], $0x2080  }
0x5f: {  	p1 =	sne.s32 s24, s10;
	[sflag:s25] =	ssyncset.done @p0 $0x0  }
.Ltmp1:
0x60: {  	[sflag:s25] =	ssyncadd.s32 @p0 $0xFFFFDF80;
	s25 =	simm.s32 @!p0 $0x3;
	(pc) =	sbr.rel @p1 .LBB2_1-.Ltmp1, $4  }
0x61: {  	[hbm:s8], [sflag:s15] =	dma.local @!p0 [spmem:s16], $0x2780  }
0x62: {  	_ =	swait.ge @!p0 [sflag:s25], $0x2780  }
0x63: {  	[sflag:s25] =	ssyncset.done @!p0 $0x0  }
0x64: {  	[sflag:s25] =	ssyncadd.s32 @!p0 $0xFFFFD880  }
0x65: {  	_ =	sfence.sel $0x180000  }
0x66: {  	[bflag:$0x0] =	sbarrier.arrive $0xFFFF  }
0x67: {  	p0 =	sne.s32 s3, $0x0;
	_ =	strace $0x90000047  }
0x68: {  	s0 =	sadd.s32 @!p0 $0x100000, s0;
	[bflag:$0x2] =	sbarrier.arrive $0xFFFF  }
0x69: {  	[sflag:s0] =	ssyncadd.tile.s32 @!p0 $0x1;
	_ =	shalt  }
.Lfunc_end2:
_tile_overlayer_lowered:
.L_overlay_start_2:
0x6a: {  	(tag) =	ssettag $0x2  }
0x6b: {  	s0 =	rddreg [dreg:$0x0];
	s2 =	stileid.u32  }
0x6c: {  	s1 =	rddreg [dreg:$0x1];
	p0 =	sne.s32 s2, $0x0  }
0x6d: {  	s3 =	rddreg [dreg:$0x2];
	[bflag:$0x3] =	sbarrier.arrive $0xFFFF;
	s2 =	simm.s32 @!p0 $0x1C03  }
0x6e: {  	[timem:s3], [sflag:s2] =	dma.local @!p0 [hbm:s0], s1  }
0x6f: {  	s0 =	simm.s32 @!p0 $0x3  }
0x70: {  	_ =	swait.ge @!p0 [sflag:s0], s1  }
0x71: {  	s1 =	ssub.s32 @!p0 $0x0, s1;
	[sflag:s0] =	ssyncset.done @!p0 $0x0  }
0x72: {  	[sflag:s0] =	ssyncadd.s32 @!p0 s1  }
0x73: {  	[bflag:$0x3] =	sbarrier.arrive $0xFFFF  }
0x74: {  	_ =	shalt  }

// kernel: kernel.17.cloned.1.call-start
scs
__scs_entry_jumppad:
0x0: {  	(pc) =	sbr.rel $0x88, $3  }
0x1: {  	(tag) =	ssettag $0x0;
	lr =	simm.s32 $0x1  }
0x2: {  	[smem:$0x3F75] =	sst lr;
	_ =	strace $0xD0000000  }
0x3: {  	_ = 	snop  }
0x4: {  	_ = 	snop  }
0x5: {  	_ = 	snop  }
0x6: {  	_ = 	snop  }
0x7: {  	_ = 	snop  }
__scs_overlays_trampoline_lowered:
0x8: {  	[smem:$0x3F84] =	sst s0  }
0x9: {  	[smem:$0x3F85] =	sst s1  }
0xa: {  	[smem:$0x3F86] =	sst s2  }
0xb: {  	[smem:$0x3F87] =	sst s3  }
0xc: {  	[smem:$0x3F88] =	sst s4  }
0xd: {  	[smem:$0x3F89] =	sst s5  }
0xe: {  	[smem:$0x3F8A] =	sst s6  }
0xf: {  	[smem:$0x3F8B] =	sst s7  }
0x10: {  	[smem:$0x3F8C] =	sst s8  }
0x11: {  	[smem:$0x3F8D] =	sst s9;
	s0 =	simm.s32 @!p0 $0x0  }
0x12: {  	s1 =	sld [smem:$0x3F73];
	s0 =	simm.s32 @p0 $0x1  }
0x13: {  	[smem:$0x3F8E] =	sst s0;
	s0 =	simm.s32 @!p1 $0x0  }
0x14: {  	s2 =	sld [smem:$0x3F72];
	s0 =	simm.s32 @p1 $0x1  }
0x15: {  	[smem:$0x3F8F] =	sst s0;
	s0 =	simm.s32 @!p2 $0x0  }
0x16: {  	s3 =	sld [smem:$0x3FDB];
	s0 =	simm.s32 @p2 $0x1  }
0x17: {  	s4 =	simm.s32 $0x1BF5;
	[smem:$0x3F91] =	sst s0  }
0x18: {  	s0 =	sld [smem:$0x3F74];
	_ =	swait.ge [sflag:s4], $0x0  }
0x19: {  	s7 =	sld [smem:$0x3F75]  }
0x1a: {  	s8 =	sadd.s32 $0xFFFFE003, lr  }
0x1b: {  	s9 =	sadd.s32 $0xFFFFFEF7, lr;
	s5 =	simm.s32 $0xFFFFFFFF;
	p2 =	slt.u32 s8, $0xFFFFF086  }
0x1c: {  	p1 =	slt.u32 s9, $0xF7A;
	s5 =	simm.s32 @!p2 $0x0  }
0x1d: {  	s5 =	simm.s32 @p1 $0x1;
	p0 =	seq.s32 s7, s2  }
0x1e: {  	s7 =	smul.u32 @!p0 $0xF7A, s2;
	p2 =	seq.s32 @!p0 s5, $0x0  }
0x1f: {  	s9 =	smul.u32 $0xF7A, s1;
	s8 =	simm.s32 @!p0 $0x1BF5;
	p2 =	por !p2, p0  }
0x20: {  	[sflag:s8] =	ssyncset.s32 @!p0 $0xFFFFF086;
	s6 =	sadd.s32 @!p0 s3, s7;
	s7 =	simm.s32 @!p0 $0x108  }
0x21: {  	s3 =	sadd.s32 s3, s9;
	s6 =	sadd.s32 @!p0 $0x88, s6;
	s7 =	simm.s32 @p2 $0x1082  }
0x22: {  	[simem:s7], [sflag:s8] =	dma.local @!p0 [hbm:s6], $0xF7A  }
0x23: {  	s9 =	sor.u32 $0xD0000000, s2;
	s6 =	simm.s32 $0x108;
	_ =	swait.ge @!p0 [sflag:s8], $0x0  }
0x24: {  	s3 =	sadd.s32 $0x88, s3;
	s6 =	simm.s32 @!p1 $0x1082;
	[sflag:s4] =	ssyncset.s32 $0xFFFFF086  }
0x25: {  	[simem:s6], [sflag:s4] =	dma.local [hbm:s3], $0xF7A  }
0x26: {  	[smem:$0x3F75] =	sst s1;
	(tag) =	ssettag s2;
	_ =	strace s9  }
0x27: {  	s1 =	sld [smem:$0x3F85]  }
0x28: {  	s2 =	sld [smem:$0x3F86]  }
0x29: {  	s4 =	sld [smem:$0x3F88]  }
0x2a: {  	p0 =	seq.s32 s5, $0x0;
	s5 =	sld [smem:$0x3F89]  }
0x2b: {  	s6 =	sld [smem:$0x3F8A]  }
0x2c: {  	s7 =	sld [smem:$0x3F8B]  }
0x2d: {  	s3 =	simm.s32 $0x108;
	s8 =	sld [smem:$0x3F8C]  }
0x2e: {  	s3 =	simm.s32 @!p0 $0x1082;
	s9 =	sld [smem:$0x3F8D]  }
0x2f: {  	lr =	sadd.s32 s0, s3;
	s0 =	sld [smem:$0x3F84]  }
0x30: {  	s3 =	sld [smem:$0x3F87]  }
0x31: {  	[smem:$0x3F90] =	sst s10  }
0x32: {  	s10 =	sld [smem:$0x3F8E];
	_ =	sdelay $0x3  }
0x33: {  	p0 =	seq.s32 s10, $0x1;
	s10 =	sld [smem:$0x3F90];
	_ =	sdelay $0x3  }
0x34: {  	[smem:$0x3F90] =	sst s10  }
0x35: {  	s10 =	sld [smem:$0x3F8F];
	_ =	sdelay $0x3  }
0x36: {  	p1 =	seq.s32 s10, $0x1;
	s10 =	sld [smem:$0x3F90];
	_ =	sdelay $0x3  }
0x37: {  	[smem:$0x3F90] =	sst s10  }
0x38: {  	s10 =	sld [smem:$0x3F91]  }
0x39: {  	_ = 	snop;
	(pc) =	sbr.ind lr, $3  }
0x3a: {  	_ = 	snop  }
0x3b: {  	_ = 	snop  }
0x3c: {  	p2 =	seq.s32 s10, $0x1;
	s10 =	sld [smem:$0x3F90]  }
0x3d: {  	_ =	shalt  }
0x3e: {  	_ =	shalt  }
0x3f: {  	_ =	shalt  }
0x40: {  	_ =	shalt  }
0x41: {  	_ =	shalt  }
0x42: {  	_ =	shalt  }
0x43: {  	_ =	shalt  }
0x44: {  	_ =	shalt  }
0x45: {  	_ =	shalt  }
0x46: {  	_ =	shalt  }
0x47: {  	_ =	shalt  }
0x48: {  	_ =	shalt  }
0x49: {  	_ =	shalt  }
0x4a: {  	_ =	shalt  }
0x4b: {  	_ =	shalt  }
0x4c: {  	_ =	shalt  }
0x4d: {  	_ =	shalt  }
0x4e: {  	_ =	shalt  }
0x4f: {  	_ =	shalt  }
0x50: {  	_ =	shalt  }
0x51: {  	_ =	shalt  }
0x52: {  	_ =	shalt  }
0x53: {  	_ =	shalt  }
0x54: {  	_ =	shalt  }
0x55: {  	_ =	shalt  }
0x56: {  	_ =	shalt  }
0x57: {  	_ =	shalt  }
0x58: {  	_ =	shalt  }
0x59: {  	_ =	shalt  }
0x5a: {  	_ =	shalt  }
0x5b: {  	_ =	shalt  }
0x5c: {  	_ =	shalt  }
0x5d: {  	_ =	shalt  }
0x5e: {  	_ =	shalt  }
0x5f: {  	_ =	shalt  }
0x60: {  	_ =	shalt  }
0x61: {  	_ =	shalt  }
0x62: {  	_ =	shalt  }
0x63: {  	_ =	shalt  }
0x64: {  	_ =	shalt  }
0x65: {  	_ =	shalt  }
0x66: {  	_ =	shalt  }
0x67: {  	_ =	shalt  }
0x68: {  	_ =	shalt  }
0x69: {  	_ =	shalt  }
0x6a: {  	_ =	shalt  }
0x6b: {  	_ =	shalt  }
0x6c: {  	_ =	shalt  }
0x6d: {  	_ =	shalt  }
0x6e: {  	_ =	shalt  }
0x6f: {  	_ =	shalt  }
0x70: {  	_ =	shalt  }
0x71: {  	_ =	shalt  }
0x72: {  	_ =	shalt  }
0x73: {  	_ =	shalt  }
0x74: {  	_ =	shalt  }
0x75: {  	_ =	shalt  }
0x76: {  	_ =	shalt  }
0x77: {  	_ =	shalt  }
0x78: {  	_ =	shalt  }
0x79: {  	_ =	shalt  }
0x7a: {  	_ =	shalt  }
0x7b: {  	_ =	shalt  }
0x7c: {  	_ =	shalt  }
0x7d: {  	_ =	shalt  }
0x7e: {  	_ =	shalt  }
0x7f: {  	_ =	shalt  }
0x80: {  	_ =	shalt  }
0x81: {  	_ =	shalt  }
0x82: {  	_ =	shalt  }
0x83: {  	_ =	shalt  }
0x84: {  	_ =	shalt  }
0x85: {  	_ =	shalt  }
0x86: {  	_ =	shalt  }
0x87: {  	_ =	shalt  }
.Lfunc_end0:
.L_simem_size_0:
called_computation.1_lowered:
.L_overlay_start_0:
0x88: {  	s2 =	sld [smem:$0x3FD9]  }
0x89: {  	s3 =	sld [smem:$0x3FFE];
	_ =	sdelay $0x1  }
0x8a: {  	s1 =	srdreg.scid  }
0x8b: {  	s0 =	sand.u32 $0x1, s1  }
0x8c: {  	s14 =	sshll.u32 s0, $0xA;
	s2 =	sadd.s32 s3, s2  }
0x8d: {  	s2 =	sadd.s32 s2, s14  }
0x8e: {  	[smem:$0x3F9C] =	sst s2  }
0x8f: {  	_ = 	snop  }
0x90: {  	s2 =	sld [smem:$0x3FD0];
	_ =	sdelay $0x2  }
0x91: {  	s15 =	simm.s32 $0xA;
	s4 =	simm.s32 $0x10  }
0x92: {  	[smem:s4], [sflag:s15] =	dma.local [hbm:s2], $0x1  }
0x93: {  	_ =	swait.eq [sflag:s15], $0x1  }
0x94: {  	[sflag:s15] =	ssyncset.done $0x0  }
0x95: {  	s16 =	sld [smem:$0x10];
	[sflag:s15] =	ssyncadd.s32 $0xFFFFFFFF  }
0x96: {  	s17 =	sld [smem:$0x11];
	(tm) =	ssettm $0x1  }
0x97: {  	s18 =	sld [smem:$0x3FFB];
	_ =	sdelay $0x3  }
0x98: {  	_ =	strace s18  }
0x99: {  	s4 =	sld [smem:$0x3FFC];
	_ =	sdelay $0x3  }
0x9a: {  	_ =	strace s4  }
0x9b: {  	s4 =	sld [smem:$0x3FFD];
	_ =	sdelay $0x3  }
0x9c: {  	_ =	strace s4  }
0x9d: {  	_ =	strace $0x8FFFFFFF  }
0x9e: {  	s19 =	sld [smem:$0x3FDB];
	_ =	sdelay $0x1  }
0x9f: {  	s5 =	simm.s32 $_scs_section_size  }
0xa0: {  	s6 =	simm.s32 $_size__tile_overlayer_lowered;
	s7 =	simm.s32 $_tile_overlayer_lowered  }
0xa1: {  	s22 =	simm.s32 $0x1BFF;
	s21 =	sshll.u32 s7, $0x1;
	s4 =	sadd.s32 s5, s19  }
0xa2: {  	s8 =	simm.s32 $0x0;
	s20 =	sshll.u32 s6, $0x1;
	s6 =	sadd.s32 s21, s4  }
0xa3: {  	[timem:s8], [sflag:s22] =	dma.local [hbm:s6], s20  }
0xa4: {  	_ =	swait.ge [sflag:s22], s20  }
0xa5: {  	s5 =	ssub.s32 $0x0, s20;
	[sflag:s22] =	ssyncset.done $0x0  }
0xa6: {  	[sflag:s22] =	ssyncadd.s32 s5;
	_ =	sdelay $0x1  }
0xa7: {  	s23 =	simm.s32 $0x1B8B  }
0xa8: {  	_ =	swait.ge [sflag:s23], $0x1  }
0xa9: {  	[sflag:s23] =	ssyncset.done $0x0  }
0xaa: {  	s25 =	simm.s32 $0x1B8E;
	s24 =	sld [smem:$0x3FFE];
	[sflag:s23] =	ssyncadd.s32 $0xFFFFFFFF  }
0xab: {  	s26 =	simm.s32 $execute0_lowered;
	[smem:$0x3FD2] =	sst s25  }
0xac: {  	s6 =	sshll.u32 s26, $0x1;
	_ =	strace $0x80000049;
	[dreg:$0x1] =	wrdreg $0xFFFFFFFF  }
0xad: {  	s28 =	simm.s32 $_size_execute0_lowered;
	s4 =	sadd.s32 s4, s6;
	[dreg:$0x0] =	wrdreg $0x0  }
0xae: {  	s6 =	sshll.u32 s28, $0x1;
	[dreg:$0x2] =	wrdreg s4  }
0xaf: {  	[dreg:$0x3] =	wrdreg s6  }
0xb0: {  	[dreg:$0x4] =	wrdreg $0xC0  }
0xb1: {  	_ =	task [dreg:s8], $0x5FFFF  }
0xb2: {  	[dreg:$0x1] =	wrdreg $0xFFFFFFFF  }
0xb3: {  	[dreg:$0x0] =	wrdreg $0x60  }
0xb4: {  	[dreg:$0x2] =	wrdreg s24  }
0xb5: {  	[dreg:$0x3] =	wrdreg s16  }
0xb6: {  	[dreg:$0x4] =	wrdreg s17  }
0xb7: {  	[dreg:$0x5] =	wrdreg $0x0  }
0xb8: {  	[dreg:$0x6] =	wrdreg $0x9  }
0xb9: {  	_ =	task.clear_ibuf [dreg:s8], $0x7FFFF;
	_ =	strace $0x90000049  }
0xba: {  	s29 =	simm.s32 $0x9;
	_ =	strace $0x8000004B  }
0xbb: {  	_ =	swait.ge [sflag:s29], $0x1  }
0xbc: {  	[sflag:s29] =	ssyncadd.s32 $0xFFFFFFFF  }
0xbd: {  	_ =	strace $0x9000004B  }
0xbe: {  	_ =	sfence  }
0xbf: {  	s30 =	sld [smem:$0x0];
	_ =	sdelay $0x2  }
0xc0: {  	s31 =	sshll.u32 s1, $0xD;
	s1 =	sshrl.u32 s1, $0x2  }
0xc1: {  	s3 =	sand.u32 $0x4000, s31;
	s1 =	sadd.s32 s1, s30  }
0xc2: {  	s0 =	sor.u32 s3, s0;
	s1 =	sshll.u32 s1, $0x11  }
0xc3: {  	s0 =	sor.u32 s1, s0  }
0xc4: {  	s0 =	sadd.s32 $0x8F2B, s0  }
0xc5: {  	[sflag:s0] =	ssyncadd.remote.s32 $0x1  }
0xc6: {  	_ =	sfence.sel $0xFFFF  }
0xc7: {  	[dreg:$0x0] =	wrdreg $0xFFFFFFFF;
	(pc) =	sbr.abs _section_cstart, $3  }
0xc8: {  	[dreg:$0x1] =	wrdreg $0xFFFFFFFF  }
0xc9: {  	_ =	task.clear_ibuf [dreg:s8], $0x2FFFF;
	_ =	strace $0x9FFFFFFF  }
0xca: {  	(tm) =	ssettm $0x7FFFFFFF  }
0xcb: {  	_ =	shalt  }
tec
execute0_lowered:
.L_overlay_start_1:
0x0: {  	(tag) =	ssettag $0x1  }
0x1: {  	s0 =	rddreg [dreg:$0x0]  }
0x2: {  	s1 =	rddreg [dreg:$0x1]  }
0x3: {  	s2 =	srdreg.scid;
	s3 =	rddreg [dreg:$0x2]  }
0x4: {  	s14 =	stileid.u32;
	s4 =	rddreg [dreg:$0x3];
	s5 =	simm.s32 $0x0  }
0x5: {  	s28 =	simm.s32 $0x13B00;
	s29 =	simm.s32 $0x3;
	s8 =	smul.u32 $0x4F00, s14  }
0x6: {  	s30 =	simm.s32 $0x2;
	s31 =	simm.s32 $0x17B00;
	s9 =	smul.u32 $0x4F000, s14  }
0x7: {  	s2 =	sand.u32 $0x1, s2;
	[smem:$0x7FF] =	sst s5;
	s12 =	smul.u32 $0x2780, s14  }
0x8: {  	s6 =	sadd.s32 $0x8400, s0;
	s0 =	sadd.s32 $0x143C00, s0;
	s7 =	smul.u32 $0x4F000, s2  }
0x9: {  	s19 =	sadd.s32 $0x128400, s4;
	p0 =	seq.s32 s14, $0xF;
	s10 =	smul.u32 $0x27100, s2  }
0xa: {  	_ =	strace $0x8000004A;
	s11 =	ssub.s32 $0x2, s2;
	s2 =	smul.u32 $0x138800, s2  }
0xb: {  	[dreg:$0x7] =	wrdreg s19;
	s13 =	sshrl.u32 s11, $0x1;
	s16 =	sshrl.u32 s9, $0x2  }
0xc: {  	s11 =	ssub.s32 s11, s13;
	s7 =	sadd.s32 s8, s7;
	s8 =	sadd.s32 s16, s4  }
0xd: {  	s17 =	sadd.s32 s12, s10;
	s2 =	sshrl.u32 s2, $0x3;
	[dreg:$0x5] =	wrdreg s8  }
0xe: {  	s18 =	sadd.s32 s6, s17;
	s2 =	sadd.s32 $0x25080, s2;
	s21 =	sshrl.u32 s7, $0x3  }
0xf: {  	s25 =	sadd.s32 $0x180, s7;
	s9 =	sadd.s32 s0, s17;
	s17 =	smax.u32 s11, $0x1  }
0x10: {  	[dreg:$0x6] =	wrdreg s18;
	s20 =	sadd.s32 s6, s2;
	s22 =	sadd.s32 s1, s21  }
0x11: {  	s23 =	sadd.s32 s3, s21;
	s8 =	sor.u32 $0x10, s21;
	[dreg:$0xd] =	wrdreg s9  }
0x12: {  	s16 =	sadd.s32 s0, s2;
	s26 =	sshrl.u32 s25, $0x3;
	[dreg:$0x8] =	wrdreg s20  }
0x13: {  	s21 =	simm.s32 $0x13900;
	s25 =	simm.s32 $0x13A80;
	[dreg:$0x9] =	wrdreg s22  }
0x14: {  	s2 =	simm.s32 $0x5;
	s0 =	simm.s32 $0x4;
	[dreg:$0xa] =	wrdreg s23  }
0x15: {  	s24 =	sadd.s32 s1, s8;
	s8 =	sadd.s32 s3, s8;
	s18 =	sadd.s32 s26, s3  }
0x16: {  	s19 =	sadd.s32 s26, s1;
	s20 =	sadd.s32 $0x100, s7;
	s22 =	simm.s32 $0x13980  }
0x17: {  	s23 =	simm.s32 $0x1;
	s26 =	simm.s32 $0x80;
	[dreg:$0xb] =	wrdreg s24  }
0x18: {  	s7 =	simm.s32 $0x0;
	[dreg:$0xc] =	wrdreg s8;
	s24 =	simm.s32 $0x13A00  }
.LBB2_1:
0x19: {  	s8 =	rddreg [dreg:$0x7]  }
0x1a: {  	s9 =	simm.s32 @p0 $0x1FC5;
	s10 =	rddreg [dreg:$0x8];
	s8 =	sshrl.u32 @p0 s8, $0x3  }
0x1b: {  	[spmem:s8], [sflag:s9] =	dma.local @p0 [hbm:s10], $0x2080  }
0x1c: {  	s9 =	simm.s32 @p0 $0x5  }
0x1d: {  	s10 =	stileid.u32;
	_ =	swait.ge @p0 [sflag:s9], $0x2080  }
0x1e: {  	s10 =	sshll.u32 @!p0 s10, $0x6;
	[sflag:s9] =	ssyncset.done @p0 $0x0  }
0x1f: {  	[sflag:s9] =	ssyncadd.s32 @p0 $0xFFFFDF80;
	s9 =	sor.u32 @!p0 $0x1C05, s10;
	s10 =	rddreg [dreg:$0x5]  }
0x20: {  	s11 =	rddreg [dreg:$0x6];
	s10 =	sshrl.u32 @!p0 s10, $0x3  }
0x21: {  	[spmem:s10], [sflag:s9] =	dma.local @!p0 [hbm:s11], $0x2780  }
0x22: {  	s11 =	simm.s32 @!p0 $0x5  }
0x23: {  	_ =	swait.ge @!p0 [sflag:s11], $0x2780  }
0x24: {  	[sflag:s11] =	ssyncset.done @!p0 $0x0  }
0x25: {  	[sflag:s11] =	ssyncadd.s32 @!p0 $0xFFFFD880  }
0x26: {  	[bflag:$0x0] =	sbarrier.arrive $0xFFFF  }
0x27: {  	s14 =	rddreg [dreg:$0x9]  }
0x28: {  	[tilespmem:s21], [sflag:$0x1] =	stream.linear.gather [hbm4b:s14+s5], $0x80, $0x38;
	[tilespmem:$0x1BB00] =	vst v63  }
0x29: {  	s15 =	rddreg [dreg:$0xa]  }
0x2a: {  	[tilespmem:s22], [sflag:$0x1] =	stream.linear.gather [hbm4b:s15+s5], $0x80, $0x38;
	[tilespmem:$0x1BB00] =	vst v63  }
0x2b: {  	_ =	swait.ge [sflag:s23], $0x80  }
0x2c: {  	[sflag:s23] =	ssyncset.done $0x0  }
0x2d: {  	[sflag:s23] =	ssyncadd.s32 $0xFFFFFF80  }
0x2e: {  	_ =	swait.ge [sflag:s23], $0x80  }
0x2f: {  	[sflag:s23] =	ssyncset.done $0x0  }
0x30: {  	s12 =	rddreg [dreg:$0xb];
	[sflag:s23] =	ssyncadd.s32 $0xFFFFFF80  }
0x31: {  	[tilespmem:s24], [sflag:$0x2] =	stream.linear.gather [hbm4b:s12+s5], $0x80, $0x38;
	[tilespmem:$0x1BB00] =	vst v63  }
0x32: {  	s13 =	rddreg [dreg:$0xc]  }
0x33: {  	[tilespmem:s25], [sflag:$0x2] =	stream.linear.gather [hbm4b:s13+s5], $0x80, $0x38;
	[tilespmem:$0x1BB00] =	vst v63  }
0x34: {  	_ = 	snop  }
0x35: {  	[tilespmem:s28], [sflag:$0x3] =	stream.indirect.gather [hbm4b:s6+s26], $0x80, s21, s26, $0xb8;
	[tilespmem:$0x1BB00] =	vst v63  }
0x36: {  	_ =	swait.ge [sflag:s29], $0x4000  }
0x37: {  	[sflag:s29] =	ssyncset.done $0x0  }
0x38: {  	[sflag:s29] =	ssyncadd.s32 $0xFFFFC000  }
0x39: {  	_ =	swait.ge [sflag:s30], $0x80  }
0x3a: {  	[sflag:s30] =	ssyncset.done $0x0  }
0x3b: {  	[sflag:s30] =	ssyncadd.s32 $0xFFFFFF80  }
0x3c: {  	_ =	swait.ge [sflag:s30], $0x80  }
0x3d: {  	[sflag:s30] =	ssyncset.done $0x0  }
0x3e: {  	[sflag:s30] =	ssyncadd.s32 $0xFFFFFF80  }
0x3f: {  	[tilespmem:s31], [sflag:$0x4] =	stream.indirect.gather [hbm4b:s6+s26], $0x80, s24, s26, $0xb8;
	[tilespmem:$0x1BB00] =	vst v63  }
0x40: {  	_ = 	snop  }
0x41: {  	[spmem:s4] =	stream.indirect.scatter.add.f32 [tilespmem:s28], [sflag:$0x5], $0x80, s22, s26, $0xb8;
	[tilespmem:$0x1BB00] =	vst v63  }
0x42: {  	_ =	swait.ge [sflag:s2], $0x4000  }
0x43: {  	s14 =	sshrl.u32 s20, $0x3;
	[sflag:s2] =	ssyncset.done $0x0  }
0x44: {  	s12 =	sadd.s32 s1, s14;
	[sflag:s2] =	ssyncadd.s32 $0xFFFFC000  }
0x45: {  	[tilespmem:s21], [sflag:$0x1] =	stream.linear.gather [hbm4b:s12+s5], $0x80, $0x38;
	[tilespmem:$0x1BB00] =	vst v63  }
0x46: {  	s11 =	sadd.s32 s3, s14  }
0x47: {  	[tilespmem:s22], [sflag:$0x1] =	stream.linear.gather [hbm4b:s11+s5], $0x80, $0x38;
	[tilespmem:$0x1BB00] =	vst v63  }
0x48: {  	_ =	swait.ge [sflag:s0], $0x4000  }
0x49: {  	[sflag:s0] =	ssyncset.done $0x0  }
0x4a: {  	[sflag:s0] =	ssyncadd.s32 $0xFFFFC000  }
0x4b: {  	_ =	swait.ge [sflag:s23], $0x80  }
0x4c: {  	[sflag:s23] =	ssyncset.done $0x0  }
0x4d: {  	[sflag:s23] =	ssyncadd.s32 $0xFFFFFF80  }
0x4e: {  	_ =	swait.ge [sflag:s23], $0x80  }
0x4f: {  	[sflag:s23] =	ssyncset.done $0x0  }
0x50: {  	[sflag:s23] =	ssyncadd.s32 $0xFFFFFF80  }
0x51: {  	[tilespmem:s28], [sflag:$0x3] =	stream.indirect.gather [hbm4b:s6+s26], $0x80, s21, s26, $0xb8;
	[tilespmem:$0x1BB00] =	vst v63  }
0x52: {  	_ = 	snop  }
0x53: {  	[spmem:s4] =	stream.indirect.scatter.add.f32 [tilespmem:s31], [sflag:$0x5], $0x80, s25, s26, $0xb8;
	[tilespmem:$0x1BB00] =	vst v63  }
0x54: {  	_ =	swait.ge [sflag:s2], $0x4000  }
0x55: {  	s15 =	sadd.s32 $0x0, s19;
	s13 =	sadd.s32 $0x0, s18;
	[sflag:s2] =	ssyncset.done $0x0  }
0x56: {  	s12 =	sadd.s32 $0x100, s20;
	s11 =	simm.s32 $0x20;
	[sflag:s2] =	ssyncadd.s32 $0xFFFFC000  }
0x57: {  	[tilespmem:s24], [sflag:$0x2] =	stream.linear.gather [hbm4b:s15+s5], $0x80, $0x38;
	[tilespmem:$0x1BB00] =	vst v63  }
.LBB2_2:
0x58: {  	[tilespmem:s25], [sflag:$0x2] =	stream.linear.gather [hbm4b:s13+s5], $0x80, $0x38;
	[tilespmem:$0x1BB00] =	vst v63  }
0x59: {  	s13 =	smov.u32 s11  }
0x5a: {  	p1 =	sne.s32 s11, $0x9A0;
	s11 =	sadd.s32 $0x20, s11;
	_ =	swait.ge [sflag:s29], $0x4000  }
0x5b: {  	[sflag:s29] =	ssyncset.done $0x0  }
0x5c: {  	[sflag:s29] =	ssyncadd.s32 $0xFFFFC000  }
0x5d: {  	_ =	swait.ge [sflag:s30], $0x80  }
0x5e: {  	[sflag:s30] =	ssyncset.done $0x0  }
0x5f: {  	[sflag:s30] =	ssyncadd.s32 $0xFFFFFF80  }
0x60: {  	_ =	swait.ge [sflag:s30], $0x80  }
0x61: {  	[sflag:s30] =	ssyncset.done $0x0  }
0x62: {  	[sflag:s30] =	ssyncadd.s32 $0xFFFFFF80  }
0x63: {  	[tilespmem:s31], [sflag:$0x4] =	stream.indirect.gather [hbm4b:s6+s26], $0x80, s24, s26, $0xb8;
	[tilespmem:$0x1BB00] =	vst v63  }
0x64: {  	_ = 	snop  }
0x65: {  	[spmem:s4] =	stream.indirect.scatter.add.f32 [tilespmem:s28], [sflag:$0x5], $0x80, s22, s26, $0xb8;
	[tilespmem:$0x1BB00] =	vst v63  }
0x66: {  	_ =	swait.ge [sflag:s2], $0x4000  }
0x67: {  	s14 =	sshrl.u32 s12, $0x3;
	[sflag:s2] =	ssyncset.done $0x0  }
0x68: {  	s15 =	sadd.s32 s1, s14;
	[sflag:s2] =	ssyncadd.s32 $0xFFFFC000  }
0x69: {  	[tilespmem:s21], [sflag:$0x1] =	stream.linear.gather [hbm4b:s15+s5], $0x80, $0x38;
	[tilespmem:$0x1BB00] =	vst v63  }
0x6a: {  	s14 =	sadd.s32 s3, s14  }
0x6b: {  	[tilespmem:s22], [sflag:$0x1] =	stream.linear.gather [hbm4b:s14+s5], $0x80, $0x38;
	[tilespmem:$0x1BB00] =	vst v63  }
0x6c: {  	_ =	swait.ge [sflag:s0], $0x4000  }
0x6d: {  	[sflag:s0] =	ssyncset.done $0x0  }
0x6e: {  	[sflag:s0] =	ssyncadd.s32 $0xFFFFC000  }
0x6f: {  	_ =	swait.ge [sflag:s23], $0x80  }
0x70: {  	[sflag:s23] =	ssyncset.done $0x0  }
0x71: {  	[sflag:s23] =	ssyncadd.s32 $0xFFFFFF80  }
0x72: {  	_ =	swait.ge [sflag:s23], $0x80  }
0x73: {  	[sflag:s23] =	ssyncset.done $0x0  }
0x74: {  	[sflag:s23] =	ssyncadd.s32 $0xFFFFFF80  }
0x75: {  	[tilespmem:s28], [sflag:$0x3] =	stream.indirect.gather [hbm4b:s6+s26], $0x80, s21, s26, $0xb8;
	[tilespmem:$0x1BB00] =	vst v63  }
0x76: {  	_ = 	snop  }
0x77: {  	[spmem:s4] =	stream.indirect.scatter.add.f32 [tilespmem:s31], [sflag:$0x5], $0x80, s25, s26, $0xb8;
	[tilespmem:$0x1BB00] =	vst v63  }
.Ltmp0:
0x78: {  	_ =	swait.ge [sflag:s2], $0x4000;
	(pc) =	sbr.rel @p1 .LBB2_2-.Ltmp0, $4  }
0x79: {  	[sflag:s2] =	ssyncset.done $0x0  }
0x7a: {  	s14 =	sadd.s32 s13, s19;
	[sflag:s2] =	ssyncadd.s32 $0xFFFFC000  }
0x7b: {  	[tilespmem:s24], [sflag:$0x2] =	stream.linear.gather [hbm4b:s14+s5], $0x80, $0x38;
	[tilespmem:$0x1BB00] =	vst v63  }
0x7c: {  	s12 =	sadd.s32 $0x100, s12;
	s13 =	sadd.s32 s13, s18  }
0x7d: {  	[tilespmem:s25], [sflag:$0x2] =	stream.linear.gather [hbm4b:s13+s5], $0x80, $0x38;
	[tilespmem:$0x1BB00] =	vst v63  }
0x7e: {  	_ =	swait.ge [sflag:s29], $0x4000  }
0x7f: {  	[sflag:s29] =	ssyncset.done $0x0  }
0x80: {  	[sflag:s29] =	ssyncadd.s32 $0xFFFFC000  }
0x81: {  	_ =	swait.ge [sflag:s30], $0x80  }
0x82: {  	[sflag:s30] =	ssyncset.done $0x0  }
0x83: {  	[sflag:s30] =	ssyncadd.s32 $0xFFFFFF80  }
0x84: {  	_ =	swait.ge [sflag:s30], $0x80  }
0x85: {  	[sflag:s30] =	ssyncset.done $0x0  }
0x86: {  	[sflag:s30] =	ssyncadd.s32 $0xFFFFFF80  }
0x87: {  	[tilespmem:s31], [sflag:$0x4] =	stream.indirect.gather [hbm4b:s6+s26], $0x80, s24, s26, $0xb8;
	[tilespmem:$0x1BB00] =	vst v63  }
0x88: {  	_ = 	snop  }
0x89: {  	[spmem:s4] =	stream.indirect.scatter.add.f32 [tilespmem:s28], [sflag:$0x5], $0x80, s22, s26, $0xb8;
	[tilespmem:$0x1BB00] =	vst v63  }
0x8a: {  	_ =	swait.ge [sflag:s2], $0x4000  }
0x8b: {  	[sflag:s2] =	ssyncset.done $0x0  }
0x8c: {  	[sflag:s2] =	ssyncadd.s32 $0xFFFFC000  }
0x8d: {  	_ =	swait.ge [sflag:s0], $0x4000  }
0x8e: {  	[sflag:s0] =	ssyncset.done $0x0  }
0x8f: {  	[sflag:s0] =	ssyncadd.s32 $0xFFFFC000  }
0x90: {  	[spmem:s4] =	stream.indirect.scatter.add.f32 [tilespmem:s31], [sflag:$0x5], $0x80, s25, s26, $0xb8;
	[tilespmem:$0x1BB00] =	vst v63  }
0x91: {  	_ =	swait.ge [sflag:s2], $0x4000  }
0x92: {  	[sflag:s2] =	ssyncset.done $0x0  }
0x93: {  	[sflag:s2] =	ssyncadd.s32 $0xFFFFC000  }
0x94: {  	s11 =	simm.s32 @p0 $0x1FC5;
	[bflag:$0x0] =	sbarrier.arrive $0xFFFF  }
0x95: {  	[hbm:s16], [sflag:s11] =	dma.local @p0 [spmem:s8], $0x2080  }
0x96: {  	s8 =	simm.s32 @p0 $0x5  }
0x97: {  	_ =	swait.ge @p0 [sflag:s8], $0x2080  }
0x98: {  	s7 =	sadd.s32 $0x1, s7;
	[sflag:s8] =	ssyncset.done @p0 $0x0  }
0x99: {  	p1 =	sne.s32 s7, s17;
	[sflag:s8] =	ssyncadd.s32 @p0 $0xFFFFDF80;
	s8 =	rddreg [dreg:$0xd]  }
0x9a: {  	[hbm:s8], [sflag:s9] =	dma.local @!p0 [spmem:s10], $0x2780  }
.Ltmp1:
0x9b: {  	_ = 	snop;
	(pc) =	sbr.rel @p1 .LBB2_1-.Ltmp1, $4  }
0x9c: {  	s8 =	simm.s32 @!p0 $0x5  }
0x9d: {  	_ =	swait.ge @!p0 [sflag:s8], $0x2780  }
0x9e: {  	[sflag:s8] =	ssyncset.done @!p0 $0x0  }
0x9f: {  	[sflag:s8] =	ssyncadd.s32 @!p0 $0xFFFFD880  }
0xa0: {  	_ =	sfence.sel $0x180000  }
0xa1: {  	[bflag:$0x0] =	sbarrier.arrive $0xFFFF  }
0xa2: {  	_ =	strace $0x9000004A  }
0xa3: {  	s0 =	stileid.u32;
	[bflag:$0x2] =	sbarrier.arrive $0xFFFF  }
0xa4: {  	p0 =	sne.s32 s0, $0x0;
	s0 =	rddreg [dreg:$0x4]  }
0xa5: {  	s0 =	sadd.s32 @!p0 $0x100000, s0  }
0xa6: {  	[sflag:s0] =	ssyncadd.tile.s32 @!p0 $0x1;
	_ =	shalt  }
.Lfunc_end2:
_tile_overlayer_lowered:
.L_overlay_start_2:
0xa7: {  	(tag) =	ssettag $0x2  }
0xa8: {  	s0 =	rddreg [dreg:$0x0];
	s2 =	stileid.u32  }
0xa9: {  	s1 =	rddreg [dreg:$0x1];
	p0 =	sne.s32 s2, $0x0  }
0xaa: {  	s3 =	rddreg [dreg:$0x2];
	[bflag:$0x3] =	sbarrier.arrive $0xFFFF;
	s2 =	simm.s32 @!p0 $0x1C05  }
0xab: {  	[timem:s3], [sflag:s2] =	dma.local @!p0 [hbm:s0], s1  }
0xac: {  	s0 =	simm.s32 @!p0 $0x5  }
0xad: {  	_ =	swait.ge @!p0 [sflag:s0], s1  }
0xae: {  	s1 =	ssub.s32 @!p0 $0x0, s1;
	[sflag:s0] =	ssyncset.done @!p0 $0x0  }
0xaf: {  	[sflag:s0] =	ssyncadd.s32 @!p0 s1  }
0xb0: {  	[bflag:$0x3] =	sbarrier.arrive $0xFFFF  }
0xb1: {  	_ =	shalt  }

// kernel: kernel.20.cloned.1.call-start
scs
__scs_entry_jumppad:
0x0: {  	(pc) =	sbr.rel $0x88, $3  }
0x1: {  	(tag) =	ssettag $0x0;
	lr =	simm.s32 $0x1  }
0x2: {  	[smem:$0x3F75] =	sst lr;
	_ =	strace $0xD0000000  }
0x3: {  	_ = 	snop  }
0x4: {  	_ = 	snop  }
0x5: {  	_ = 	snop  }
0x6: {  	_ = 	snop  }
0x7: {  	_ = 	snop  }
__scs_overlays_trampoline_lowered:
0x8: {  	[smem:$0x3F84] =	sst s0  }
0x9: {  	[smem:$0x3F85] =	sst s1  }
0xa: {  	[smem:$0x3F86] =	sst s2  }
0xb: {  	[smem:$0x3F87] =	sst s3  }
0xc: {  	[smem:$0x3F88] =	sst s4  }
0xd: {  	[smem:$0x3F89] =	sst s5  }
0xe: {  	[smem:$0x3F8A] =	sst s6  }
0xf: {  	[smem:$0x3F8B] =	sst s7  }
0x10: {  	[smem:$0x3F8C] =	sst s8  }
0x11: {  	[smem:$0x3F8D] =	sst s9;
	s0 =	simm.s32 @!p0 $0x0  }
0x12: {  	s1 =	sld [smem:$0x3F73];
	s0 =	simm.s32 @p0 $0x1  }
0x13: {  	[smem:$0x3F8E] =	sst s0;
	s0 =	simm.s32 @!p1 $0x0  }
0x14: {  	s2 =	sld [smem:$0x3F72];
	s0 =	simm.s32 @p1 $0x1  }
0x15: {  	[smem:$0x3F8F] =	sst s0;
	s0 =	simm.s32 @!p2 $0x0  }
0x16: {  	s3 =	sld [smem:$0x3FDB];
	s0 =	simm.s32 @p2 $0x1  }
0x17: {  	s4 =	simm.s32 $0x1BF5;
	[smem:$0x3F91] =	sst s0  }
0x18: {  	s0 =	sld [smem:$0x3F74];
	_ =	swait.ge [sflag:s4], $0x0  }
0x19: {  	s7 =	sld [smem:$0x3F75]  }
0x1a: {  	s8 =	sadd.s32 $0xFFFFE003, lr  }
0x1b: {  	s9 =	sadd.s32 $0xFFFFFEF7, lr;
	s5 =	simm.s32 $0xFFFFFFFF;
	p2 =	slt.u32 s8, $0xFFFFF086  }
0x1c: {  	p1 =	slt.u32 s9, $0xF7A;
	s5 =	simm.s32 @!p2 $0x0  }
0x1d: {  	s5 =	simm.s32 @p1 $0x1;
	p0 =	seq.s32 s7, s2  }
0x1e: {  	s7 =	smul.u32 @!p0 $0xF7A, s2;
	p2 =	seq.s32 @!p0 s5, $0x0  }
0x1f: {  	s9 =	smul.u32 $0xF7A, s1;
	s8 =	simm.s32 @!p0 $0x1BF5;
	p2 =	por !p2, p0  }
0x20: {  	[sflag:s8] =	ssyncset.s32 @!p0 $0xFFFFF086;
	s6 =	sadd.s32 @!p0 s3, s7;
	s7 =	simm.s32 @!p0 $0x108  }
0x21: {  	s3 =	sadd.s32 s3, s9;
	s6 =	sadd.s32 @!p0 $0x88, s6;
	s7 =	simm.s32 @p2 $0x1082  }
0x22: {  	[simem:s7], [sflag:s8] =	dma.local @!p0 [hbm:s6], $0xF7A  }
0x23: {  	s9 =	sor.u32 $0xD0000000, s2;
	s6 =	simm.s32 $0x108;
	_ =	swait.ge @!p0 [sflag:s8], $0x0  }
0x24: {  	s3 =	sadd.s32 $0x88, s3;
	s6 =	simm.s32 @!p1 $0x1082;
	[sflag:s4] =	ssyncset.s32 $0xFFFFF086  }
0x25: {  	[simem:s6], [sflag:s4] =	dma.local [hbm:s3], $0xF7A  }
0x26: {  	[smem:$0x3F75] =	sst s1;
	(tag) =	ssettag s2;
	_ =	strace s9  }
0x27: {  	s1 =	sld [smem:$0x3F85]  }
0x28: {  	s2 =	sld [smem:$0x3F86]  }
0x29: {  	s4 =	sld [smem:$0x3F88]  }
0x2a: {  	p0 =	seq.s32 s5, $0x0;
	s5 =	sld [smem:$0x3F89]  }
0x2b: {  	s6 =	sld [smem:$0x3F8A]  }
0x2c: {  	s7 =	sld [smem:$0x3F8B]  }
0x2d: {  	s3 =	simm.s32 $0x108;
	s8 =	sld [smem:$0x3F8C]  }
0x2e: {  	s3 =	simm.s32 @!p0 $0x1082;
	s9 =	sld [smem:$0x3F8D]  }
0x2f: {  	lr =	sadd.s32 s0, s3;
	s0 =	sld [smem:$0x3F84]  }
0x30: {  	s3 =	sld [smem:$0x3F87]  }
0x31: {  	[smem:$0x3F90] =	sst s10  }
0x32: {  	s10 =	sld [smem:$0x3F8E];
	_ =	sdelay $0x3  }
0x33: {  	p0 =	seq.s32 s10, $0x1;
	s10 =	sld [smem:$0x3F90];
	_ =	sdelay $0x3  }
0x34: {  	[smem:$0x3F90] =	sst s10  }
0x35: {  	s10 =	sld [smem:$0x3F8F];
	_ =	sdelay $0x3  }
0x36: {  	p1 =	seq.s32 s10, $0x1;
	s10 =	sld [smem:$0x3F90];
	_ =	sdelay $0x3  }
0x37: {  	[smem:$0x3F90] =	sst s10  }
0x38: {  	s10 =	sld [smem:$0x3F91]  }
0x39: {  	_ = 	snop;
	(pc) =	sbr.ind lr, $3  }
0x3a: {  	_ = 	snop  }
0x3b: {  	_ = 	snop  }
0x3c: {  	p2 =	seq.s32 s10, $0x1;
	s10 =	sld [smem:$0x3F90]  }
0x3d: {  	_ =	shalt  }
0x3e: {  	_ =	shalt  }
0x3f: {  	_ =	shalt  }
0x40: {  	_ =	shalt  }
0x41: {  	_ =	shalt  }
0x42: {  	_ =	shalt  }
0x43: {  	_ =	shalt  }
0x44: {  	_ =	shalt  }
0x45: {  	_ =	shalt  }
0x46: {  	_ =	shalt  }
0x47: {  	_ =	shalt  }
0x48: {  	_ =	shalt  }
0x49: {  	_ =	shalt  }
0x4a: {  	_ =	shalt  }
0x4b: {  	_ =	shalt  }
0x4c: {  	_ =	shalt  }
0x4d: {  	_ =	shalt  }
0x4e: {  	_ =	shalt  }
0x4f: {  	_ =	shalt  }
0x50: {  	_ =	shalt  }
0x51: {  	_ =	shalt  }
0x52: {  	_ =	shalt  }
0x53: {  	_ =	shalt  }
0x54: {  	_ =	shalt  }
0x55: {  	_ =	shalt  }
0x56: {  	_ =	shalt  }
0x57: {  	_ =	shalt  }
0x58: {  	_ =	shalt  }
0x59: {  	_ =	shalt  }
0x5a: {  	_ =	shalt  }
0x5b: {  	_ =	shalt  }
0x5c: {  	_ =	shalt  }
0x5d: {  	_ =	shalt  }
0x5e: {  	_ =	shalt  }
0x5f: {  	_ =	shalt  }
0x60: {  	_ =	shalt  }
0x61: {  	_ =	shalt  }
0x62: {  	_ =	shalt  }
0x63: {  	_ =	shalt  }
0x64: {  	_ =	shalt  }
0x65: {  	_ =	shalt  }
0x66: {  	_ =	shalt  }
0x67: {  	_ =	shalt  }
0x68: {  	_ =	shalt  }
0x69: {  	_ =	shalt  }
0x6a: {  	_ =	shalt  }
0x6b: {  	_ =	shalt  }
0x6c: {  	_ =	shalt  }
0x6d: {  	_ =	shalt  }
0x6e: {  	_ =	shalt  }
0x6f: {  	_ =	shalt  }
0x70: {  	_ =	shalt  }
0x71: {  	_ =	shalt  }
0x72: {  	_ =	shalt  }
0x73: {  	_ =	shalt  }
0x74: {  	_ =	shalt  }
0x75: {  	_ =	shalt  }
0x76: {  	_ =	shalt  }
0x77: {  	_ =	shalt  }
0x78: {  	_ =	shalt  }
0x79: {  	_ =	shalt  }
0x7a: {  	_ =	shalt  }
0x7b: {  	_ =	shalt  }
0x7c: {  	_ =	shalt  }
0x7d: {  	_ =	shalt  }
0x7e: {  	_ =	shalt  }
0x7f: {  	_ =	shalt  }
0x80: {  	_ =	shalt  }
0x81: {  	_ =	shalt  }
0x82: {  	_ =	shalt  }
0x83: {  	_ =	shalt  }
0x84: {  	_ =	shalt  }
0x85: {  	_ =	shalt  }
0x86: {  	_ =	shalt  }
0x87: {  	_ =	shalt  }
.Lfunc_end0:
.L_simem_size_0:
called_computation.2_lowered:
.L_overlay_start_0:
0x88: {  	s2 =	sld [smem:$0x3FD9]  }
0x89: {  	s3 =	sld [smem:$0x3FFE];
	_ =	sdelay $0x1  }
0x8a: {  	s1 =	srdreg.scid  }
0x8b: {  	s0 =	sand.u32 $0x1, s1  }
0x8c: {  	s14 =	sshll.u32 s0, $0xA;
	s2 =	sadd.s32 s3, s2  }
0x8d: {  	s2 =	sadd.s32 s2, s14  }
0x8e: {  	[smem:$0x3F9C] =	sst s2  }
0x8f: {  	_ = 	snop  }
0x90: {  	s2 =	sld [smem:$0x3FD0];
	_ =	sdelay $0x2  }
0x91: {  	s15 =	simm.s32 $0xA;
	s4 =	simm.s32 $0x10  }
0x92: {  	[smem:s4], [sflag:s15] =	dma.local [hbm:s2], $0x1  }
0x93: {  	_ =	swait.eq [sflag:s15], $0x1  }
0x94: {  	[sflag:s15] =	ssyncset.done $0x0  }
0x95: {  	s16 =	sld [smem:$0x10];
	[sflag:s15] =	ssyncadd.s32 $0xFFFFFFFF  }
0x96: {  	s17 =	sld [smem:$0x11];
	(tm) =	ssettm $0x1  }
0x97: {  	s18 =	sld [smem:$0x3FFB];
	_ =	sdelay $0x3  }
0x98: {  	_ =	strace s18  }
0x99: {  	s4 =	sld [smem:$0x3FFC];
	_ =	sdelay $0x3  }
0x9a: {  	_ =	strace s4  }
0x9b: {  	s4 =	sld [smem:$0x3FFD];
	_ =	sdelay $0x3  }
0x9c: {  	_ =	strace s4  }
0x9d: {  	_ =	strace $0x8FFFFFFF  }
0x9e: {  	s19 =	sld [smem:$0x3FDB];
	_ =	sdelay $0x1  }
0x9f: {  	s5 =	simm.s32 $_scs_section_size  }
0xa0: {  	s6 =	simm.s32 $_size__tile_overlayer_lowered;
	s7 =	simm.s32 $_tile_overlayer_lowered  }
0xa1: {  	s22 =	simm.s32 $0x1BFF;
	s21 =	sshll.u32 s7, $0x1;
	s4 =	sadd.s32 s5, s19  }
0xa2: {  	s8 =	simm.s32 $0x0;
	s20 =	sshll.u32 s6, $0x1;
	s6 =	sadd.s32 s21, s4  }
0xa3: {  	[timem:s8], [sflag:s22] =	dma.local [hbm:s6], s20  }
0xa4: {  	_ =	swait.ge [sflag:s22], s20  }
0xa5: {  	s5 =	ssub.s32 $0x0, s20;
	[sflag:s22] =	ssyncset.done $0x0  }
0xa6: {  	[sflag:s22] =	ssyncadd.s32 s5;
	_ =	sdelay $0x1  }
0xa7: {  	s23 =	simm.s32 $0x1B8B  }
0xa8: {  	_ =	swait.ge [sflag:s23], $0x1  }
0xa9: {  	[sflag:s23] =	ssyncset.done $0x0  }
0xaa: {  	s25 =	simm.s32 $0x1B8E;
	s24 =	sld [smem:$0x3FFE];
	[sflag:s23] =	ssyncadd.s32 $0xFFFFFFFF  }
0xab: {  	s26 =	simm.s32 $execute0_lowered;
	[smem:$0x3FD2] =	sst s25  }
0xac: {  	s6 =	sshll.u32 s26, $0x1;
	_ =	strace $0x8000004C;
	[dreg:$0x1] =	wrdreg $0xFFFFFFFF  }
0xad: {  	s28 =	simm.s32 $_size_execute0_lowered;
	s4 =	sadd.s32 s4, s6;
	[dreg:$0x0] =	wrdreg $0x0  }
0xae: {  	s6 =	sshll.u32 s28, $0x1;
	[dreg:$0x2] =	wrdreg s4  }
0xaf: {  	[dreg:$0x3] =	wrdreg s6  }
0xb0: {  	[dreg:$0x4] =	wrdreg $0xC0  }
0xb1: {  	_ =	task [dreg:s8], $0x5FFFF  }
0xb2: {  	[dreg:$0x1] =	wrdreg $0xFFFFFFFF  }
0xb3: {  	[dreg:$0x0] =	wrdreg $0x60  }
0xb4: {  	[dreg:$0x2] =	wrdreg s24  }
0xb5: {  	[dreg:$0x3] =	wrdreg s16  }
0xb6: {  	[dreg:$0x4] =	wrdreg s17  }
0xb7: {  	[dreg:$0x5] =	wrdreg $0x0  }
0xb8: {  	[dreg:$0x6] =	wrdreg $0x9  }
0xb9: {  	_ =	task.clear_ibuf [dreg:s8], $0x7FFFF;
	_ =	strace $0x9000004C  }
0xba: {  	s29 =	simm.s32 $0x9;
	_ =	strace $0x8000004E  }
0xbb: {  	_ =	swait.ge [sflag:s29], $0x1  }
0xbc: {  	[sflag:s29] =	ssyncadd.s32 $0xFFFFFFFF  }
0xbd: {  	_ =	strace $0x9000004E  }
0xbe: {  	_ =	sfence  }
0xbf: {  	s30 =	sld [smem:$0x0];
	_ =	sdelay $0x2  }
0xc0: {  	s31 =	sshll.u32 s1, $0xD;
	s1 =	sshrl.u32 s1, $0x2  }
0xc1: {  	s3 =	sand.u32 $0x4000, s31;
	s1 =	sadd.s32 s1, s30  }
0xc2: {  	s0 =	sor.u32 s3, s0;
	s1 =	sshll.u32 s1, $0x11  }
0xc3: {  	s0 =	sor.u32 s1, s0  }
0xc4: {  	s0 =	sadd.s32 $0x8F2B, s0  }
0xc5: {  	[sflag:s0] =	ssyncadd.remote.s32 $0x1  }
0xc6: {  	_ =	sfence.sel $0xFFFF  }
0xc7: {  	[dreg:$0x0] =	wrdreg $0xFFFFFFFF;
	(pc) =	sbr.abs _section_cstart, $3  }
0xc8: {  	[dreg:$0x1] =	wrdreg $0xFFFFFFFF  }
0xc9: {  	_ =	task.clear_ibuf [dreg:s8], $0x2FFFF;
	_ =	strace $0x9FFFFFFF  }
0xca: {  	(tm) =	ssettm $0x7FFFFFFF  }
0xcb: {  	_ =	shalt  }
tec
execute0_lowered:
.L_overlay_start_1:
0x0: {  	(tag) =	ssettag $0x1  }
0x1: {  	s0 =	rddreg [dreg:$0x0]  }
0x2: {  	s1 =	rddreg [dreg:$0x1]  }
0x3: {  	s2 =	srdreg.scid;
	s3 =	rddreg [dreg:$0x2]  }
0x4: {  	s14 =	stileid.u32;
	s4 =	rddreg [dreg:$0x3];
	s5 =	simm.s32 $0x0  }
0x5: {  	s28 =	simm.s32 $0x13B00;
	s29 =	simm.s32 $0x3;
	s8 =	smul.u32 $0x4F00, s14  }
0x6: {  	s30 =	simm.s32 $0x2;
	s31 =	simm.s32 $0x17B00;
	s9 =	smul.u32 $0x4F000, s14  }
0x7: {  	s2 =	sand.u32 $0x1, s2;
	[smem:$0x7FF] =	sst s5;
	s12 =	smul.u32 $0x2780, s14  }
0x8: {  	s6 =	sadd.s32 $0x8400, s0;
	s0 =	sadd.s32 $0xA4800, s0;
	s7 =	smul.u32 $0x4F000, s2  }
0x9: {  	s19 =	sadd.s32 $0x128400, s4;
	p0 =	seq.s32 s14, $0xF;
	s10 =	smul.u32 $0x27100, s2  }
0xa: {  	_ =	strace $0x8000004D;
	s11 =	ssub.s32 $0x2, s2;
	s2 =	smul.u32 $0x138800, s2  }
0xb: {  	[dreg:$0x7] =	wrdreg s19;
	s13 =	sshrl.u32 s11, $0x1;
	s16 =	sshrl.u32 s9, $0x2  }
0xc: {  	s11 =	ssub.s32 s11, s13;
	s7 =	sadd.s32 s8, s7;
	s8 =	sadd.s32 s16, s4  }
0xd: {  	s17 =	sadd.s32 s12, s10;
	s2 =	sshrl.u32 s2, $0x3;
	[dreg:$0x5] =	wrdreg s8  }
0xe: {  	s18 =	sadd.s32 s6, s17;
	s2 =	sadd.s32 $0x25080, s2;
	s21 =	sshrl.u32 s7, $0x3  }
0xf: {  	s25 =	sadd.s32 $0x180, s7;
	s9 =	sadd.s32 s0, s17;
	s17 =	smax.u32 s11, $0x1  }
0x10: {  	[dreg:$0x6] =	wrdreg s18;
	s20 =	sadd.s32 s6, s2;
	s22 =	sadd.s32 s1, s21  }
0x11: {  	s23 =	sadd.s32 s3, s21;
	s8 =	sor.u32 $0x10, s21;
	[dreg:$0xd] =	wrdreg s9  }
0x12: {  	s16 =	sadd.s32 s0, s2;
	s26 =	sshrl.u32 s25, $0x3;
	[dreg:$0x8] =	wrdreg s20  }
0x13: {  	s21 =	simm.s32 $0x13900;
	s25 =	simm.s32 $0x13A80;
	[dreg:$0x9] =	wrdreg s22  }
0x14: {  	s2 =	simm.s32 $0x5;
	s0 =	simm.s32 $0x4;
	[dreg:$0xa] =	wrdreg s23  }
0x15: {  	s24 =	sadd.s32 s1, s8;
	s8 =	sadd.s32 s3, s8;
	s18 =	sadd.s32 s26, s3  }
0x16: {  	s19 =	sadd.s32 s26, s1;
	s20 =	sadd.s32 $0x100, s7;
	s22 =	simm.s32 $0x13980  }
0x17: {  	s23 =	simm.s32 $0x1;
	s26 =	simm.s32 $0x80;
	[dreg:$0xb] =	wrdreg s24  }
0x18: {  	s7 =	simm.s32 $0x0;
	[dreg:$0xc] =	wrdreg s8;
	s24 =	simm.s32 $0x13A00  }
.LBB2_1:
0x19: {  	s8 =	rddreg [dreg:$0x7]  }
0x1a: {  	s9 =	simm.s32 @p0 $0x1FC5;
	s10 =	rddreg [dreg:$0x8];
	s8 =	sshrl.u32 @p0 s8, $0x3  }
0x1b: {  	[spmem:s8], [sflag:s9] =	dma.local @p0 [hbm:s10], $0x2080  }
0x1c: {  	s9 =	simm.s32 @p0 $0x5  }
0x1d: {  	s10 =	stileid.u32;
	_ =	swait.ge @p0 [sflag:s9], $0x2080  }
0x1e: {  	s10 =	sshll.u32 @!p0 s10, $0x6;
	[sflag:s9] =	ssyncset.done @p0 $0x0  }
0x1f: {  	[sflag:s9] =	ssyncadd.s32 @p0 $0xFFFFDF80;
	s9 =	sor.u32 @!p0 $0x1C05, s10;
	s10 =	rddreg [dreg:$0x5]  }
0x20: {  	s11 =	rddreg [dreg:$0x6];
	s10 =	sshrl.u32 @!p0 s10, $0x3  }
0x21: {  	[spmem:s10], [sflag:s9] =	dma.local @!p0 [hbm:s11], $0x2780  }
0x22: {  	s11 =	simm.s32 @!p0 $0x5  }
0x23: {  	_ =	swait.ge @!p0 [sflag:s11], $0x2780  }
0x24: {  	[sflag:s11] =	ssyncset.done @!p0 $0x0  }
0x25: {  	[sflag:s11] =	ssyncadd.s32 @!p0 $0xFFFFD880  }
0x26: {  	[bflag:$0x0] =	sbarrier.arrive $0xFFFF  }
0x27: {  	s14 =	rddreg [dreg:$0x9]  }
0x28: {  	[tilespmem:s21], [sflag:$0x1] =	stream.linear.gather [hbm4b:s14+s5], $0x80, $0x38;
	[tilespmem:$0x1BB00] =	vst v63  }
0x29: {  	s15 =	rddreg [dreg:$0xa]  }
0x2a: {  	[tilespmem:s22], [sflag:$0x1] =	stream.linear.gather [hbm4b:s15+s5], $0x80, $0x38;
	[tilespmem:$0x1BB00] =	vst v63  }
0x2b: {  	_ =	swait.ge [sflag:s23], $0x80  }
0x2c: {  	[sflag:s23] =	ssyncset.done $0x0  }
0x2d: {  	[sflag:s23] =	ssyncadd.s32 $0xFFFFFF80  }
0x2e: {  	_ =	swait.ge [sflag:s23], $0x80  }
0x2f: {  	[sflag:s23] =	ssyncset.done $0x0  }
0x30: {  	s12 =	rddreg [dreg:$0xb];
	[sflag:s23] =	ssyncadd.s32 $0xFFFFFF80  }
0x31: {  	[tilespmem:s24], [sflag:$0x2] =	stream.linear.gather [hbm4b:s12+s5], $0x80, $0x38;
	[tilespmem:$0x1BB00] =	vst v63  }
0x32: {  	s13 =	rddreg [dreg:$0xc]  }
0x33: {  	[tilespmem:s25], [sflag:$0x2] =	stream.linear.gather [hbm4b:s13+s5], $0x80, $0x38;
	[tilespmem:$0x1BB00] =	vst v63  }
0x34: {  	_ = 	snop  }
0x35: {  	[tilespmem:s28], [sflag:$0x3] =	stream.indirect.gather [hbm4b:s6+s26], $0x80, s21, s26, $0xb8;
	[tilespmem:$0x1BB00] =	vst v63  }
0x36: {  	_ =	swait.ge [sflag:s29], $0x4000  }
0x37: {  	[sflag:s29] =	ssyncset.done $0x0  }
0x38: {  	[sflag:s29] =	ssyncadd.s32 $0xFFFFC000  }
0x39: {  	_ =	swait.ge [sflag:s30], $0x80  }
0x3a: {  	[sflag:s30] =	ssyncset.done $0x0  }
0x3b: {  	[sflag:s30] =	ssyncadd.s32 $0xFFFFFF80  }
0x3c: {  	_ =	swait.ge [sflag:s30], $0x80  }
0x3d: {  	[sflag:s30] =	ssyncset.done $0x0  }
0x3e: {  	[sflag:s30] =	ssyncadd.s32 $0xFFFFFF80  }
0x3f: {  	[tilespmem:s31], [sflag:$0x4] =	stream.indirect.gather [hbm4b:s6+s26], $0x80, s24, s26, $0xb8;
	[tilespmem:$0x1BB00] =	vst v63  }
0x40: {  	_ = 	snop  }
0x41: {  	[spmem:s4] =	stream.indirect.scatter.add.f32 [tilespmem:s28], [sflag:$0x5], $0x80, s22, s26, $0xb8;
	[tilespmem:$0x1BB00] =	vst v63  }
0x42: {  	_ =	swait.ge [sflag:s2], $0x4000  }
0x43: {  	s14 =	sshrl.u32 s20, $0x3;
	[sflag:s2] =	ssyncset.done $0x0  }
0x44: {  	s12 =	sadd.s32 s1, s14;
	[sflag:s2] =	ssyncadd.s32 $0xFFFFC000  }
0x45: {  	[tilespmem:s21], [sflag:$0x1] =	stream.linear.gather [hbm4b:s12+s5], $0x80, $0x38;
	[tilespmem:$0x1BB00] =	vst v63  }
0x46: {  	s11 =	sadd.s32 s3, s14  }
0x47: {  	[tilespmem:s22], [sflag:$0x1] =	stream.linear.gather [hbm4b:s11+s5], $0x80, $0x38;
	[tilespmem:$0x1BB00] =	vst v63  }
0x48: {  	_ =	swait.ge [sflag:s0], $0x4000  }
0x49: {  	[sflag:s0] =	ssyncset.done $0x0  }
0x4a: {  	[sflag:s0] =	ssyncadd.s32 $0xFFFFC000  }
0x4b: {  	_ =	swait.ge [sflag:s23], $0x80  }
0x4c: {  	[sflag:s23] =	ssyncset.done $0x0  }
0x4d: {  	[sflag:s23] =	ssyncadd.s32 $0xFFFFFF80  }
0x4e: {  	_ =	swait.ge [sflag:s23], $0x80  }
0x4f: {  	[sflag:s23] =	ssyncset.done $0x0  }
0x50: {  	[sflag:s23] =	ssyncadd.s32 $0xFFFFFF80  }
0x51: {  	[tilespmem:s28], [sflag:$0x3] =	stream.indirect.gather [hbm4b:s6+s26], $0x80, s21, s26, $0xb8;
	[tilespmem:$0x1BB00] =	vst v63  }
0x52: {  	_ = 	snop  }
0x53: {  	[spmem:s4] =	stream.indirect.scatter.add.f32 [tilespmem:s31], [sflag:$0x5], $0x80, s25, s26, $0xb8;
	[tilespmem:$0x1BB00] =	vst v63  }
0x54: {  	_ =	swait.ge [sflag:s2], $0x4000  }
0x55: {  	s15 =	sadd.s32 $0x0, s19;
	s13 =	sadd.s32 $0x0, s18;
	[sflag:s2] =	ssyncset.done $0x0  }
0x56: {  	s12 =	sadd.s32 $0x100, s20;
	s11 =	simm.s32 $0x20;
	[sflag:s2] =	ssyncadd.s32 $0xFFFFC000  }
0x57: {  	[tilespmem:s24], [sflag:$0x2] =	stream.linear.gather [hbm4b:s15+s5], $0x80, $0x38;
	[tilespmem:$0x1BB00] =	vst v63  }
.LBB2_2:
0x58: {  	[tilespmem:s25], [sflag:$0x2] =	stream.linear.gather [hbm4b:s13+s5], $0x80, $0x38;
	[tilespmem:$0x1BB00] =	vst v63  }
0x59: {  	s13 =	smov.u32 s11  }
0x5a: {  	p1 =	sne.s32 s11, $0x9A0;
	s11 =	sadd.s32 $0x20, s11;
	_ =	swait.ge [sflag:s29], $0x4000  }
0x5b: {  	[sflag:s29] =	ssyncset.done $0x0  }
0x5c: {  	[sflag:s29] =	ssyncadd.s32 $0xFFFFC000  }
0x5d: {  	_ =	swait.ge [sflag:s30], $0x80  }
0x5e: {  	[sflag:s30] =	ssyncset.done $0x0  }
0x5f: {  	[sflag:s30] =	ssyncadd.s32 $0xFFFFFF80  }
0x60: {  	_ =	swait.ge [sflag:s30], $0x80  }
0x61: {  	[sflag:s30] =	ssyncset.done $0x0  }
0x62: {  	[sflag:s30] =	ssyncadd.s32 $0xFFFFFF80  }
0x63: {  	[tilespmem:s31], [sflag:$0x4] =	stream.indirect.gather [hbm4b:s6+s26], $0x80, s24, s26, $0xb8;
	[tilespmem:$0x1BB00] =	vst v63  }
0x64: {  	_ = 	snop  }
0x65: {  	[spmem:s4] =	stream.indirect.scatter.add.f32 [tilespmem:s28], [sflag:$0x5], $0x80, s22, s26, $0xb8;
	[tilespmem:$0x1BB00] =	vst v63  }
0x66: {  	_ =	swait.ge [sflag:s2], $0x4000  }
0x67: {  	s14 =	sshrl.u32 s12, $0x3;
	[sflag:s2] =	ssyncset.done $0x0  }
0x68: {  	s15 =	sadd.s32 s1, s14;
	[sflag:s2] =	ssyncadd.s32 $0xFFFFC000  }
0x69: {  	[tilespmem:s21], [sflag:$0x1] =	stream.linear.gather [hbm4b:s15+s5], $0x80, $0x38;
	[tilespmem:$0x1BB00] =	vst v63  }
0x6a: {  	s14 =	sadd.s32 s3, s14  }
0x6b: {  	[tilespmem:s22], [sflag:$0x1] =	stream.linear.gather [hbm4b:s14+s5], $0x80, $0x38;
	[tilespmem:$0x1BB00] =	vst v63  }
0x6c: {  	_ =	swait.ge [sflag:s0], $0x4000  }
0x6d: {  	[sflag:s0] =	ssyncset.done $0x0  }
0x6e: {  	[sflag:s0] =	ssyncadd.s32 $0xFFFFC000  }
0x6f: {  	_ =	swait.ge [sflag:s23], $0x80  }
0x70: {  	[sflag:s23] =	ssyncset.done $0x0  }
0x71: {  	[sflag:s23] =	ssyncadd.s32 $0xFFFFFF80  }
0x72: {  	_ =	swait.ge [sflag:s23], $0x80  }
0x73: {  	[sflag:s23] =	ssyncset.done $0x0  }
0x74: {  	[sflag:s23] =	ssyncadd.s32 $0xFFFFFF80  }
0x75: {  	[tilespmem:s28], [sflag:$0x3] =	stream.indirect.gather [hbm4b:s6+s26], $0x80, s21, s26, $0xb8;
	[tilespmem:$0x1BB00] =	vst v63  }
0x76: {  	_ = 	snop  }
0x77: {  	[spmem:s4] =	stream.indirect.scatter.add.f32 [tilespmem:s31], [sflag:$0x5], $0x80, s25, s26, $0xb8;
	[tilespmem:$0x1BB00] =	vst v63  }
.Ltmp0:
0x78: {  	_ =	swait.ge [sflag:s2], $0x4000;
	(pc) =	sbr.rel @p1 .LBB2_2-.Ltmp0, $4  }
0x79: {  	[sflag:s2] =	ssyncset.done $0x0  }
0x7a: {  	s14 =	sadd.s32 s13, s19;
	[sflag:s2] =	ssyncadd.s32 $0xFFFFC000  }
0x7b: {  	[tilespmem:s24], [sflag:$0x2] =	stream.linear.gather [hbm4b:s14+s5], $0x80, $0x38;
	[tilespmem:$0x1BB00] =	vst v63  }
0x7c: {  	s12 =	sadd.s32 $0x100, s12;
	s13 =	sadd.s32 s13, s18  }
0x7d: {  	[tilespmem:s25], [sflag:$0x2] =	stream.linear.gather [hbm4b:s13+s5], $0x80, $0x38;
	[tilespmem:$0x1BB00] =	vst v63  }
0x7e: {  	_ =	swait.ge [sflag:s29], $0x4000  }
0x7f: {  	[sflag:s29] =	ssyncset.done $0x0  }
0x80: {  	[sflag:s29] =	ssyncadd.s32 $0xFFFFC000  }
0x81: {  	_ =	swait.ge [sflag:s30], $0x80  }
0x82: {  	[sflag:s30] =	ssyncset.done $0x0  }
0x83: {  	[sflag:s30] =	ssyncadd.s32 $0xFFFFFF80  }
0x84: {  	_ =	swait.ge [sflag:s30], $0x80  }
0x85: {  	[sflag:s30] =	ssyncset.done $0x0  }
0x86: {  	[sflag:s30] =	ssyncadd.s32 $0xFFFFFF80  }
0x87: {  	[tilespmem:s31], [sflag:$0x4] =	stream.indirect.gather [hbm4b:s6+s26], $0x80, s24, s26, $0xb8;
	[tilespmem:$0x1BB00] =	vst v63  }
0x88: {  	_ = 	snop  }
0x89: {  	[spmem:s4] =	stream.indirect.scatter.add.f32 [tilespmem:s28], [sflag:$0x5], $0x80, s22, s26, $0xb8;
	[tilespmem:$0x1BB00] =	vst v63  }
0x8a: {  	_ =	swait.ge [sflag:s2], $0x4000  }
0x8b: {  	[sflag:s2] =	ssyncset.done $0x0  }
0x8c: {  	[sflag:s2] =	ssyncadd.s32 $0xFFFFC000  }
0x8d: {  	_ =	swait.ge [sflag:s0], $0x4000  }
0x8e: {  	[sflag:s0] =	ssyncset.done $0x0  }
0x8f: {  	[sflag:s0] =	ssyncadd.s32 $0xFFFFC000  }
0x90: {  	[spmem:s4] =	stream.indirect.scatter.add.f32 [tilespmem:s31], [sflag:$0x5], $0x80, s25, s26, $0xb8;
	[tilespmem:$0x1BB00] =	vst v63  }
0x91: {  	_ =	swait.ge [sflag:s2], $0x4000  }
0x92: {  	[sflag:s2] =	ssyncset.done $0x0  }
0x93: {  	[sflag:s2] =	ssyncadd.s32 $0xFFFFC000  }
0x94: {  	s11 =	simm.s32 @p0 $0x1FC5;
	[bflag:$0x0] =	sbarrier.arrive $0xFFFF  }
0x95: {  	[hbm:s16], [sflag:s11] =	dma.local @p0 [spmem:s8], $0x2080  }
0x96: {  	s8 =	simm.s32 @p0 $0x5  }
0x97: {  	_ =	swait.ge @p0 [sflag:s8], $0x2080  }
0x98: {  	s7 =	sadd.s32 $0x1, s7;
	[sflag:s8] =	ssyncset.done @p0 $0x0  }
0x99: {  	p1 =	sne.s32 s7, s17;
	[sflag:s8] =	ssyncadd.s32 @p0 $0xFFFFDF80;
	s8 =	rddreg [dreg:$0xd]  }
0x9a: {  	[hbm:s8], [sflag:s9] =	dma.local @!p0 [spmem:s10], $0x2780  }
.Ltmp1:
0x9b: {  	_ = 	snop;
	(pc) =	sbr.rel @p1 .LBB2_1-.Ltmp1, $4  }
0x9c: {  	s8 =	simm.s32 @!p0 $0x5  }
0x9d: {  	_ =	swait.ge @!p0 [sflag:s8], $0x2780  }
0x9e: {  	[sflag:s8] =	ssyncset.done @!p0 $0x0  }
0x9f: {  	[sflag:s8] =	ssyncadd.s32 @!p0 $0xFFFFD880  }
0xa0: {  	_ =	sfence.sel $0x180000  }
0xa1: {  	[bflag:$0x0] =	sbarrier.arrive $0xFFFF  }
0xa2: {  	_ =	strace $0x9000004D  }
0xa3: {  	s0 =	stileid.u32;
	[bflag:$0x2] =	sbarrier.arrive $0xFFFF  }
0xa4: {  	p0 =	sne.s32 s0, $0x0;
	s0 =	rddreg [dreg:$0x4]  }
0xa5: {  	s0 =	sadd.s32 @!p0 $0x100000, s0  }
0xa6: {  	[sflag:s0] =	ssyncadd.tile.s32 @!p0 $0x1;
	_ =	shalt  }
.Lfunc_end2:
_tile_overlayer_lowered:
.L_overlay_start_2:
0xa7: {  	(tag) =	ssettag $0x2  }
0xa8: {  	s0 =	rddreg [dreg:$0x0];
	s2 =	stileid.u32  }
0xa9: {  	s1 =	rddreg [dreg:$0x1];
	p0 =	sne.s32 s2, $0x0  }
0xaa: {  	s3 =	rddreg [dreg:$0x2];
	[bflag:$0x3] =	sbarrier.arrive $0xFFFF;
	s2 =	simm.s32 @!p0 $0x1C05  }
0xab: {  	[timem:s3], [sflag:s2] =	dma.local @!p0 [hbm:s0], s1  }
0xac: {  	s0 =	simm.s32 @!p0 $0x5  }
0xad: {  	_ =	swait.ge @!p0 [sflag:s0], s1  }
0xae: {  	s1 =	ssub.s32 @!p0 $0x0, s1;
	[sflag:s0] =	ssyncset.done @!p0 $0x0  }
0xaf: {  	[sflag:s0] =	ssyncadd.s32 @!p0 s1  }
0xb0: {  	[bflag:$0x3] =	sbarrier.arrive $0xFFFF  }
0xb1: {  	_ =	shalt  }

// kernel: kernel.23.cloned.1.call-start
scs
__scs_entry_jumppad:
0x0: {  	(pc) =	sbr.rel $0x88, $3  }
0x1: {  	(tag) =	ssettag $0x0;
	lr =	simm.s32 $0x1  }
0x2: {  	[smem:$0x3F75] =	sst lr;
	_ =	strace $0xD0000000  }
0x3: {  	_ = 	snop  }
0x4: {  	_ = 	snop  }
0x5: {  	_ = 	snop  }
0x6: {  	_ = 	snop  }
0x7: {  	_ = 	snop  }
__scs_overlays_trampoline_lowered:
0x8: {  	[smem:$0x3F84] =	sst s0  }
0x9: {  	[smem:$0x3F85] =	sst s1  }
0xa: {  	[smem:$0x3F86] =	sst s2  }
0xb: {  	[smem:$0x3F87] =	sst s3  }
0xc: {  	[smem:$0x3F88] =	sst s4  }
0xd: {  	[smem:$0x3F89] =	sst s5  }
0xe: {  	[smem:$0x3F8A] =	sst s6  }
0xf: {  	[smem:$0x3F8B] =	sst s7  }
0x10: {  	[smem:$0x3F8C] =	sst s8  }
0x11: {  	[smem:$0x3F8D] =	sst s9;
	s0 =	simm.s32 @!p0 $0x0  }
0x12: {  	s1 =	sld [smem:$0x3F73];
	s0 =	simm.s32 @p0 $0x1  }
0x13: {  	[smem:$0x3F8E] =	sst s0;
	s0 =	simm.s32 @!p1 $0x0  }
0x14: {  	s2 =	sld [smem:$0x3F72];
	s0 =	simm.s32 @p1 $0x1  }
0x15: {  	[smem:$0x3F8F] =	sst s0;
	s0 =	simm.s32 @!p2 $0x0  }
0x16: {  	s3 =	sld [smem:$0x3FDB];
	s0 =	simm.s32 @p2 $0x1  }
0x17: {  	s4 =	simm.s32 $0x1BF5;
	[smem:$0x3F91] =	sst s0  }
0x18: {  	s0 =	sld [smem:$0x3F74];
	_ =	swait.ge [sflag:s4], $0x0  }
0x19: {  	s7 =	sld [smem:$0x3F75]  }
0x1a: {  	s8 =	sadd.s32 $0xFFFFE003, lr  }
0x1b: {  	s9 =	sadd.s32 $0xFFFFFEF7, lr;
	s5 =	simm.s32 $0xFFFFFFFF;
	p2 =	slt.u32 s8, $0xFFFFF086  }
0x1c: {  	p1 =	slt.u32 s9, $0xF7A;
	s5 =	simm.s32 @!p2 $0x0  }
0x1d: {  	s5 =	simm.s32 @p1 $0x1;
	p0 =	seq.s32 s7, s2  }
0x1e: {  	s7 =	smul.u32 @!p0 $0xF7A, s2;
	p2 =	seq.s32 @!p0 s5, $0x0  }
0x1f: {  	s9 =	smul.u32 $0xF7A, s1;
	s8 =	simm.s32 @!p0 $0x1BF5;
	p2 =	por !p2, p0  }
0x20: {  	[sflag:s8] =	ssyncset.s32 @!p0 $0xFFFFF086;
	s6 =	sadd.s32 @!p0 s3, s7;
	s7 =	simm.s32 @!p0 $0x108  }
0x21: {  	s3 =	sadd.s32 s3, s9;
	s6 =	sadd.s32 @!p0 $0x88, s6;
	s7 =	simm.s32 @p2 $0x1082  }
0x22: {  	[simem:s7], [sflag:s8] =	dma.local @!p0 [hbm:s6], $0xF7A  }
0x23: {  	s9 =	sor.u32 $0xD0000000, s2;
	s6 =	simm.s32 $0x108;
	_ =	swait.ge @!p0 [sflag:s8], $0x0  }
0x24: {  	s3 =	sadd.s32 $0x88, s3;
	s6 =	simm.s32 @!p1 $0x1082;
	[sflag:s4] =	ssyncset.s32 $0xFFFFF086  }
0x25: {  	[simem:s6], [sflag:s4] =	dma.local [hbm:s3], $0xF7A  }
0x26: {  	[smem:$0x3F75] =	sst s1;
	(tag) =	ssettag s2;
	_ =	strace s9  }
0x27: {  	s1 =	sld [smem:$0x3F85]  }
0x28: {  	s2 =	sld [smem:$0x3F86]  }
0x29: {  	s4 =	sld [smem:$0x3F88]  }
0x2a: {  	p0 =	seq.s32 s5, $0x0;
	s5 =	sld [smem:$0x3F89]  }
0x2b: {  	s6 =	sld [smem:$0x3F8A]  }
0x2c: {  	s7 =	sld [smem:$0x3F8B]  }
0x2d: {  	s3 =	simm.s32 $0x108;
	s8 =	sld [smem:$0x3F8C]  }
0x2e: {  	s3 =	simm.s32 @!p0 $0x1082;
	s9 =	sld [smem:$0x3F8D]  }
0x2f: {  	lr =	sadd.s32 s0, s3;
	s0 =	sld [smem:$0x3F84]  }
0x30: {  	s3 =	sld [smem:$0x3F87]  }
0x31: {  	[smem:$0x3F90] =	sst s10  }
0x32: {  	s10 =	sld [smem:$0x3F8E];
	_ =	sdelay $0x3  }
0x33: {  	p0 =	seq.s32 s10, $0x1;
	s10 =	sld [smem:$0x3F90];
	_ =	sdelay $0x3  }
0x34: {  	[smem:$0x3F90] =	sst s10  }
0x35: {  	s10 =	sld [smem:$0x3F8F];
	_ =	sdelay $0x3  }
0x36: {  	p1 =	seq.s32 s10, $0x1;
	s10 =	sld [smem:$0x3F90];
	_ =	sdelay $0x3  }
0x37: {  	[smem:$0x3F90] =	sst s10  }
0x38: {  	s10 =	sld [smem:$0x3F91]  }
0x39: {  	_ = 	snop;
	(pc) =	sbr.ind lr, $3  }
0x3a: {  	_ = 	snop  }
0x3b: {  	_ = 	snop  }
0x3c: {  	p2 =	seq.s32 s10, $0x1;
	s10 =	sld [smem:$0x3F90]  }
0x3d: {  	_ =	shalt  }
0x3e: {  	_ =	shalt  }
0x3f: {  	_ =	shalt  }
0x40: {  	_ =	shalt  }
0x41: {  	_ =	shalt  }
0x42: {  	_ =	shalt  }
0x43: {  	_ =	shalt  }
0x44: {  	_ =	shalt  }
0x45: {  	_ =	shalt  }
0x46: {  	_ =	shalt  }
0x47: {  	_ =	shalt  }
0x48: {  	_ =	shalt  }
0x49: {  	_ =	shalt  }
0x4a: {  	_ =	shalt  }
0x4b: {  	_ =	shalt  }
0x4c: {  	_ =	shalt  }
0x4d: {  	_ =	shalt  }
0x4e: {  	_ =	shalt  }
0x4f: {  	_ =	shalt  }
0x50: {  	_ =	shalt  }
0x51: {  	_ =	shalt  }
0x52: {  	_ =	shalt  }
0x53: {  	_ =	shalt  }
0x54: {  	_ =	shalt  }
0x55: {  	_ =	shalt  }
0x56: {  	_ =	shalt  }
0x57: {  	_ =	shalt  }
0x58: {  	_ =	shalt  }
0x59: {  	_ =	shalt  }
0x5a: {  	_ =	shalt  }
0x5b: {  	_ =	shalt  }
0x5c: {  	_ =	shalt  }
0x5d: {  	_ =	shalt  }
0x5e: {  	_ =	shalt  }
0x5f: {  	_ =	shalt  }
0x60: {  	_ =	shalt  }
0x61: {  	_ =	shalt  }
0x62: {  	_ =	shalt  }
0x63: {  	_ =	shalt  }
0x64: {  	_ =	shalt  }
0x65: {  	_ =	shalt  }
0x66: {  	_ =	shalt  }
0x67: {  	_ =	shalt  }
0x68: {  	_ =	shalt  }
0x69: {  	_ =	shalt  }
0x6a: {  	_ =	shalt  }
0x6b: {  	_ =	shalt  }
0x6c: {  	_ =	shalt  }
0x6d: {  	_ =	shalt  }
0x6e: {  	_ =	shalt  }
0x6f: {  	_ =	shalt  }
0x70: {  	_ =	shalt  }
0x71: {  	_ =	shalt  }
0x72: {  	_ =	shalt  }
0x73: {  	_ =	shalt  }
0x74: {  	_ =	shalt  }
0x75: {  	_ =	shalt  }
0x76: {  	_ =	shalt  }
0x77: {  	_ =	shalt  }
0x78: {  	_ =	shalt  }
0x79: {  	_ =	shalt  }
0x7a: {  	_ =	shalt  }
0x7b: {  	_ =	shalt  }
0x7c: {  	_ =	shalt  }
0x7d: {  	_ =	shalt  }
0x7e: {  	_ =	shalt  }
0x7f: {  	_ =	shalt  }
0x80: {  	_ =	shalt  }
0x81: {  	_ =	shalt  }
0x82: {  	_ =	shalt  }
0x83: {  	_ =	shalt  }
0x84: {  	_ =	shalt  }
0x85: {  	_ =	shalt  }
0x86: {  	_ =	shalt  }
0x87: {  	_ =	shalt  }
.Lfunc_end0:
.L_simem_size_0:
called_computation.3_lowered:
.L_overlay_start_0:
0x88: {  	s2 =	sld [smem:$0x3FD9]  }
0x89: {  	s3 =	sld [smem:$0x3FFE];
	_ =	sdelay $0x1  }
0x8a: {  	s1 =	srdreg.scid  }
0x8b: {  	s0 =	sand.u32 $0x1, s1  }
0x8c: {  	s14 =	sshll.u32 s0, $0xA;
	s2 =	sadd.s32 s3, s2  }
0x8d: {  	s2 =	sadd.s32 s2, s14  }
0x8e: {  	[smem:$0x3F9C] =	sst s2  }
0x8f: {  	_ = 	snop  }
0x90: {  	s2 =	sld [smem:$0x3FD0];
	_ =	sdelay $0x2  }
0x91: {  	s15 =	simm.s32 $0xA;
	s4 =	simm.s32 $0x10  }
0x92: {  	[smem:s4], [sflag:s15] =	dma.local [hbm:s2], $0x1  }
0x93: {  	_ =	swait.eq [sflag:s15], $0x1  }
0x94: {  	[sflag:s15] =	ssyncset.done $0x0  }
0x95: {  	s16 =	sld [smem:$0x10];
	[sflag:s15] =	ssyncadd.s32 $0xFFFFFFFF  }
0x96: {  	s17 =	sld [smem:$0x11];
	(tm) =	ssettm $0x1  }
0x97: {  	s18 =	sld [smem:$0x3FFB];
	_ =	sdelay $0x3  }
0x98: {  	_ =	strace s18  }
0x99: {  	s4 =	sld [smem:$0x3FFC];
	_ =	sdelay $0x3  }
0x9a: {  	_ =	strace s4  }
0x9b: {  	s4 =	sld [smem:$0x3FFD];
	_ =	sdelay $0x3  }
0x9c: {  	_ =	strace s4  }
0x9d: {  	_ =	strace $0x8FFFFFFF  }
0x9e: {  	s19 =	sld [smem:$0x3FDB];
	_ =	sdelay $0x1  }
0x9f: {  	s5 =	simm.s32 $_scs_section_size  }
0xa0: {  	s6 =	simm.s32 $_size__tile_overlayer_lowered;
	s7 =	simm.s32 $_tile_overlayer_lowered  }
0xa1: {  	s22 =	simm.s32 $0x1BFF;
	s21 =	sshll.u32 s7, $0x1;
	s4 =	sadd.s32 s5, s19  }
0xa2: {  	s8 =	simm.s32 $0x0;
	s20 =	sshll.u32 s6, $0x1;
	s6 =	sadd.s32 s21, s4  }
0xa3: {  	[timem:s8], [sflag:s22] =	dma.local [hbm:s6], s20  }
0xa4: {  	_ =	swait.ge [sflag:s22], s20  }
0xa5: {  	s5 =	ssub.s32 $0x0, s20;
	[sflag:s22] =	ssyncset.done $0x0  }
0xa6: {  	[sflag:s22] =	ssyncadd.s32 s5;
	_ =	sdelay $0x1  }
0xa7: {  	s23 =	simm.s32 $0x1B8B  }
0xa8: {  	_ =	swait.ge [sflag:s23], $0x1  }
0xa9: {  	[sflag:s23] =	ssyncset.done $0x0  }
0xaa: {  	s25 =	simm.s32 $0x1B8E;
	s24 =	sld [smem:$0x3FFE];
	[sflag:s23] =	ssyncadd.s32 $0xFFFFFFFF  }
0xab: {  	s26 =	simm.s32 $execute0_lowered;
	[smem:$0x3FD2] =	sst s25  }
0xac: {  	s6 =	sshll.u32 s26, $0x1;
	_ =	strace $0x8000004F;
	[dreg:$0x1] =	wrdreg $0xFFFFFFFF  }
0xad: {  	s28 =	simm.s32 $_size_execute0_lowered;
	s4 =	sadd.s32 s4, s6;
	[dreg:$0x0] =	wrdreg $0x0  }
0xae: {  	s6 =	sshll.u32 s28, $0x1;
	[dreg:$0x2] =	wrdreg s4  }
0xaf: {  	[dreg:$0x3] =	wrdreg s6  }
0xb0: {  	[dreg:$0x4] =	wrdreg $0xC0  }
0xb1: {  	_ =	task [dreg:s8], $0x5FFFF  }
0xb2: {  	[dreg:$0x1] =	wrdreg $0xFFFFFFFF  }
0xb3: {  	[dreg:$0x0] =	wrdreg $0x60  }
0xb4: {  	[dreg:$0x2] =	wrdreg s24  }
0xb5: {  	[dreg:$0x3] =	wrdreg s16  }
0xb6: {  	[dreg:$0x4] =	wrdreg s17  }
0xb7: {  	[dreg:$0x5] =	wrdreg $0x0  }
0xb8: {  	[dreg:$0x6] =	wrdreg $0x9  }
0xb9: {  	_ =	task.clear_ibuf [dreg:s8], $0x7FFFF;
	_ =	strace $0x9000004F  }
0xba: {  	s29 =	simm.s32 $0x9;
	_ =	strace $0x80000051  }
0xbb: {  	_ =	swait.ge [sflag:s29], $0x1  }
0xbc: {  	[sflag:s29] =	ssyncadd.s32 $0xFFFFFFFF  }
0xbd: {  	_ =	strace $0x90000051  }
0xbe: {  	_ =	sfence  }
0xbf: {  	s30 =	sld [smem:$0x0];
	_ =	sdelay $0x2  }
0xc0: {  	s31 =	sshll.u32 s1, $0xD;
	s1 =	sshrl.u32 s1, $0x2  }
0xc1: {  	s3 =	sand.u32 $0x4000, s31;
	s1 =	sadd.s32 s1, s30  }
0xc2: {  	s0 =	sor.u32 s3, s0;
	s1 =	sshll.u32 s1, $0x11  }
0xc3: {  	s0 =	sor.u32 s1, s0  }
0xc4: {  	s0 =	sadd.s32 $0x8F2B, s0  }
0xc5: {  	[sflag:s0] =	ssyncadd.remote.s32 $0x1  }
0xc6: {  	_ =	sfence.sel $0xFFFF  }
0xc7: {  	[dreg:$0x0] =	wrdreg $0xFFFFFFFF;
	(pc) =	sbr.abs _section_cstart, $3  }
0xc8: {  	[dreg:$0x1] =	wrdreg $0xFFFFFFFF  }
0xc9: {  	_ =	task.clear_ibuf [dreg:s8], $0x2FFFF;
	_ =	strace $0x9FFFFFFF  }
0xca: {  	(tm) =	ssettm $0x7FFFFFFF  }
0xcb: {  	_ =	shalt  }
tec
execute0_lowered:
.L_overlay_start_1:
0x0: {  	(tag) =	ssettag $0x1  }
0x1: {  	s0 =	rddreg [dreg:$0x0]  }
0x2: {  	s1 =	rddreg [dreg:$0x1]  }
0x3: {  	s2 =	srdreg.scid;
	s3 =	rddreg [dreg:$0x2]  }
0x4: {  	s14 =	stileid.u32;
	s4 =	rddreg [dreg:$0x3];
	s5 =	simm.s32 $0x0  }
0x5: {  	s28 =	simm.s32 $0x13B00;
	s29 =	simm.s32 $0x3;
	s8 =	smul.u32 $0x4F00, s14  }
0x6: {  	s30 =	simm.s32 $0x2;
	s31 =	simm.s32 $0x17B00;
	s9 =	smul.u32 $0x4F000, s14  }
0x7: {  	s2 =	sand.u32 $0x1, s2;
	[smem:$0x7FF] =	sst s5;
	s12 =	smul.u32 $0x2780, s14  }
0x8: {  	s6 =	sadd.s32 $0x8400, s0;
	s0 =	sadd.s32 $0xA4800, s0;
	s7 =	smul.u32 $0x4F000, s2  }
0x9: {  	s19 =	sadd.s32 $0x128400, s4;
	p0 =	seq.s32 s14, $0xF;
	s10 =	smul.u32 $0x27100, s2  }
0xa: {  	_ =	strace $0x80000050;
	s11 =	ssub.s32 $0x2, s2;
	s2 =	smul.u32 $0x138800, s2  }
0xb: {  	[dreg:$0x7] =	wrdreg s19;
	s13 =	sshrl.u32 s11, $0x1;
	s16 =	sshrl.u32 s9, $0x2  }
0xc: {  	s11 =	ssub.s32 s11, s13;
	s7 =	sadd.s32 s8, s7;
	s8 =	sadd.s32 s16, s4  }
0xd: {  	s17 =	sadd.s32 s12, s10;
	s2 =	sshrl.u32 s2, $0x3;
	[dreg:$0x5] =	wrdreg s8  }
0xe: {  	s18 =	sadd.s32 s6, s17;
	s2 =	sadd.s32 $0x25080, s2;
	s21 =	sshrl.u32 s7, $0x3  }
0xf: {  	s25 =	sadd.s32 $0x180, s7;
	s9 =	sadd.s32 s0, s17;
	s17 =	smax.u32 s11, $0x1  }
0x10: {  	[dreg:$0x6] =	wrdreg s18;
	s20 =	sadd.s32 s6, s2;
	s22 =	sadd.s32 s1, s21  }
0x11: {  	s23 =	sadd.s32 s3, s21;
	s8 =	sor.u32 $0x10, s21;
	[dreg:$0xd] =	wrdreg s9  }
0x12: {  	s16 =	sadd.s32 s0, s2;
	s26 =	sshrl.u32 s25, $0x3;
	[dreg:$0x8] =	wrdreg s20  }
0x13: {  	s21 =	simm.s32 $0x13900;
	s25 =	simm.s32 $0x13A80;
	[dreg:$0x9] =	wrdreg s22  }
0x14: {  	s2 =	simm.s32 $0x5;
	s0 =	simm.s32 $0x4;
	[dreg:$0xa] =	wrdreg s23  }
0x15: {  	s24 =	sadd.s32 s1, s8;
	s8 =	sadd.s32 s3, s8;
	s18 =	sadd.s32 s26, s3  }
0x16: {  	s19 =	sadd.s32 s26, s1;
	s20 =	sadd.s32 $0x100, s7;
	s22 =	simm.s32 $0x13980  }
0x17: {  	s23 =	simm.s32 $0x1;
	s26 =	simm.s32 $0x80;
	[dreg:$0xb] =	wrdreg s24  }
0x18: {  	s7 =	simm.s32 $0x0;
	[dreg:$0xc] =	wrdreg s8;
	s24 =	simm.s32 $0x13A00  }
.LBB2_1:
0x19: {  	s8 =	rddreg [dreg:$0x7]  }
0x1a: {  	s9 =	simm.s32 @p0 $0x1FC5;
	s10 =	rddreg [dreg:$0x8];
	s8 =	sshrl.u32 @p0 s8, $0x3  }
0x1b: {  	[spmem:s8], [sflag:s9] =	dma.local @p0 [hbm:s10], $0x2080  }
0x1c: {  	s9 =	simm.s32 @p0 $0x5  }
0x1d: {  	s10 =	stileid.u32;
	_ =	swait.ge @p0 [sflag:s9], $0x2080  }
0x1e: {  	s10 =	sshll.u32 @!p0 s10, $0x6;
	[sflag:s9] =	ssyncset.done @p0 $0x0  }
0x1f: {  	[sflag:s9] =	ssyncadd.s32 @p0 $0xFFFFDF80;
	s9 =	sor.u32 @!p0 $0x1C05, s10;
	s10 =	rddreg [dreg:$0x5]  }
0x20: {  	s11 =	rddreg [dreg:$0x6];
	s10 =	sshrl.u32 @!p0 s10, $0x3  }
0x21: {  	[spmem:s10], [sflag:s9] =	dma.local @!p0 [hbm:s11], $0x2780  }
0x22: {  	s11 =	simm.s32 @!p0 $0x5  }
0x23: {  	_ =	swait.ge @!p0 [sflag:s11], $0x2780  }
0x24: {  	[sflag:s11] =	ssyncset.done @!p0 $0x0  }
0x25: {  	[sflag:s11] =	ssyncadd.s32 @!p0 $0xFFFFD880  }
0x26: {  	[bflag:$0x0] =	sbarrier.arrive $0xFFFF  }
0x27: {  	s14 =	rddreg [dreg:$0x9]  }
0x28: {  	[tilespmem:s21], [sflag:$0x1] =	stream.linear.gather [hbm4b:s14+s5], $0x80, $0x38;
	[tilespmem:$0x1BB00] =	vst v63  }
0x29: {  	s15 =	rddreg [dreg:$0xa]  }
0x2a: {  	[tilespmem:s22], [sflag:$0x1] =	stream.linear.gather [hbm4b:s15+s5], $0x80, $0x38;
	[tilespmem:$0x1BB00] =	vst v63  }
0x2b: {  	_ =	swait.ge [sflag:s23], $0x80  }
0x2c: {  	[sflag:s23] =	ssyncset.done $0x0  }
0x2d: {  	[sflag:s23] =	ssyncadd.s32 $0xFFFFFF80  }
0x2e: {  	_ =	swait.ge [sflag:s23], $0x80  }
0x2f: {  	[sflag:s23] =	ssyncset.done $0x0  }
0x30: {  	s12 =	rddreg [dreg:$0xb];
	[sflag:s23] =	ssyncadd.s32 $0xFFFFFF80  }
0x31: {  	[tilespmem:s24], [sflag:$0x2] =	stream.linear.gather [hbm4b:s12+s5], $0x80, $0x38;
	[tilespmem:$0x1BB00] =	vst v63  }
0x32: {  	s13 =	rddreg [dreg:$0xc]  }
0x33: {  	[tilespmem:s25], [sflag:$0x2] =	stream.linear.gather [hbm4b:s13+s5], $0x80, $0x38;
	[tilespmem:$0x1BB00] =	vst v63  }
0x34: {  	_ = 	snop  }
0x35: {  	[tilespmem:s28], [sflag:$0x3] =	stream.indirect.gather [hbm4b:s6+s26], $0x80, s21, s26, $0xb8;
	[tilespmem:$0x1BB00] =	vst v63  }
0x36: {  	_ =	swait.ge [sflag:s29], $0x4000  }
0x37: {  	[sflag:s29] =	ssyncset.done $0x0  }
0x38: {  	[sflag:s29] =	ssyncadd.s32 $0xFFFFC000  }
0x39: {  	_ =	swait.ge [sflag:s30], $0x80  }
0x3a: {  	[sflag:s30] =	ssyncset.done $0x0  }
0x3b: {  	[sflag:s30] =	ssyncadd.s32 $0xFFFFFF80  }
0x3c: {  	_ =	swait.ge [sflag:s30], $0x80  }
0x3d: {  	[sflag:s30] =	ssyncset.done $0x0  }
0x3e: {  	[sflag:s30] =	ssyncadd.s32 $0xFFFFFF80  }
0x3f: {  	[tilespmem:s31], [sflag:$0x4] =	stream.indirect.gather [hbm4b:s6+s26], $0x80, s24, s26, $0xb8;
	[tilespmem:$0x1BB00] =	vst v63  }
0x40: {  	_ = 	snop  }
0x41: {  	[spmem:s4] =	stream.indirect.scatter.add.f32 [tilespmem:s28], [sflag:$0x5], $0x80, s22, s26, $0xb8;
	[tilespmem:$0x1BB00] =	vst v63  }
0x42: {  	_ =	swait.ge [sflag:s2], $0x4000  }
0x43: {  	s14 =	sshrl.u32 s20, $0x3;
	[sflag:s2] =	ssyncset.done $0x0  }
0x44: {  	s12 =	sadd.s32 s1, s14;
	[sflag:s2] =	ssyncadd.s32 $0xFFFFC000  }
0x45: {  	[tilespmem:s21], [sflag:$0x1] =	stream.linear.gather [hbm4b:s12+s5], $0x80, $0x38;
	[tilespmem:$0x1BB00] =	vst v63  }
0x46: {  	s11 =	sadd.s32 s3, s14  }
0x47: {  	[tilespmem:s22], [sflag:$0x1] =	stream.linear.gather [hbm4b:s11+s5], $0x80, $0x38;
	[tilespmem:$0x1BB00] =	vst v63  }
0x48: {  	_ =	swait.ge [sflag:s0], $0x4000  }
0x49: {  	[sflag:s0] =	ssyncset.done $0x0  }
0x4a: {  	[sflag:s0] =	ssyncadd.s32 $0xFFFFC000  }
0x4b: {  	_ =	swait.ge [sflag:s23], $0x80  }
0x4c: {  	[sflag:s23] =	ssyncset.done $0x0  }
0x4d: {  	[sflag:s23] =	ssyncadd.s32 $0xFFFFFF80  }
0x4e: {  	_ =	swait.ge [sflag:s23], $0x80  }
0x4f: {  	[sflag:s23] =	ssyncset.done $0x0  }
0x50: {  	[sflag:s23] =	ssyncadd.s32 $0xFFFFFF80  }
0x51: {  	[tilespmem:s28], [sflag:$0x3] =	stream.indirect.gather [hbm4b:s6+s26], $0x80, s21, s26, $0xb8;
	[tilespmem:$0x1BB00] =	vst v63  }
0x52: {  	_ = 	snop  }
0x53: {  	[spmem:s4] =	stream.indirect.scatter.add.f32 [tilespmem:s31], [sflag:$0x5], $0x80, s25, s26, $0xb8;
	[tilespmem:$0x1BB00] =	vst v63  }
0x54: {  	_ =	swait.ge [sflag:s2], $0x4000  }
0x55: {  	s15 =	sadd.s32 $0x0, s19;
	s13 =	sadd.s32 $0x0, s18;
	[sflag:s2] =	ssyncset.done $0x0  }
0x56: {  	s12 =	sadd.s32 $0x100, s20;
	s11 =	simm.s32 $0x20;
	[sflag:s2] =	ssyncadd.s32 $0xFFFFC000  }
0x57: {  	[tilespmem:s24], [sflag:$0x2] =	stream.linear.gather [hbm4b:s15+s5], $0x80, $0x38;
	[tilespmem:$0x1BB00] =	vst v63  }
.LBB2_2:
0x58: {  	[tilespmem:s25], [sflag:$0x2] =	stream.linear.gather [hbm4b:s13+s5], $0x80, $0x38;
	[tilespmem:$0x1BB00] =	vst v63  }
0x59: {  	s13 =	smov.u32 s11  }
0x5a: {  	p1 =	sne.s32 s11, $0x9A0;
	s11 =	sadd.s32 $0x20, s11;
	_ =	swait.ge [sflag:s29], $0x4000  }
0x5b: {  	[sflag:s29] =	ssyncset.done $0x0  }
0x5c: {  	[sflag:s29] =	ssyncadd.s32 $0xFFFFC000  }
0x5d: {  	_ =	swait.ge [sflag:s30], $0x80  }
0x5e: {  	[sflag:s30] =	ssyncset.done $0x0  }
0x5f: {  	[sflag:s30] =	ssyncadd.s32 $0xFFFFFF80  }
0x60: {  	_ =	swait.ge [sflag:s30], $0x80  }
0x61: {  	[sflag:s30] =	ssyncset.done $0x0  }
0x62: {  	[sflag:s30] =	ssyncadd.s32 $0xFFFFFF80  }
0x63: {  	[tilespmem:s31], [sflag:$0x4] =	stream.indirect.gather [hbm4b:s6+s26], $0x80, s24, s26, $0xb8;
	[tilespmem:$0x1BB00] =	vst v63  }
0x64: {  	_ = 	snop  }
0x65: {  	[spmem:s4] =	stream.indirect.scatter.add.f32 [tilespmem:s28], [sflag:$0x5], $0x80, s22, s26, $0xb8;
	[tilespmem:$0x1BB00] =	vst v63  }
0x66: {  	_ =	swait.ge [sflag:s2], $0x4000  }
0x67: {  	s14 =	sshrl.u32 s12, $0x3;
	[sflag:s2] =	ssyncset.done $0x0  }
0x68: {  	s15 =	sadd.s32 s1, s14;
	[sflag:s2] =	ssyncadd.s32 $0xFFFFC000  }
0x69: {  	[tilespmem:s21], [sflag:$0x1] =	stream.linear.gather [hbm4b:s15+s5], $0x80, $0x38;
	[tilespmem:$0x1BB00] =	vst v63  }
0x6a: {  	s14 =	sadd.s32 s3, s14  }
0x6b: {  	[tilespmem:s22], [sflag:$0x1] =	stream.linear.gather [hbm4b:s14+s5], $0x80, $0x38;
	[tilespmem:$0x1BB00] =	vst v63  }
0x6c: {  	_ =	swait.ge [sflag:s0], $0x4000  }
0x6d: {  	[sflag:s0] =	ssyncset.done $0x0  }
0x6e: {  	[sflag:s0] =	ssyncadd.s32 $0xFFFFC000  }
0x6f: {  	_ =	swait.ge [sflag:s23], $0x80  }
0x70: {  	[sflag:s23] =	ssyncset.done $0x0  }
0x71: {  	[sflag:s23] =	ssyncadd.s32 $0xFFFFFF80  }
0x72: {  	_ =	swait.ge [sflag:s23], $0x80  }
0x73: {  	[sflag:s23] =	ssyncset.done $0x0  }
0x74: {  	[sflag:s23] =	ssyncadd.s32 $0xFFFFFF80  }
0x75: {  	[tilespmem:s28], [sflag:$0x3] =	stream.indirect.gather [hbm4b:s6+s26], $0x80, s21, s26, $0xb8;
	[tilespmem:$0x1BB00] =	vst v63  }
0x76: {  	_ = 	snop  }
0x77: {  	[spmem:s4] =	stream.indirect.scatter.add.f32 [tilespmem:s31], [sflag:$0x5], $0x80, s25, s26, $0xb8;
	[tilespmem:$0x1BB00] =	vst v63  }
.Ltmp0:
0x78: {  	_ =	swait.ge [sflag:s2], $0x4000;
	(pc) =	sbr.rel @p1 .LBB2_2-.Ltmp0, $4  }
0x79: {  	[sflag:s2] =	ssyncset.done $0x0  }
0x7a: {  	s14 =	sadd.s32 s13, s19;
	[sflag:s2] =	ssyncadd.s32 $0xFFFFC000  }
0x7b: {  	[tilespmem:s24], [sflag:$0x2] =	stream.linear.gather [hbm4b:s14+s5], $0x80, $0x38;
	[tilespmem:$0x1BB00] =	vst v63  }
0x7c: {  	s12 =	sadd.s32 $0x100, s12;
	s13 =	sadd.s32 s13, s18  }
0x7d: {  	[tilespmem:s25], [sflag:$0x2] =	stream.linear.gather [hbm4b:s13+s5], $0x80, $0x38;
	[tilespmem:$0x1BB00] =	vst v63  }
0x7e: {  	_ =	swait.ge [sflag:s29], $0x4000  }
0x7f: {  	[sflag:s29] =	ssyncset.done $0x0  }
0x80: {  	[sflag:s29] =	ssyncadd.s32 $0xFFFFC000  }
0x81: {  	_ =	swait.ge [sflag:s30], $0x80  }
0x82: {  	[sflag:s30] =	ssyncset.done $0x0  }
0x83: {  	[sflag:s30] =	ssyncadd.s32 $0xFFFFFF80  }
0x84: {  	_ =	swait.ge [sflag:s30], $0x80  }
0x85: {  	[sflag:s30] =	ssyncset.done $0x0  }
0x86: {  	[sflag:s30] =	ssyncadd.s32 $0xFFFFFF80  }
0x87: {  	[tilespmem:s31], [sflag:$0x4] =	stream.indirect.gather [hbm4b:s6+s26], $0x80, s24, s26, $0xb8;
	[tilespmem:$0x1BB00] =	vst v63  }
0x88: {  	_ = 	snop  }
0x89: {  	[spmem:s4] =	stream.indirect.scatter.add.f32 [tilespmem:s28], [sflag:$0x5], $0x80, s22, s26, $0xb8;
	[tilespmem:$0x1BB00] =	vst v63  }
0x8a: {  	_ =	swait.ge [sflag:s2], $0x4000  }
0x8b: {  	[sflag:s2] =	ssyncset.done $0x0  }
0x8c: {  	[sflag:s2] =	ssyncadd.s32 $0xFFFFC000  }
0x8d: {  	_ =	swait.ge [sflag:s0], $0x4000  }
0x8e: {  	[sflag:s0] =	ssyncset.done $0x0  }
0x8f: {  	[sflag:s0] =	ssyncadd.s32 $0xFFFFC000  }
0x90: {  	[spmem:s4] =	stream.indirect.scatter.add.f32 [tilespmem:s31], [sflag:$0x5], $0x80, s25, s26, $0xb8;
	[tilespmem:$0x1BB00] =	vst v63  }
0x91: {  	_ =	swait.ge [sflag:s2], $0x4000  }
0x92: {  	[sflag:s2] =	ssyncset.done $0x0  }
0x93: {  	[sflag:s2] =	ssyncadd.s32 $0xFFFFC000  }
0x94: {  	s11 =	simm.s32 @p0 $0x1FC5;
	[bflag:$0x0] =	sbarrier.arrive $0xFFFF  }
0x95: {  	[hbm:s16], [sflag:s11] =	dma.local @p0 [spmem:s8], $0x2080  }
0x96: {  	s8 =	simm.s32 @p0 $0x5  }
0x97: {  	_ =	swait.ge @p0 [sflag:s8], $0x2080  }
0x98: {  	s7 =	sadd.s32 $0x1, s7;
	[sflag:s8] =	ssyncset.done @p0 $0x0  }
0x99: {  	p1 =	sne.s32 s7, s17;
	[sflag:s8] =	ssyncadd.s32 @p0 $0xFFFFDF80;
	s8 =	rddreg [dreg:$0xd]  }
0x9a: {  	[hbm:s8], [sflag:s9] =	dma.local @!p0 [spmem:s10], $0x2780  }
.Ltmp1:
0x9b: {  	_ = 	snop;
	(pc) =	sbr.rel @p1 .LBB2_1-.Ltmp1, $4  }
0x9c: {  	s8 =	simm.s32 @!p0 $0x5  }
0x9d: {  	_ =	swait.ge @!p0 [sflag:s8], $0x2780  }
0x9e: {  	[sflag:s8] =	ssyncset.done @!p0 $0x0  }
0x9f: {  	[sflag:s8] =	ssyncadd.s32 @!p0 $0xFFFFD880  }
0xa0: {  	_ =	sfence.sel $0x180000  }
0xa1: {  	[bflag:$0x0] =	sbarrier.arrive $0xFFFF  }
0xa2: {  	_ =	strace $0x90000050  }
0xa3: {  	s0 =	stileid.u32;
	[bflag:$0x2] =	sbarrier.arrive $0xFFFF  }
0xa4: {  	p0 =	sne.s32 s0, $0x0;
	s0 =	rddreg [dreg:$0x4]  }
0xa5: {  	s0 =	sadd.s32 @!p0 $0x100000, s0  }
0xa6: {  	[sflag:s0] =	ssyncadd.tile.s32 @!p0 $0x1;
	_ =	shalt  }
.Lfunc_end2:
_tile_overlayer_lowered:
.L_overlay_start_2:
0xa7: {  	(tag) =	ssettag $0x2  }
0xa8: {  	s0 =	rddreg [dreg:$0x0];
	s2 =	stileid.u32  }
0xa9: {  	s1 =	rddreg [dreg:$0x1];
	p0 =	sne.s32 s2, $0x0  }
0xaa: {  	s3 =	rddreg [dreg:$0x2];
	[bflag:$0x3] =	sbarrier.arrive $0xFFFF;
	s2 =	simm.s32 @!p0 $0x1C05  }
0xab: {  	[timem:s3], [sflag:s2] =	dma.local @!p0 [hbm:s0], s1  }
0xac: {  	s0 =	simm.s32 @!p0 $0x5  }
0xad: {  	_ =	swait.ge @!p0 [sflag:s0], s1  }
0xae: {  	s1 =	ssub.s32 @!p0 $0x0, s1;
	[sflag:s0] =	ssyncset.done @!p0 $0x0  }
0xaf: {  	[sflag:s0] =	ssyncadd.s32 @!p0 s1  }
0xb0: {  	[bflag:$0x3] =	sbarrier.arrive $0xFFFF  }
0xb1: {  	_ =	shalt  }

// kernel: kernel.26.cloned.1.call-start
scs
__scs_entry_jumppad:
0x0: {  	(pc) =	sbr.rel $0x88, $3  }
0x1: {  	(tag) =	ssettag $0x0;
	lr =	simm.s32 $0x1  }
0x2: {  	[smem:$0x3F75] =	sst lr;
	_ =	strace $0xD0000000  }
0x3: {  	_ = 	snop  }
0x4: {  	_ = 	snop  }
0x5: {  	_ = 	snop  }
0x6: {  	_ = 	snop  }
0x7: {  	_ = 	snop  }
__scs_overlays_trampoline_lowered:
0x8: {  	[smem:$0x3F84] =	sst s0  }
0x9: {  	[smem:$0x3F85] =	sst s1  }
0xa: {  	[smem:$0x3F86] =	sst s2  }
0xb: {  	[smem:$0x3F87] =	sst s3  }
0xc: {  	[smem:$0x3F88] =	sst s4  }
0xd: {  	[smem:$0x3F89] =	sst s5  }
0xe: {  	[smem:$0x3F8A] =	sst s6  }
0xf: {  	[smem:$0x3F8B] =	sst s7  }
0x10: {  	[smem:$0x3F8C] =	sst s8  }
0x11: {  	[smem:$0x3F8D] =	sst s9;
	s0 =	simm.s32 @!p0 $0x0  }
0x12: {  	s1 =	sld [smem:$0x3F73];
	s0 =	simm.s32 @p0 $0x1  }
0x13: {  	[smem:$0x3F8E] =	sst s0;
	s0 =	simm.s32 @!p1 $0x0  }
0x14: {  	s2 =	sld [smem:$0x3F72];
	s0 =	simm.s32 @p1 $0x1  }
0x15: {  	[smem:$0x3F8F] =	sst s0;
	s0 =	simm.s32 @!p2 $0x0  }
0x16: {  	s3 =	sld [smem:$0x3FDB];
	s0 =	simm.s32 @p2 $0x1  }
0x17: {  	s4 =	simm.s32 $0x1BF5;
	[smem:$0x3F91] =	sst s0  }
0x18: {  	s0 =	sld [smem:$0x3F74];
	_ =	swait.ge [sflag:s4], $0x0  }
0x19: {  	s7 =	sld [smem:$0x3F75]  }
0x1a: {  	s8 =	sadd.s32 $0xFFFFE003, lr  }
0x1b: {  	s9 =	sadd.s32 $0xFFFFFEF7, lr;
	s5 =	simm.s32 $0xFFFFFFFF;
	p2 =	slt.u32 s8, $0xFFFFF086  }
0x1c: {  	p1 =	slt.u32 s9, $0xF7A;
	s5 =	simm.s32 @!p2 $0x0  }
0x1d: {  	s5 =	simm.s32 @p1 $0x1;
	p0 =	seq.s32 s7, s2  }
0x1e: {  	s7 =	smul.u32 @!p0 $0xF7A, s2;
	p2 =	seq.s32 @!p0 s5, $0x0  }
0x1f: {  	s9 =	smul.u32 $0xF7A, s1;
	s8 =	simm.s32 @!p0 $0x1BF5;
	p2 =	por !p2, p0  }
0x20: {  	[sflag:s8] =	ssyncset.s32 @!p0 $0xFFFFF086;
	s6 =	sadd.s32 @!p0 s3, s7;
	s7 =	simm.s32 @!p0 $0x108  }
0x21: {  	s3 =	sadd.s32 s3, s9;
	s6 =	sadd.s32 @!p0 $0x88, s6;
	s7 =	simm.s32 @p2 $0x1082  }
0x22: {  	[simem:s7], [sflag:s8] =	dma.local @!p0 [hbm:s6], $0xF7A  }
0x23: {  	s9 =	sor.u32 $0xD0000000, s2;
	s6 =	simm.s32 $0x108;
	_ =	swait.ge @!p0 [sflag:s8], $0x0  }
0x24: {  	s3 =	sadd.s32 $0x88, s3;
	s6 =	simm.s32 @!p1 $0x1082;
	[sflag:s4] =	ssyncset.s32 $0xFFFFF086  }
0x25: {  	[simem:s6], [sflag:s4] =	dma.local [hbm:s3], $0xF7A  }
0x26: {  	[smem:$0x3F75] =	sst s1;
	(tag) =	ssettag s2;
	_ =	strace s9  }
0x27: {  	s1 =	sld [smem:$0x3F85]  }
0x28: {  	s2 =	sld [smem:$0x3F86]  }
0x29: {  	s4 =	sld [smem:$0x3F88]  }
0x2a: {  	p0 =	seq.s32 s5, $0x0;
	s5 =	sld [smem:$0x3F89]  }
0x2b: {  	s6 =	sld [smem:$0x3F8A]  }
0x2c: {  	s7 =	sld [smem:$0x3F8B]  }
0x2d: {  	s3 =	simm.s32 $0x108;
	s8 =	sld [smem:$0x3F8C]  }
0x2e: {  	s3 =	simm.s32 @!p0 $0x1082;
	s9 =	sld [smem:$0x3F8D]  }
0x2f: {  	lr =	sadd.s32 s0, s3;
	s0 =	sld [smem:$0x3F84]  }
0x30: {  	s3 =	sld [smem:$0x3F87]  }
0x31: {  	[smem:$0x3F90] =	sst s10  }
0x32: {  	s10 =	sld [smem:$0x3F8E];
	_ =	sdelay $0x3  }
0x33: {  	p0 =	seq.s32 s10, $0x1;
	s10 =	sld [smem:$0x3F90];
	_ =	sdelay $0x3  }
0x34: {  	[smem:$0x3F90] =	sst s10  }
0x35: {  	s10 =	sld [smem:$0x3F8F];
	_ =	sdelay $0x3  }
0x36: {  	p1 =	seq.s32 s10, $0x1;
	s10 =	sld [smem:$0x3F90];
	_ =	sdelay $0x3  }
0x37: {  	[smem:$0x3F90] =	sst s10  }
0x38: {  	s10 =	sld [smem:$0x3F91]  }
0x39: {  	_ = 	snop;
	(pc) =	sbr.ind lr, $3  }
0x3a: {  	_ = 	snop  }
0x3b: {  	_ = 	snop  }
0x3c: {  	p2 =	seq.s32 s10, $0x1;
	s10 =	sld [smem:$0x3F90]  }
0x3d: {  	_ =	shalt  }
0x3e: {  	_ =	shalt  }
0x3f: {  	_ =	shalt  }
0x40: {  	_ =	shalt  }
0x41: {  	_ =	shalt  }
0x42: {  	_ =	shalt  }
0x43: {  	_ =	shalt  }
0x44: {  	_ =	shalt  }
0x45: {  	_ =	shalt  }
0x46: {  	_ =	shalt  }
0x47: {  	_ =	shalt  }
0x48: {  	_ =	shalt  }
0x49: {  	_ =	shalt  }
0x4a: {  	_ =	shalt  }
0x4b: {  	_ =	shalt  }
0x4c: {  	_ =	shalt  }
0x4d: {  	_ =	shalt  }
0x4e: {  	_ =	shalt  }
0x4f: {  	_ =	shalt  }
0x50: {  	_ =	shalt  }
0x51: {  	_ =	shalt  }
0x52: {  	_ =	shalt  }
0x53: {  	_ =	shalt  }
0x54: {  	_ =	shalt  }
0x55: {  	_ =	shalt  }
0x56: {  	_ =	shalt  }
0x57: {  	_ =	shalt  }
0x58: {  	_ =	shalt  }
0x59: {  	_ =	shalt  }
0x5a: {  	_ =	shalt  }
0x5b: {  	_ =	shalt  }
0x5c: {  	_ =	shalt  }
0x5d: {  	_ =	shalt  }
0x5e: {  	_ =	shalt  }
0x5f: {  	_ =	shalt  }
0x60: {  	_ =	shalt  }
0x61: {  	_ =	shalt  }
0x62: {  	_ =	shalt  }
0x63: {  	_ =	shalt  }
0x64: {  	_ =	shalt  }
0x65: {  	_ =	shalt  }
0x66: {  	_ =	shalt  }
0x67: {  	_ =	shalt  }
0x68: {  	_ =	shalt  }
0x69: {  	_ =	shalt  }
0x6a: {  	_ =	shalt  }
0x6b: {  	_ =	shalt  }
0x6c: {  	_ =	shalt  }
0x6d: {  	_ =	shalt  }
0x6e: {  	_ =	shalt  }
0x6f: {  	_ =	shalt  }
0x70: {  	_ =	shalt  }
0x71: {  	_ =	shalt  }
0x72: {  	_ =	shalt  }
0x73: {  	_ =	shalt  }
0x74: {  	_ =	shalt  }
0x75: {  	_ =	shalt  }
0x76: {  	_ =	shalt  }
0x77: {  	_ =	shalt  }
0x78: {  	_ =	shalt  }
0x79: {  	_ =	shalt  }
0x7a: {  	_ =	shalt  }
0x7b: {  	_ =	shalt  }
0x7c: {  	_ =	shalt  }
0x7d: {  	_ =	shalt  }
0x7e: {  	_ =	shalt  }
0x7f: {  	_ =	shalt  }
0x80: {  	_ =	shalt  }
0x81: {  	_ =	shalt  }
0x82: {  	_ =	shalt  }
0x83: {  	_ =	shalt  }
0x84: {  	_ =	shalt  }
0x85: {  	_ =	shalt  }
0x86: {  	_ =	shalt  }
0x87: {  	_ =	shalt  }
.Lfunc_end0:
.L_simem_size_0:
called_computation.4_lowered:
.L_overlay_start_0:
0x88: {  	s2 =	sld [smem:$0x3FD9]  }
0x89: {  	s3 =	sld [smem:$0x3FFE];
	_ =	sdelay $0x1  }
0x8a: {  	s1 =	srdreg.scid  }
0x8b: {  	s0 =	sand.u32 $0x1, s1  }
0x8c: {  	s14 =	sshll.u32 s0, $0xA;
	s2 =	sadd.s32 s3, s2  }
0x8d: {  	s2 =	sadd.s32 s2, s14  }
0x8e: {  	[smem:$0x3F9C] =	sst s2  }
0x8f: {  	_ = 	snop  }
0x90: {  	s2 =	sld [smem:$0x3FD0];
	_ =	sdelay $0x2  }
0x91: {  	s15 =	simm.s32 $0xA;
	s4 =	simm.s32 $0x10  }
0x92: {  	[smem:s4], [sflag:s15] =	dma.local [hbm:s2], $0x1  }
0x93: {  	_ =	swait.eq [sflag:s15], $0x1  }
0x94: {  	[sflag:s15] =	ssyncset.done $0x0  }
0x95: {  	s16 =	sld [smem:$0x10];
	[sflag:s15] =	ssyncadd.s32 $0xFFFFFFFF  }
0x96: {  	s17 =	sld [smem:$0x11];
	(tm) =	ssettm $0x1  }
0x97: {  	s18 =	sld [smem:$0x3FFB];
	_ =	sdelay $0x3  }
0x98: {  	_ =	strace s18  }
0x99: {  	s4 =	sld [smem:$0x3FFC];
	_ =	sdelay $0x3  }
0x9a: {  	_ =	strace s4  }
0x9b: {  	s4 =	sld [smem:$0x3FFD];
	_ =	sdelay $0x3  }
0x9c: {  	_ =	strace s4  }
0x9d: {  	_ =	strace $0x8FFFFFFF  }
0x9e: {  	s19 =	sld [smem:$0x3FDB];
	_ =	sdelay $0x1  }
0x9f: {  	s5 =	simm.s32 $_scs_section_size  }
0xa0: {  	s6 =	simm.s32 $_size__tile_overlayer_lowered;
	s7 =	simm.s32 $_tile_overlayer_lowered  }
0xa1: {  	s22 =	simm.s32 $0x1BFF;
	s21 =	sshll.u32 s7, $0x1;
	s4 =	sadd.s32 s5, s19  }
0xa2: {  	s8 =	simm.s32 $0x0;
	s20 =	sshll.u32 s6, $0x1;
	s6 =	sadd.s32 s21, s4  }
0xa3: {  	[timem:s8], [sflag:s22] =	dma.local [hbm:s6], s20  }
0xa4: {  	_ =	swait.ge [sflag:s22], s20  }
0xa5: {  	s5 =	ssub.s32 $0x0, s20;
	[sflag:s22] =	ssyncset.done $0x0  }
0xa6: {  	[sflag:s22] =	ssyncadd.s32 s5;
	_ =	sdelay $0x1  }
0xa7: {  	s23 =	simm.s32 $0x1B8B  }
0xa8: {  	_ =	swait.ge [sflag:s23], $0x1  }
0xa9: {  	[sflag:s23] =	ssyncset.done $0x0  }
0xaa: {  	s25 =	simm.s32 $0x1B8E;
	s24 =	sld [smem:$0x3FFE];
	[sflag:s23] =	ssyncadd.s32 $0xFFFFFFFF  }
0xab: {  	s26 =	simm.s32 $execute0_lowered;
	[smem:$0x3FD2] =	sst s25  }
0xac: {  	s6 =	sshll.u32 s26, $0x1;
	_ =	strace $0x80000052;
	[dreg:$0x1] =	wrdreg $0xFFFFFFFF  }
0xad: {  	s28 =	simm.s32 $_size_execute0_lowered;
	s4 =	sadd.s32 s4, s6;
	[dreg:$0x0] =	wrdreg $0x0  }
0xae: {  	s6 =	sshll.u32 s28, $0x1;
	[dreg:$0x2] =	wrdreg s4  }
0xaf: {  	[dreg:$0x3] =	wrdreg s6  }
0xb0: {  	[dreg:$0x4] =	wrdreg $0xC0  }
0xb1: {  	_ =	task [dreg:s8], $0x5FFFF  }
0xb2: {  	[dreg:$0x1] =	wrdreg $0xFFFFFFFF  }
0xb3: {  	[dreg:$0x0] =	wrdreg $0x60  }
0xb4: {  	[dreg:$0x2] =	wrdreg s24  }
0xb5: {  	[dreg:$0x3] =	wrdreg s16  }
0xb6: {  	[dreg:$0x4] =	wrdreg s17  }
0xb7: {  	[dreg:$0x5] =	wrdreg $0x0  }
0xb8: {  	[dreg:$0x6] =	wrdreg $0x9  }
0xb9: {  	_ =	task.clear_ibuf [dreg:s8], $0x7FFFF;
	_ =	strace $0x90000052  }
0xba: {  	s29 =	simm.s32 $0x9;
	_ =	strace $0x80000054  }
0xbb: {  	_ =	swait.ge [sflag:s29], $0x1  }
0xbc: {  	[sflag:s29] =	ssyncadd.s32 $0xFFFFFFFF  }
0xbd: {  	_ =	strace $0x90000054  }
0xbe: {  	_ =	sfence  }
0xbf: {  	s30 =	sld [smem:$0x0];
	_ =	sdelay $0x2  }
0xc0: {  	s31 =	sshll.u32 s1, $0xD;
	s1 =	sshrl.u32 s1, $0x2  }
0xc1: {  	s3 =	sand.u32 $0x4000, s31;
	s1 =	sadd.s32 s1, s30  }
0xc2: {  	s0 =	sor.u32 s3, s0;
	s1 =	sshll.u32 s1, $0x11  }
0xc3: {  	s0 =	sor.u32 s1, s0  }
0xc4: {  	s0 =	sadd.s32 $0x8F2B, s0  }
0xc5: {  	[sflag:s0] =	ssyncadd.remote.s32 $0x1  }
0xc6: {  	_ =	sfence.sel $0xFFFF  }
0xc7: {  	[dreg:$0x0] =	wrdreg $0xFFFFFFFF;
	(pc) =	sbr.abs _section_cstart, $3  }
0xc8: {  	[dreg:$0x1] =	wrdreg $0xFFFFFFFF  }
0xc9: {  	_ =	task.clear_ibuf [dreg:s8], $0x2FFFF;
	_ =	strace $0x9FFFFFFF  }
0xca: {  	(tm) =	ssettm $0x7FFFFFFF  }
0xcb: {  	_ =	shalt  }
tec
execute0_lowered:
.L_overlay_start_1:
0x0: {  	(tag) =	ssettag $0x1  }
0x1: {  	s0 =	rddreg [dreg:$0x0]  }
0x2: {  	s1 =	rddreg [dreg:$0x1]  }
0x3: {  	s2 =	srdreg.scid;
	s3 =	rddreg [dreg:$0x2]  }
0x4: {  	s14 =	stileid.u32;
	s4 =	rddreg [dreg:$0x3];
	s5 =	simm.s32 $0x0  }
0x5: {  	s28 =	simm.s32 $0x13B00;
	s29 =	simm.s32 $0x3;
	s8 =	smul.u32 $0x4F00, s14  }
0x6: {  	s30 =	simm.s32 $0x2;
	s31 =	simm.s32 $0x17B00;
	s9 =	smul.u32 $0x4F000, s14  }
0x7: {  	s2 =	sand.u32 $0x1, s2;
	[smem:$0x7FF] =	sst s5;
	s12 =	smul.u32 $0x2780, s14  }
0x8: {  	s6 =	sadd.s32 $0x8400, s0;
	s0 =	sadd.s32 $0xA4800, s0;
	s7 =	smul.u32 $0x4F000, s2  }
0x9: {  	s19 =	sadd.s32 $0x128400, s4;
	p0 =	seq.s32 s14, $0xF;
	s10 =	smul.u32 $0x27100, s2  }
0xa: {  	_ =	strace $0x80000053;
	s11 =	ssub.s32 $0x2, s2;
	s2 =	smul.u32 $0x138800, s2  }
0xb: {  	[dreg:$0x7] =	wrdreg s19;
	s13 =	sshrl.u32 s11, $0x1;
	s16 =	sshrl.u32 s9, $0x2  }
0xc: {  	s11 =	ssub.s32 s11, s13;
	s7 =	sadd.s32 s8, s7;
	s8 =	sadd.s32 s16, s4  }
0xd: {  	s17 =	sadd.s32 s12, s10;
	s2 =	sshrl.u32 s2, $0x3;
	[dreg:$0x5] =	wrdreg s8  }
0xe: {  	s18 =	sadd.s32 s6, s17;
	s2 =	sadd.s32 $0x25080, s2;
	s21 =	sshrl.u32 s7, $0x3  }
0xf: {  	s25 =	sadd.s32 $0x180, s7;
	s9 =	sadd.s32 s0, s17;
	s17 =	smax.u32 s11, $0x1  }
0x10: {  	[dreg:$0x6] =	wrdreg s18;
	s20 =	sadd.s32 s6, s2;
	s22 =	sadd.s32 s1, s21  }
0x11: {  	s23 =	sadd.s32 s3, s21;
	s8 =	sor.u32 $0x10, s21;
	[dreg:$0xd] =	wrdreg s9  }
0x12: {  	s16 =	sadd.s32 s0, s2;
	s26 =	sshrl.u32 s25, $0x3;
	[dreg:$0x8] =	wrdreg s20  }
0x13: {  	s21 =	simm.s32 $0x13900;
	s25 =	simm.s32 $0x13A80;
	[dreg:$0x9] =	wrdreg s22  }
0x14: {  	s2 =	simm.s32 $0x5;
	s0 =	simm.s32 $0x4;
	[dreg:$0xa] =	wrdreg s23  }
0x15: {  	s24 =	sadd.s32 s1, s8;
	s8 =	sadd.s32 s3, s8;
	s18 =	sadd.s32 s26, s3  }
0x16: {  	s19 =	sadd.s32 s26, s1;
	s20 =	sadd.s32 $0x100, s7;
	s22 =	simm.s32 $0x13980  }
0x17: {  	s23 =	simm.s32 $0x1;
	s26 =	simm.s32 $0x80;
	[dreg:$0xb] =	wrdreg s24  }
0x18: {  	s7 =	simm.s32 $0x0;
	[dreg:$0xc] =	wrdreg s8;
	s24 =	simm.s32 $0x13A00  }
.LBB2_1:
0x19: {  	s8 =	rddreg [dreg:$0x7]  }
0x1a: {  	s9 =	simm.s32 @p0 $0x1FC5;
	s10 =	rddreg [dreg:$0x8];
	s8 =	sshrl.u32 @p0 s8, $0x3  }
0x1b: {  	[spmem:s8], [sflag:s9] =	dma.local @p0 [hbm:s10], $0x2080  }
0x1c: {  	s9 =	simm.s32 @p0 $0x5  }
0x1d: {  	s10 =	stileid.u32;
	_ =	swait.ge @p0 [sflag:s9], $0x2080  }
0x1e: {  	s10 =	sshll.u32 @!p0 s10, $0x6;
	[sflag:s9] =	ssyncset.done @p0 $0x0  }
0x1f: {  	[sflag:s9] =	ssyncadd.s32 @p0 $0xFFFFDF80;
	s9 =	sor.u32 @!p0 $0x1C05, s10;
	s10 =	rddreg [dreg:$0x5]  }
0x20: {  	s11 =	rddreg [dreg:$0x6];
	s10 =	sshrl.u32 @!p0 s10, $0x3  }
0x21: {  	[spmem:s10], [sflag:s9] =	dma.local @!p0 [hbm:s11], $0x2780  }
0x22: {  	s11 =	simm.s32 @!p0 $0x5  }
0x23: {  	_ =	swait.ge @!p0 [sflag:s11], $0x2780  }
0x24: {  	[sflag:s11] =	ssyncset.done @!p0 $0x0  }
0x25: {  	[sflag:s11] =	ssyncadd.s32 @!p0 $0xFFFFD880  }
0x26: {  	[bflag:$0x0] =	sbarrier.arrive $0xFFFF  }
0x27: {  	s14 =	rddreg [dreg:$0x9]  }
0x28: {  	[tilespmem:s21], [sflag:$0x1] =	stream.linear.gather [hbm4b:s14+s5], $0x80, $0x38;
	[tilespmem:$0x1BB00] =	vst v63  }
0x29: {  	s15 =	rddreg [dreg:$0xa]  }
0x2a: {  	[tilespmem:s22], [sflag:$0x1] =	stream.linear.gather [hbm4b:s15+s5], $0x80, $0x38;
	[tilespmem:$0x1BB00] =	vst v63  }
0x2b: {  	_ =	swait.ge [sflag:s23], $0x80  }
0x2c: {  	[sflag:s23] =	ssyncset.done $0x0  }
0x2d: {  	[sflag:s23] =	ssyncadd.s32 $0xFFFFFF80  }
0x2e: {  	_ =	swait.ge [sflag:s23], $0x80  }
0x2f: {  	[sflag:s23] =	ssyncset.done $0x0  }
0x30: {  	s12 =	rddreg [dreg:$0xb];
	[sflag:s23] =	ssyncadd.s32 $0xFFFFFF80  }
0x31: {  	[tilespmem:s24], [sflag:$0x2] =	stream.linear.gather [hbm4b:s12+s5], $0x80, $0x38;
	[tilespmem:$0x1BB00] =	vst v63  }
0x32: {  	s13 =	rddreg [dreg:$0xc]  }
0x33: {  	[tilespmem:s25], [sflag:$0x2] =	stream.linear.gather [hbm4b:s13+s5], $0x80, $0x38;
	[tilespmem:$0x1BB00] =	vst v63  }
0x34: {  	_ = 	snop  }
0x35: {  	[tilespmem:s28], [sflag:$0x3] =	stream.indirect.gather [hbm4b:s6+s26], $0x80, s21, s26, $0xb8;
	[tilespmem:$0x1BB00] =	vst v63  }
0x36: {  	_ =	swait.ge [sflag:s29], $0x4000  }
0x37: {  	[sflag:s29] =	ssyncset.done $0x0  }
0x38: {  	[sflag:s29] =	ssyncadd.s32 $0xFFFFC000  }
0x39: {  	_ =	swait.ge [sflag:s30], $0x80  }
0x3a: {  	[sflag:s30] =	ssyncset.done $0x0  }
0x3b: {  	[sflag:s30] =	ssyncadd.s32 $0xFFFFFF80  }
0x3c: {  	_ =	swait.ge [sflag:s30], $0x80  }
0x3d: {  	[sflag:s30] =	ssyncset.done $0x0  }
0x3e: {  	[sflag:s30] =	ssyncadd.s32 $0xFFFFFF80  }
0x3f: {  	[tilespmem:s31], [sflag:$0x4] =	stream.indirect.gather [hbm4b:s6+s26], $0x80, s24, s26, $0xb8;
	[tilespmem:$0x1BB00] =	vst v63  }
0x40: {  	_ = 	snop  }
0x41: {  	[spmem:s4] =	stream.indirect.scatter.add.f32 [tilespmem:s28], [sflag:$0x5], $0x80, s22, s26, $0xb8;
	[tilespmem:$0x1BB00] =	vst v63  }
0x42: {  	_ =	swait.ge [sflag:s2], $0x4000  }
0x43: {  	s14 =	sshrl.u32 s20, $0x3;
	[sflag:s2] =	ssyncset.done $0x0  }
0x44: {  	s12 =	sadd.s32 s1, s14;
	[sflag:s2] =	ssyncadd.s32 $0xFFFFC000  }
0x45: {  	[tilespmem:s21], [sflag:$0x1] =	stream.linear.gather [hbm4b:s12+s5], $0x80, $0x38;
	[tilespmem:$0x1BB00] =	vst v63  }
0x46: {  	s11 =	sadd.s32 s3, s14  }
0x47: {  	[tilespmem:s22], [sflag:$0x1] =	stream.linear.gather [hbm4b:s11+s5], $0x80, $0x38;
	[tilespmem:$0x1BB00] =	vst v63  }
0x48: {  	_ =	swait.ge [sflag:s0], $0x4000  }
0x49: {  	[sflag:s0] =	ssyncset.done $0x0  }
0x4a: {  	[sflag:s0] =	ssyncadd.s32 $0xFFFFC000  }
0x4b: {  	_ =	swait.ge [sflag:s23], $0x80  }
0x4c: {  	[sflag:s23] =	ssyncset.done $0x0  }
0x4d: {  	[sflag:s23] =	ssyncadd.s32 $0xFFFFFF80  }
0x4e: {  	_ =	swait.ge [sflag:s23], $0x80  }
0x4f: {  	[sflag:s23] =	ssyncset.done $0x0  }
0x50: {  	[sflag:s23] =	ssyncadd.s32 $0xFFFFFF80  }
0x51: {  	[tilespmem:s28], [sflag:$0x3] =	stream.indirect.gather [hbm4b:s6+s26], $0x80, s21, s26, $0xb8;
	[tilespmem:$0x1BB00] =	vst v63  }
0x52: {  	_ = 	snop  }
0x53: {  	[spmem:s4] =	stream.indirect.scatter.add.f32 [tilespmem:s31], [sflag:$0x5], $0x80, s25, s26, $0xb8;
	[tilespmem:$0x1BB00] =	vst v63  }
0x54: {  	_ =	swait.ge [sflag:s2], $0x4000  }
0x55: {  	s15 =	sadd.s32 $0x0, s19;
	s13 =	sadd.s32 $0x0, s18;
	[sflag:s2] =	ssyncset.done $0x0  }
0x56: {  	s12 =	sadd.s32 $0x100, s20;
	s11 =	simm.s32 $0x20;
	[sflag:s2] =	ssyncadd.s32 $0xFFFFC000  }
0x57: {  	[tilespmem:s24], [sflag:$0x2] =	stream.linear.gather [hbm4b:s15+s5], $0x80, $0x38;
	[tilespmem:$0x1BB00] =	vst v63  }
.LBB2_2:
0x58: {  	[tilespmem:s25], [sflag:$0x2] =	stream.linear.gather [hbm4b:s13+s5], $0x80, $0x38;
	[tilespmem:$0x1BB00] =	vst v63  }
0x59: {  	s13 =	smov.u32 s11  }
0x5a: {  	p1 =	sne.s32 s11, $0x9A0;
	s11 =	sadd.s32 $0x20, s11;
	_ =	swait.ge [sflag:s29], $0x4000  }
0x5b: {  	[sflag:s29] =	ssyncset.done $0x0  }
0x5c: {  	[sflag:s29] =	ssyncadd.s32 $0xFFFFC000  }
0x5d: {  	_ =	swait.ge [sflag:s30], $0x80  }
0x5e: {  	[sflag:s30] =	ssyncset.done $0x0  }
0x5f: {  	[sflag:s30] =	ssyncadd.s32 $0xFFFFFF80  }
0x60: {  	_ =	swait.ge [sflag:s30], $0x80  }
0x61: {  	[sflag:s30] =	ssyncset.done $0x0  }
0x62: {  	[sflag:s30] =	ssyncadd.s32 $0xFFFFFF80  }
0x63: {  	[tilespmem:s31], [sflag:$0x4] =	stream.indirect.gather [hbm4b:s6+s26], $0x80, s24, s26, $0xb8;
	[tilespmem:$0x1BB00] =	vst v63  }
0x64: {  	_ = 	snop  }
0x65: {  	[spmem:s4] =	stream.indirect.scatter.add.f32 [tilespmem:s28], [sflag:$0x5], $0x80, s22, s26, $0xb8;
	[tilespmem:$0x1BB00] =	vst v63  }
0x66: {  	_ =	swait.ge [sflag:s2], $0x4000  }
0x67: {  	s14 =	sshrl.u32 s12, $0x3;
	[sflag:s2] =	ssyncset.done $0x0  }
0x68: {  	s15 =	sadd.s32 s1, s14;
	[sflag:s2] =	ssyncadd.s32 $0xFFFFC000  }
0x69: {  	[tilespmem:s21], [sflag:$0x1] =	stream.linear.gather [hbm4b:s15+s5], $0x80, $0x38;
	[tilespmem:$0x1BB00] =	vst v63  }
0x6a: {  	s14 =	sadd.s32 s3, s14  }
0x6b: {  	[tilespmem:s22], [sflag:$0x1] =	stream.linear.gather [hbm4b:s14+s5], $0x80, $0x38;
	[tilespmem:$0x1BB00] =	vst v63  }
0x6c: {  	_ =	swait.ge [sflag:s0], $0x4000  }
0x6d: {  	[sflag:s0] =	ssyncset.done $0x0  }
0x6e: {  	[sflag:s0] =	ssyncadd.s32 $0xFFFFC000  }
0x6f: {  	_ =	swait.ge [sflag:s23], $0x80  }
0x70: {  	[sflag:s23] =	ssyncset.done $0x0  }
0x71: {  	[sflag:s23] =	ssyncadd.s32 $0xFFFFFF80  }
0x72: {  	_ =	swait.ge [sflag:s23], $0x80  }
0x73: {  	[sflag:s23] =	ssyncset.done $0x0  }
0x74: {  	[sflag:s23] =	ssyncadd.s32 $0xFFFFFF80  }
0x75: {  	[tilespmem:s28], [sflag:$0x3] =	stream.indirect.gather [hbm4b:s6+s26], $0x80, s21, s26, $0xb8;
	[tilespmem:$0x1BB00] =	vst v63  }
0x76: {  	_ = 	snop  }
0x77: {  	[spmem:s4] =	stream.indirect.scatter.add.f32 [tilespmem:s31], [sflag:$0x5], $0x80, s25, s26, $0xb8;
	[tilespmem:$0x1BB00] =	vst v63  }
.Ltmp0:
0x78: {  	_ =	swait.ge [sflag:s2], $0x4000;
	(pc) =	sbr.rel @p1 .LBB2_2-.Ltmp0, $4  }
0x79: {  	[sflag:s2] =	ssyncset.done $0x0  }
0x7a: {  	s14 =	sadd.s32 s13, s19;
	[sflag:s2] =	ssyncadd.s32 $0xFFFFC000  }
0x7b: {  	[tilespmem:s24], [sflag:$0x2] =	stream.linear.gather [hbm4b:s14+s5], $0x80, $0x38;
	[tilespmem:$0x1BB00] =	vst v63  }
0x7c: {  	s12 =	sadd.s32 $0x100, s12;
	s13 =	sadd.s32 s13, s18  }
0x7d: {  	[tilespmem:s25], [sflag:$0x2] =	stream.linear.gather [hbm4b:s13+s5], $0x80, $0x38;
	[tilespmem:$0x1BB00] =	vst v63  }
0x7e: {  	_ =	swait.ge [sflag:s29], $0x4000  }
0x7f: {  	[sflag:s29] =	ssyncset.done $0x0  }
0x80: {  	[sflag:s29] =	ssyncadd.s32 $0xFFFFC000  }
0x81: {  	_ =	swait.ge [sflag:s30], $0x80  }
0x82: {  	[sflag:s30] =	ssyncset.done $0x0  }
0x83: {  	[sflag:s30] =	ssyncadd.s32 $0xFFFFFF80  }
0x84: {  	_ =	swait.ge [sflag:s30], $0x80  }
0x85: {  	[sflag:s30] =	ssyncset.done $0x0  }
0x86: {  	[sflag:s30] =	ssyncadd.s32 $0xFFFFFF80  }
0x87: {  	[tilespmem:s31], [sflag:$0x4] =	stream.indirect.gather [hbm4b:s6+s26], $0x80, s24, s26, $0xb8;
	[tilespmem:$0x1BB00] =	vst v63  }
0x88: {  	_ = 	snop  }
0x89: {  	[spmem:s4] =	stream.indirect.scatter.add.f32 [tilespmem:s28], [sflag:$0x5], $0x80, s22, s26, $0xb8;
	[tilespmem:$0x1BB00] =	vst v63  }
0x8a: {  	_ =	swait.ge [sflag:s2], $0x4000  }
0x8b: {  	[sflag:s2] =	ssyncset.done $0x0  }
0x8c: {  	[sflag:s2] =	ssyncadd.s32 $0xFFFFC000  }
0x8d: {  	_ =	swait.ge [sflag:s0], $0x4000  }
0x8e: {  	[sflag:s0] =	ssyncset.done $0x0  }
0x8f: {  	[sflag:s0] =	ssyncadd.s32 $0xFFFFC000  }
0x90: {  	[spmem:s4] =	stream.indirect.scatter.add.f32 [tilespmem:s31], [sflag:$0x5], $0x80, s25, s26, $0xb8;
	[tilespmem:$0x1BB00] =	vst v63  }
0x91: {  	_ =	swait.ge [sflag:s2], $0x4000  }
0x92: {  	[sflag:s2] =	ssyncset.done $0x0  }
0x93: {  	[sflag:s2] =	ssyncadd.s32 $0xFFFFC000  }
0x94: {  	s11 =	simm.s32 @p0 $0x1FC5;
	[bflag:$0x0] =	sbarrier.arrive $0xFFFF  }
0x95: {  	[hbm:s16], [sflag:s11] =	dma.local @p0 [spmem:s8], $0x2080  }
0x96: {  	s8 =	simm.s32 @p0 $0x5  }
0x97: {  	_ =	swait.ge @p0 [sflag:s8], $0x2080  }
0x98: {  	s7 =	sadd.s32 $0x1, s7;
	[sflag:s8] =	ssyncset.done @p0 $0x0  }
0x99: {  	p1 =	sne.s32 s7, s17;
	[sflag:s8] =	ssyncadd.s32 @p0 $0xFFFFDF80;
	s8 =	rddreg [dreg:$0xd]  }
0x9a: {  	[hbm:s8], [sflag:s9] =	dma.local @!p0 [spmem:s10], $0x2780  }
.Ltmp1:
0x9b: {  	_ = 	snop;
	(pc) =	sbr.rel @p1 .LBB2_1-.Ltmp1, $4  }
0x9c: {  	s8 =	simm.s32 @!p0 $0x5  }
0x9d: {  	_ =	swait.ge @!p0 [sflag:s8], $0x2780  }
0x9e: {  	[sflag:s8] =	ssyncset.done @!p0 $0x0  }
0x9f: {  	[sflag:s8] =	ssyncadd.s32 @!p0 $0xFFFFD880  }
0xa0: {  	_ =	sfence.sel $0x180000  }
0xa1: {  	[bflag:$0x0] =	sbarrier.arrive $0xFFFF  }
0xa2: {  	_ =	strace $0x90000053  }
0xa3: {  	s0 =	stileid.u32;
	[bflag:$0x2] =	sbarrier.arrive $0xFFFF  }
0xa4: {  	p0 =	sne.s32 s0, $0x0;
	s0 =	rddreg [dreg:$0x4]  }
0xa5: {  	s0 =	sadd.s32 @!p0 $0x100000, s0  }
0xa6: {  	[sflag:s0] =	ssyncadd.tile.s32 @!p0 $0x1;
	_ =	shalt  }
.Lfunc_end2:
_tile_overlayer_lowered:
.L_overlay_start_2:
0xa7: {  	(tag) =	ssettag $0x2  }
0xa8: {  	s0 =	rddreg [dreg:$0x0];
	s2 =	stileid.u32  }
0xa9: {  	s1 =	rddreg [dreg:$0x1];
	p0 =	sne.s32 s2, $0x0  }
0xaa: {  	s3 =	rddreg [dreg:$0x2];
	[bflag:$0x3] =	sbarrier.arrive $0xFFFF;
	s2 =	simm.s32 @!p0 $0x1C05  }
0xab: {  	[timem:s3], [sflag:s2] =	dma.local @!p0 [hbm:s0], s1  }
0xac: {  	s0 =	simm.s32 @!p0 $0x5  }
0xad: {  	_ =	swait.ge @!p0 [sflag:s0], s1  }
0xae: {  	s1 =	ssub.s32 @!p0 $0x0, s1;
	[sflag:s0] =	ssyncset.done @!p0 $0x0  }
0xaf: {  	[sflag:s0] =	ssyncadd.s32 @!p0 s1  }
0xb0: {  	[bflag:$0x3] =	sbarrier.arrive $0xFFFF  }
0xb1: {  	_ =	shalt  }

</sc_bundles>
